<compile_context>
chip_gen: v7x
topology: tpu7x:2x2x1
jax: 0.10.2.dev20260603
libtpu: 0.0.44.dev20260713+nightly
codegen_flags: <defaults>
</compile_context>

<pallas_src>
import functools

import jax
import jax.numpy as jnp
from jax import lax
from jax.experimental import pallas as pl
from jax.experimental.pallas import tpu as pltpu
from jax.experimental.pallas import tpu_sc as plsc

B = 1024
K = 200
V = 100000
N = B * K

_NUM_CORES = 2
_NUM_SUBCORES = 16
NW = _NUM_CORES * _NUM_SUBCORES
PER_W = N // NW
LANES = 16
CHUNK = 128
N_CHUNKS = PER_W // CHUNK
GROUPS = ((0, 2), (2, 4), (6, 8), (14, 12), (26, 12), (38, 12))
SPLIT_G = 3
SPLIT = 14


@functools.partial(
    pl.kernel,
    out_type=jax.ShapeDtypeStruct((N,), jnp.float32),
    mesh=plsc.VectorSubcoreMesh(core_axis_name="c", subcore_axis_name="s"),
    scratch_types=[
        pltpu.VMEM((PER_W,), jnp.int32),
        pltpu.VMEM((PER_W,), jnp.float32),
        pltpu.SemaphoreType.DMA,
        pltpu.SemaphoreType.DMA,
        pltpu.SemaphoreType.DMA,
    ],
)
def _sc_gather(scores_hbm, cids_hbm, out_hbm, idx_v, out_v, sem, in_sem, out_sem):
    wid = lax.axis_index("s") * _NUM_CORES + lax.axis_index("c")
    base = pl.multiple_of(wid * PER_W, PER_W)

    n1 = SPLIT * CHUNK
    in1 = pltpu.make_async_copy(
        cids_hbm.at[pl.ds(base, n1)], idx_v.at[pl.ds(0, n1)], in_sem)
    in2 = pltpu.make_async_copy(
        cids_hbm.at[pl.ds(base + n1, PER_W - n1)],
        idx_v.at[pl.ds(n1, PER_W - n1)], in_sem)
    in1.start()
    in2.start()

    lane = lax.iota(jnp.int32, LANES)

    def to_addr(c):
        for j in range(CHUNK // LANES):
            t = c * (CHUNK // LANES) + j
            sl = pl.ds(t * LANES, LANES)
            p0 = base + t * LANES
            v = idx_v[sl]
            idx_v[sl] = (
                ((v >> 3) << 13)
                + ((v & 7) << 7)
                + ((p0 & 0x1C00) + (p0 & 127) + lane)
            )

    def chunk_copy(c):
        o = pl.multiple_of(c * CHUNK, CHUNK)
        return pltpu.make_async_copy(
            scores_hbm.at[idx_v.at[pl.ds(o, CHUNK)]],
            out_v.at[pl.ds(o, CHUNK)],
            sem,
        )

    def span_copy(c0, nc):
        o = pl.multiple_of(c0 * CHUNK, 8)
        n = nc * CHUNK
        return pltpu.make_async_copy(
            scores_hbm.at[idx_v.at[pl.ds(o, n)]],
            out_v.at[pl.ds(o, n)],
            sem,
        )

    def out_copy(c0, nc):
        o = pl.multiple_of(c0 * CHUNK, 8)
        n = nc * CHUNK
        return pltpu.make_async_copy(
            out_v.at[pl.ds(o, n)],
            out_hbm.at[pl.ds(base + o, n)],
            out_sem,
        )

    def addr_span(c0, nc):
        def q_body(c, carry):
            to_addr(c)
            return carry

        lax.fori_loop(c0, c0 + nc, q_body, 0)

    gathers = []
    in1.wait()
    for c0, nc in GROUPS[:SPLIT_G]:
        addr_span(c0, nc)
        g = span_copy(c0, nc)
        g.start()
        gathers.append((c0, nc, g))
    in2.wait()
    for c0, nc in GROUPS[SPLIT_G:]:
        addr_span(c0, nc)
        g = span_copy(c0, nc)
        g.start()
        gathers.append((c0, nc, g))
    outs = []
    for c0, nc, g in gathers:
        g.wait()
        o = out_copy(c0, nc)
        o.start()
        outs.append(o)
    for o in outs:
        o.wait()


def kernel(scores, candidate_ids):
    s_flat = (
        jnp.squeeze(scores, axis=1).T
        .reshape(V // 8, 8, B // 128, 128)
        .transpose(0, 2, 1, 3)
        .reshape(-1)
    )
    c_flat = (
        candidate_ids.T
        .reshape(K // 8, 8, B // 128, 128)
        .transpose(0, 2, 1, 3)
        .reshape(-1)
    )
    out_flat = _sc_gather(s_flat, c_flat)
    return (
        out_flat
        .reshape(K // 8, B // 128, 8, 128)
        .transpose(0, 2, 1, 3)
        .reshape(K, B)
        .T
    )

# --- scband reference (transcript-rebuilt; emitter-appended) ---
"""Pipeline reference for scband-gather-encoder-79774722556326 (READ-ONLY COPY).

The authoritative reference and input builder live on the scoring server;
editing this copy changes nothing except your own understanding.
"""

import jax, jax.numpy as jnp
import numpy as np

def setup_inputs(seed: int = 0) -> dict:
    key = jax.random.key(seed)
    k1, k2 = jax.random.split(key)
    scores = jax.random.normal(k1, (1024, 1, 100000), dtype=jnp.float32)
    candidate_ids = jax.random.randint(k2, (1024, 200), 0, 100000, dtype=jnp.int64 if jax.config.jax_enable_x64 else jnp.int32)
    return {"scores": scores, "candidate_ids": candidate_ids}

def reference(scores, candidate_ids):
    # last_values = inputs[prefix].squeeze(1)
    last_values = jnp.squeeze(scores, axis=1)  # [B, V]
    # candidate_ids reshaped to (B, -1)
    cids = jnp.reshape(candidate_ids, (last_values.shape[0], -1))  # [B, K]
    # gather along dim=1: out[b, k] = last_values[b, cids[b, k]]
    candidate_scores = jnp.take_along_axis(last_values, cids, axis=1)
    return candidate_scores

if __name__ == "__main__":
    import jax
    _d = setup_inputs()
    print(jax.jit(kernel)(*tuple(_d.values())))

</pallas_src>

<mosaic_0001>
#map = affine_map<(d0, d1) -> (0)>
module attributes {stable_mosaic.version = 14 : i64} {
  func.func @_sc_gather(%arg0: i32, %arg1: i32, %arg2: memref<102400000xf32, #tpu.memory_space<hbm>>, %arg3: memref<204800xi32, #tpu.memory_space<hbm>>, %arg4: memref<204800xf32, #tpu.memory_space<hbm>>, %arg5: memref<6400xi32, #tpu.memory_space<vmem>>, %arg6: memref<6400xf32, #tpu.memory_space<vmem>>, %arg7: memref<!tpu.dma_semaphore, #tpu.memory_space<semaphore_mem>>, %arg8: memref<!tpu.dma_semaphore, #tpu.memory_space<semaphore_mem>>, %arg9: memref<!tpu.dma_semaphore, #tpu.memory_space<semaphore_mem>>) attributes {dimension_semantics = [#tpu.dimension_semantics<core_parallel>, #tpu.dimension_semantics<subcore_parallel>], iteration_bounds = array<i64: 2, 16>, scalar_prefetch = 0 : i64, scratch_operands = 5 : i64, tpu.core_type = #tpu.core_type<sc_vector_subcore>, window_params = [{transform_indices = #map}, {transform_indices = #map}, {transform_indices = #map}]} {
    %mul3A = arith.constant 2 : i32
    %mul3A_0 = arith.muli %arg1, %mul3A : i32
    %add3A = arith.addi %mul3A_0, %arg0 : i32
    %mul3A_1 = arith.constant 6400 : i32
    %mul3A_2 = arith.muli %add3A, %mul3A_1 : i32
    %multiple_of3A = tpu.assume_multiple %mul3A_2, 6400 : i32
    %add3A_3 = arith.constant 1792 : i32
    %add3A_4 = arith.addi %multiple_of3A, %add3A_3 : i32
    %dma_start3A = arith.constant 0 : i32
    %dma_start3A_5 = tpu.memref_slice %arg5[%dma_start3A] : memref<6400xi32, #tpu.memory_space<vmem>> -> memref<1792xi32, #tpu.memory_space<vmem>>
    %dma_start3A_6 = tpu.memref_slice %arg3[%multiple_of3A] : memref<204800xi32, #tpu.memory_space<hbm>> -> memref<1792xi32, #tpu.memory_space<hbm>>
    %dma_start3A_7 = arith.constant 0 : i32
    %dma_start3A_8 = tpu.memref_slice %arg5[%dma_start3A_7] : memref<6400xi32, #tpu.memory_space<vmem>> -> memref<1792xi32, #tpu.memory_space<vmem>>
    %dma_start3A_9 = tpu.memref_slice %arg3[%multiple_of3A] : memref<204800xi32, #tpu.memory_space<hbm>> -> memref<1792xi32, #tpu.memory_space<hbm>>
    tpu.enqueue_dma source(%dma_start3A_9 : memref<1792xi32, #tpu.memory_space<hbm>>) target(%dma_start3A_8 : memref<1792xi32, #tpu.memory_space<vmem>>) target_semaphore(%arg8 : memref<!tpu.dma_semaphore, #tpu.memory_space<semaphore_mem>>)
    %dma_start3A_10 = arith.constant 1792 : i32
    %dma_start3A_11 = tpu.memref_slice %arg5[%dma_start3A_10] : memref<6400xi32, #tpu.memory_space<vmem>> -> memref<4608xi32, #tpu.memory_space<vmem>>
    %dma_start3A_12 = tpu.memref_slice %arg3[%add3A_4] : memref<204800xi32, #tpu.memory_space<hbm>> -> memref<4608xi32, #tpu.memory_space<hbm>>
    %dma_start3A_13 = arith.constant 1792 : i32
    %dma_start3A_14 = tpu.memref_slice %arg5[%dma_start3A_13] : memref<6400xi32, #tpu.memory_space<vmem>> -> memref<4608xi32, #tpu.memory_space<vmem>>
    %dma_start3A_15 = tpu.memref_slice %arg3[%add3A_4] : memref<204800xi32, #tpu.memory_space<hbm>> -> memref<4608xi32, #tpu.memory_space<hbm>>
    tpu.enqueue_dma source(%dma_start3A_15 : memref<4608xi32, #tpu.memory_space<hbm>>) target(%dma_start3A_14 : memref<4608xi32, #tpu.memory_space<vmem>>) target_semaphore(%arg8 : memref<!tpu.dma_semaphore, #tpu.memory_space<semaphore_mem>>)
    %iota3A = tpu.iota {dimensions = array<i32: 0>} : vector<16xi32>
    %dma_wait3A = arith.constant 0 : i32
    %dma_wait3A_16 = tpu.memref_slice %arg5[%dma_wait3A] : memref<6400xi32, #tpu.memory_space<vmem>> -> memref<1792xi32, #tpu.memory_space<vmem>>
    %dma_wait3A_17 = tpu.memref_slice %arg3[%multiple_of3A] : memref<204800xi32, #tpu.memory_space<hbm>> -> memref<1792xi32, #tpu.memory_space<hbm>>
    %dma_wait3A_18 = arith.constant 0 : i32
    %dma_wait3A_19 = tpu.memref_slice %arg5[%dma_wait3A_18] : memref<6400xi32, #tpu.memory_space<vmem>> -> memref<1792xi32, #tpu.memory_space<vmem>>
    %dma_wait3A_20 = tpu.memref_slice %arg3[%multiple_of3A] : memref<204800xi32, #tpu.memory_space<hbm>> -> memref<1792xi32, #tpu.memory_space<hbm>>
    tpu.wait_dma2 semaphore(%arg8 : memref<!tpu.dma_semaphore, #tpu.memory_space<semaphore_mem>>) src(%dma_wait3A_20 : memref<1792xi32, #tpu.memory_space<hbm>>) dst(%dma_wait3A_19 : memref<1792xi32, #tpu.memory_space<vmem>>)
    %scan3A = arith.constant 0 : i32
    %scan3A_21 = arith.constant 0 : i32
    %scan3A_22 = arith.constant 2 : i32
    %scan3A_23 = arith.addi %scan3A_21, %scan3A_22 : i32
    %scan3A_24 = arith.constant 1 : i32
    scf.for %scan3A_188 = %scan3A_21 to %scan3A_23 step %scan3A_24  : i32 {
      %mul3A_189 = arith.constant 8 : i32
      %mul3A_190 = arith.muli %scan3A_188, %mul3A_189 : i32
      %add3A_191 = arith.constant 0 : i32
      %add3A_192 = arith.addi %mul3A_190, %add3A_191 : i32
      %mul3A_193 = arith.constant 16 : i32
      %mul3A_194 = arith.muli %add3A_192, %mul3A_193 : i32
      %mul3A_195 = arith.constant 16 : i32
      %mul3A_196 = arith.muli %add3A_192, %mul3A_195 : i32
      %add3A_197 = arith.addi %multiple_of3A, %mul3A_196 : i32
      %get3A = arith.index_cast %mul3A_194 : i32 to index
      %get3A_198 = tpu.vector_load %arg5[%get3A] {strides = array<i32>} : memref<6400xi32, #tpu.memory_space<vmem>>, vector<16xi32>,
      %get3A_199 = vector.shape_cast %get3A_198 : vector<16xi32> to vector<16xi32>
      %shift_right_arithmetic3A = arith.constant 3 : i32
      %shift_right_arithmetic3A_200 = vector.broadcast %shift_right_arithmetic3A : i32 to vector<16xi32>
      %shift_right_arithmetic3A_201 = arith.shrsi %get3A_199, %shift_right_arithmetic3A_200 : vector<16xi32>
      %shift_left3A = arith.constant 13 : i32
      %shift_left3A_202 = vector.broadcast %shift_left3A : i32 to vector<16xi32>
      %shift_left3A_203 = arith.shli %shift_right_arithmetic3A_201, %shift_left3A_202 : vector<16xi32>
      %and3A = arith.constant 7 : i32
      %and3A_204 = vector.broadcast %and3A : i32 to vector<16xi32>
      %and3A_205 = arith.andi %get3A_199, %and3A_204 : vector<16xi32>
      %shift_left3A_206 = arith.constant 7 : i32
      %shift_left3A_207 = vector.broadcast %shift_left3A_206 : i32 to vector<16xi32>
      %shift_left3A_208 = arith.shli %and3A_205, %shift_left3A_207 : vector<16xi32>
      %add3A_209 = arith.addi %shift_left3A_203, %shift_left3A_208 : vector<16xi32>
      %and3A_210 = arith.constant 7168 : i32
      %and3A_211 = arith.andi %add3A_197, %and3A_210 : i32
      %and3A_212 = arith.constant 127 : i32
      %and3A_213 = arith.andi %add3A_197, %and3A_212 : i32
      %add3A_214 = arith.addi %and3A_211, %and3A_213 : i32
      %add3A_215 = vector.broadcast %add3A_214 : i32 to vector<16xi32>
      %add3A_216 = arith.addi %add3A_215, %iota3A : vector<16xi32>
      %add3A_217 = arith.addi %add3A_209, %add3A_216 : vector<16xi32>
      %swap3A = arith.index_cast %mul3A_194 : i32 to index
      %swap3A_218 = tpu.vector_load %arg5[%swap3A] {strides = array<i32>} : memref<6400xi32, #tpu.memory_space<vmem>>, vector<16xi32>,
      %swap3A_219 = vector.shape_cast %swap3A_218 : vector<16xi32> to vector<16xi32>
      %swap3A_220 = vector.shape_cast %add3A_217 : vector<16xi32> to vector<16xi32>
      tpu.vector_store %arg5[%swap3A], %swap3A_220 {strides = array<i32>} : memref<6400xi32, #tpu.memory_space<vmem>>, vector<16xi32>,
      %mul3A_221 = arith.constant 8 : i32
      %mul3A_222 = arith.muli %scan3A_188, %mul3A_221 : i32
      %add3A_223 = arith.constant 1 : i32
      %add3A_224 = arith.addi %mul3A_222, %add3A_223 : i32
      %mul3A_225 = arith.constant 16 : i32
      %mul3A_226 = arith.muli %add3A_224, %mul3A_225 : i32
      %mul3A_227 = arith.constant 16 : i32
      %mul3A_228 = arith.muli %add3A_224, %mul3A_227 : i32
      %add3A_229 = arith.addi %multiple_of3A, %mul3A_228 : i32
      %get3A_230 = arith.index_cast %mul3A_226 : i32 to index
      %get3A_231 = tpu.vector_load %arg5[%get3A_230] {strides = array<i32>} : memref<6400xi32, #tpu.memory_space<vmem>>, vector<16xi32>,
      %get3A_232 = vector.shape_cast %get3A_231 : vector<16xi32> to vector<16xi32>
      %shift_right_arithmetic3A_233 = arith.constant 3 : i32
      %shift_right_arithmetic3A_234 = vector.broadcast %shift_right_arithmetic3A_233 : i32 to vector<16xi32>
      %shift_right_arithmetic3A_235 = arith.shrsi %get3A_232, %shift_right_arithmetic3A_234 : vector<16xi32>
      %shift_left3A_236 = arith.constant 13 : i32
      %shift_left3A_237 = vector.broadcast %shift_left3A_236 : i32 to vector<16xi32>
      %shift_left3A_238 = arith.shli %shift_right_arithmetic3A_235, %shift_left3A_237 : vector<16xi32>
      %and3A_239 = arith.constant 7 : i32
      %and3A_240 = vector.broadcast %and3A_239 : i32 to vector<16xi32>
      %and3A_241 = arith.andi %get3A_232, %and3A_240 : vector<16xi32>
      %shift_left3A_242 = arith.constant 7 : i32
      %shift_left3A_243 = vector.broadcast %shift_left3A_242 : i32 to vector<16xi32>
      %shift_left3A_244 = arith.shli %and3A_241, %shift_left3A_243 : vector<16xi32>
      %add3A_245 = arith.addi %shift_left3A_238, %shift_left3A_244 : vector<16xi32>
      %and3A_246 = arith.constant 7168 : i32
      %and3A_247 = arith.andi %add3A_229, %and3A_246 : i32
      %and3A_248 = arith.constant 127 : i32
      %and3A_249 = arith.andi %add3A_229, %and3A_248 : i32
      %add3A_250 = arith.addi %and3A_247, %and3A_249 : i32
      %add3A_251 = vector.broadcast %add3A_250 : i32 to vector<16xi32>
      %add3A_252 = arith.addi %add3A_251, %iota3A : vector<16xi32>
      %add3A_253 = arith.addi %add3A_245, %add3A_252 : vector<16xi32>
      %swap3A_254 = arith.index_cast %mul3A_226 : i32 to index
      %swap3A_255 = tpu.vector_load %arg5[%swap3A_254] {strides = array<i32>} : memref<6400xi32, #tpu.memory_space<vmem>>, vector<16xi32>,
      %swap3A_256 = vector.shape_cast %swap3A_255 : vector<16xi32> to vector<16xi32>
      %swap3A_257 = vector.shape_cast %add3A_253 : vector<16xi32> to vector<16xi32>
      tpu.vector_store %arg5[%swap3A_254], %swap3A_257 {strides = array<i32>} : memref<6400xi32, #tpu.memory_space<vmem>>, vector<16xi32>,
      %mul3A_258 = arith.constant 8 : i32
      %mul3A_259 = arith.muli %scan3A_188, %mul3A_258 : i32
      %add3A_260 = arith.constant 2 : i32
      %add3A_261 = arith.addi %mul3A_259, %add3A_260 : i32
      %mul3A_262 = arith.constant 16 : i32
      %mul3A_263 = arith.muli %add3A_261, %mul3A_262 : i32
      %mul3A_264 = arith.constant 16 : i32
      %mul3A_265 = arith.muli %add3A_261, %mul3A_264 : i32
      %add3A_266 = arith.addi %multiple_of3A, %mul3A_265 : i32
      %get3A_267 = arith.index_cast %mul3A_263 : i32 to index
      %get3A_268 = tpu.vector_load %arg5[%get3A_267] {strides = array<i32>} : memref<6400xi32, #tpu.memory_space<vmem>>, vector<16xi32>,
      %get3A_269 = vector.shape_cast %get3A_268 : vector<16xi32> to vector<16xi32>
      %shift_right_arithmetic3A_270 = arith.constant 3 : i32
      %shift_right_arithmetic3A_271 = vector.broadcast %shift_right_arithmetic3A_270 : i32 to vector<16xi32>
      %shift_right_arithmetic3A_272 = arith.shrsi %get3A_269, %shift_right_arithmetic3A_271 : vector<16xi32>
      %shift_left3A_273 = arith.constant 13 : i32
      %shift_left3A_274 = vector.broadcast %shift_left3A_273 : i32 to vector<16xi32>
      %shift_left3A_275 = arith.shli %shift_right_arithmetic3A_272, %shift_left3A_274 : vector<16xi32>
      %and3A_276 = arith.constant 7 : i32
      %and3A_277 = vector.broadcast %and3A_276 : i32 to vector<16xi32>
      %and3A_278 = arith.andi %get3A_269, %and3A_277 : vector<16xi32>
      %shift_left3A_279 = arith.constant 7 : i32
      %shift_left3A_280 = vector.broadcast %shift_left3A_279 : i32 to vector<16xi32>
      %shift_left3A_281 = arith.shli %and3A_278, %shift_left3A_280 : vector<16xi32>
      %add3A_282 = arith.addi %shift_left3A_275, %shift_left3A_281 : vector<16xi32>
      %and3A_283 = arith.constant 7168 : i32
      %and3A_284 = arith.andi %add3A_266, %and3A_283 : i32
      %and3A_285 = arith.constant 127 : i32
      %and3A_286 = arith.andi %add3A_266, %and3A_285 : i32
      %add3A_287 = arith.addi %and3A_284, %and3A_286 : i32
      %add3A_288 = vector.broadcast %add3A_287 : i32 to vector<16xi32>
      %add3A_289 = arith.addi %add3A_288, %iota3A : vector<16xi32>
      %add3A_290 = arith.addi %add3A_282, %add3A_289 : vector<16xi32>
      %swap3A_291 = arith.index_cast %mul3A_263 : i32 to index
      %swap3A_292 = tpu.vector_load %arg5[%swap3A_291] {strides = array<i32>} : memref<6400xi32, #tpu.memory_space<vmem>>, vector<16xi32>,
      %swap3A_293 = vector.shape_cast %swap3A_292 : vector<16xi32> to vector<16xi32>
      %swap3A_294 = vector.shape_cast %add3A_290 : vector<16xi32> to vector<16xi32>
      tpu.vector_store %arg5[%swap3A_291], %swap3A_294 {strides = array<i32>} : memref<6400xi32, #tpu.memory_space<vmem>>, vector<16xi32>,
      %mul3A_295 = arith.constant 8 : i32
      %mul3A_296 = arith.muli %scan3A_188, %mul3A_295 : i32
      %add3A_297 = arith.constant 3 : i32
      %add3A_298 = arith.addi %mul3A_296, %add3A_297 : i32
      %mul3A_299 = arith.constant 16 : i32
      %mul3A_300 = arith.muli %add3A_298, %mul3A_299 : i32
      %mul3A_301 = arith.constant 16 : i32
      %mul3A_302 = arith.muli %add3A_298, %mul3A_301 : i32
      %add3A_303 = arith.addi %multiple_of3A, %mul3A_302 : i32
      %get3A_304 = arith.index_cast %mul3A_300 : i32 to index
      %get3A_305 = tpu.vector_load %arg5[%get3A_304] {strides = array<i32>} : memref<6400xi32, #tpu.memory_space<vmem>>, vector<16xi32>,
      %get3A_306 = vector.shape_cast %get3A_305 : vector<16xi32> to vector<16xi32>
      %shift_right_arithmetic3A_307 = arith.constant 3 : i32
      %shift_right_arithmetic3A_308 = vector.broadcast %shift_right_arithmetic3A_307 : i32 to vector<16xi32>
      %shift_right_arithmetic3A_309 = arith.shrsi %get3A_306, %shift_right_arithmetic3A_308 : vector<16xi32>
      %shift_left3A_310 = arith.constant 13 : i32
      %shift_left3A_311 = vector.broadcast %shift_left3A_310 : i32 to vector<16xi32>
      %shift_left3A_312 = arith.shli %shift_right_arithmetic3A_309, %shift_left3A_311 : vector<16xi32>
      %and3A_313 = arith.constant 7 : i32
      %and3A_314 = vector.broadcast %and3A_313 : i32 to vector<16xi32>
      %and3A_315 = arith.andi %get3A_306, %and3A_314 : vector<16xi32>
      %shift_left3A_316 = arith.constant 7 : i32
      %shift_left3A_317 = vector.broadcast %shift_left3A_316 : i32 to vector<16xi32>
      %shift_left3A_318 = arith.shli %and3A_315, %shift_left3A_317 : vector<16xi32>
      %add3A_319 = arith.addi %shift_left3A_312, %shift_left3A_318 : vector<16xi32>
      %and3A_320 = arith.constant 7168 : i32
      %and3A_321 = arith.andi %add3A_303, %and3A_320 : i32
      %and3A_322 = arith.constant 127 : i32
      %and3A_323 = arith.andi %add3A_303, %and3A_322 : i32
      %add3A_324 = arith.addi %and3A_321, %and3A_323 : i32
      %add3A_325 = vector.broadcast %add3A_324 : i32 to vector<16xi32>
      %add3A_326 = arith.addi %add3A_325, %iota3A : vector<16xi32>
      %add3A_327 = arith.addi %add3A_319, %add3A_326 : vector<16xi32>
      %swap3A_328 = arith.index_cast %mul3A_300 : i32 to index
      %swap3A_329 = tpu.vector_load %arg5[%swap3A_328] {strides = array<i32>} : memref<6400xi32, #tpu.memory_space<vmem>>, vector<16xi32>,
      %swap3A_330 = vector.shape_cast %swap3A_329 : vector<16xi32> to vector<16xi32>
      %swap3A_331 = vector.shape_cast %add3A_327 : vector<16xi32> to vector<16xi32>
      tpu.vector_store %arg5[%swap3A_328], %swap3A_331 {strides = array<i32>} : memref<6400xi32, #tpu.memory_space<vmem>>, vector<16xi32>,
      %mul3A_332 = arith.constant 8 : i32
      %mul3A_333 = arith.muli %scan3A_188, %mul3A_332 : i32
      %add3A_334 = arith.constant 4 : i32
      %add3A_335 = arith.addi %mul3A_333, %add3A_334 : i32
      %mul3A_336 = arith.constant 16 : i32
      %mul3A_337 = arith.muli %add3A_335, %mul3A_336 : i32
      %mul3A_338 = arith.constant 16 : i32
      %mul3A_339 = arith.muli %add3A_335, %mul3A_338 : i32
      %add3A_340 = arith.addi %multiple_of3A, %mul3A_339 : i32
      %get3A_341 = arith.index_cast %mul3A_337 : i32 to index
      %get3A_342 = tpu.vector_load %arg5[%get3A_341] {strides = array<i32>} : memref<6400xi32, #tpu.memory_space<vmem>>, vector<16xi32>,
      %get3A_343 = vector.shape_cast %get3A_342 : vector<16xi32> to vector<16xi32>
      %shift_right_arithmetic3A_344 = arith.constant 3 : i32
      %shift_right_arithmetic3A_345 = vector.broadcast %shift_right_arithmetic3A_344 : i32 to vector<16xi32>
      %shift_right_arithmetic3A_346 = arith.shrsi %get3A_343, %shift_right_arithmetic3A_345 : vector<16xi32>
      %shift_left3A_347 = arith.constant 13 : i32
      %shift_left3A_348 = vector.broadcast %shift_left3A_347 : i32 to vector<16xi32>
      %shift_left3A_349 = arith.shli %shift_right_arithmetic3A_346, %shift_left3A_348 : vector<16xi32>
      %and3A_350 = arith.constant 7 : i32
      %and3A_351 = vector.broadcast %and3A_350 : i32 to vector<16xi32>
      %and3A_352 = arith.andi %get3A_343, %and3A_351 : vector<16xi32>
      %shift_left3A_353 = arith.constant 7 : i32
      %shift_left3A_354 = vector.broadcast %shift_left3A_353 : i32 to vector<16xi32>
      %shift_left3A_355 = arith.shli %and3A_352, %shift_left3A_354 : vector<16xi32>
      %add3A_356 = arith.addi %shift_left3A_349, %shift_left3A_355 : vector<16xi32>
      %and3A_357 = arith.constant 7168 : i32
      %and3A_358 = arith.andi %add3A_340, %and3A_357 : i32
      %and3A_359 = arith.constant 127 : i32
      %and3A_360 = arith.andi %add3A_340, %and3A_359 : i32
      %add3A_361 = arith.addi %and3A_358, %and3A_360 : i32
      %add3A_362 = vector.broadcast %add3A_361 : i32 to vector<16xi32>
      %add3A_363 = arith.addi %add3A_362, %iota3A : vector<16xi32>
      %add3A_364 = arith.addi %add3A_356, %add3A_363 : vector<16xi32>
      %swap3A_365 = arith.index_cast %mul3A_337 : i32 to index
      %swap3A_366 = tpu.vector_load %arg5[%swap3A_365] {strides = array<i32>} : memref<6400xi32, #tpu.memory_space<vmem>>, vector<16xi32>,
      %swap3A_367 = vector.shape_cast %swap3A_366 : vector<16xi32> to vector<16xi32>
      %swap3A_368 = vector.shape_cast %add3A_364 : vector<16xi32> to vector<16xi32>
      tpu.vector_store %arg5[%swap3A_365], %swap3A_368 {strides = array<i32>} : memref<6400xi32, #tpu.memory_space<vmem>>, vector<16xi32>,
      %mul3A_369 = arith.constant 8 : i32
      %mul3A_370 = arith.muli %scan3A_188, %mul3A_369 : i32
      %add3A_371 = arith.constant 5 : i32
      %add3A_372 = arith.addi %mul3A_370, %add3A_371 : i32
      %mul3A_373 = arith.constant 16 : i32
      %mul3A_374 = arith.muli %add3A_372, %mul3A_373 : i32
      %mul3A_375 = arith.constant 16 : i32
      %mul3A_376 = arith.muli %add3A_372, %mul3A_375 : i32
      %add3A_377 = arith.addi %multiple_of3A, %mul3A_376 : i32
      %get3A_378 = arith.index_cast %mul3A_374 : i32 to index
      %get3A_379 = tpu.vector_load %arg5[%get3A_378] {strides = array<i32>} : memref<6400xi32, #tpu.memory_space<vmem>>, vector<16xi32>,
      %get3A_380 = vector.shape_cast %get3A_379 : vector<16xi32> to vector<16xi32>
      %shift_right_arithmetic3A_381 = arith.constant 3 : i32
      %shift_right_arithmetic3A_382 = vector.broadcast %shift_right_arithmetic3A_381 : i32 to vector<16xi32>
      %shift_right_arithmetic3A_383 = arith.shrsi %get3A_380, %shift_right_arithmetic3A_382 : vector<16xi32>
      %shift_left3A_384 = arith.constant 13 : i32
      %shift_left3A_385 = vector.broadcast %shift_left3A_384 : i32 to vector<16xi32>
      %shift_left3A_386 = arith.shli %shift_right_arithmetic3A_383, %shift_left3A_385 : vector<16xi32>
      %and3A_387 = arith.constant 7 : i32
      %and3A_388 = vector.broadcast %and3A_387 : i32 to vector<16xi32>
      %and3A_389 = arith.andi %get3A_380, %and3A_388 : vector<16xi32>
      %shift_left3A_390 = arith.constant 7 : i32
      %shift_left3A_391 = vector.broadcast %shift_left3A_390 : i32 to vector<16xi32>
      %shift_left3A_392 = arith.shli %and3A_389, %shift_left3A_391 : vector<16xi32>
      %add3A_393 = arith.addi %shift_left3A_386, %shift_left3A_392 : vector<16xi32>
      %and3A_394 = arith.constant 7168 : i32
      %and3A_395 = arith.andi %add3A_377, %and3A_394 : i32
      %and3A_396 = arith.constant 127 : i32
      %and3A_397 = arith.andi %add3A_377, %and3A_396 : i32
      %add3A_398 = arith.addi %and3A_395, %and3A_397 : i32
      %add3A_399 = vector.broadcast %add3A_398 : i32 to vector<16xi32>
      %add3A_400 = arith.addi %add3A_399, %iota3A : vector<16xi32>
      %add3A_401 = arith.addi %add3A_393, %add3A_400 : vector<16xi32>
      %swap3A_402 = arith.index_cast %mul3A_374 : i32 to index
      %swap3A_403 = tpu.vector_load %arg5[%swap3A_402] {strides = array<i32>} : memref<6400xi32, #tpu.memory_space<vmem>>, vector<16xi32>,
      %swap3A_404 = vector.shape_cast %swap3A_403 : vector<16xi32> to vector<16xi32>
      %swap3A_405 = vector.shape_cast %add3A_401 : vector<16xi32> to vector<16xi32>
      tpu.vector_store %arg5[%swap3A_402], %swap3A_405 {strides = array<i32>} : memref<6400xi32, #tpu.memory_space<vmem>>, vector<16xi32>,
      %mul3A_406 = arith.constant 8 : i32
      %mul3A_407 = arith.muli %scan3A_188, %mul3A_406 : i32
      %add3A_408 = arith.constant 6 : i32
      %add3A_409 = arith.addi %mul3A_407, %add3A_408 : i32
      %mul3A_410 = arith.constant 16 : i32
      %mul3A_411 = arith.muli %add3A_409, %mul3A_410 : i32
      %mul3A_412 = arith.constant 16 : i32
      %mul3A_413 = arith.muli %add3A_409, %mul3A_412 : i32
      %add3A_414 = arith.addi %multiple_of3A, %mul3A_413 : i32
      %get3A_415 = arith.index_cast %mul3A_411 : i32 to index
      %get3A_416 = tpu.vector_load %arg5[%get3A_415] {strides = array<i32>} : memref<6400xi32, #tpu.memory_space<vmem>>, vector<16xi32>,
      %get3A_417 = vector.shape_cast %get3A_416 : vector<16xi32> to vector<16xi32>
      %shift_right_arithmetic3A_418 = arith.constant 3 : i32
      %shift_right_arithmetic3A_419 = vector.broadcast %shift_right_arithmetic3A_418 : i32 to vector<16xi32>
      %shift_right_arithmetic3A_420 = arith.shrsi %get3A_417, %shift_right_arithmetic3A_419 : vector<16xi32>
      %shift_left3A_421 = arith.constant 13 : i32
      %shift_left3A_422 = vector.broadcast %shift_left3A_421 : i32 to vector<16xi32>
      %shift_left3A_423 = arith.shli %shift_right_arithmetic3A_420, %shift_left3A_422 : vector<16xi32>
      %and3A_424 = arith.constant 7 : i32
      %and3A_425 = vector.broadcast %and3A_424 : i32 to vector<16xi32>
      %and3A_426 = arith.andi %get3A_417, %and3A_425 : vector<16xi32>
      %shift_left3A_427 = arith.constant 7 : i32
      %shift_left3A_428 = vector.broadcast %shift_left3A_427 : i32 to vector<16xi32>
      %shift_left3A_429 = arith.shli %and3A_426, %shift_left3A_428 : vector<16xi32>
      %add3A_430 = arith.addi %shift_left3A_423, %shift_left3A_429 : vector<16xi32>
      %and3A_431 = arith.constant 7168 : i32
      %and3A_432 = arith.andi %add3A_414, %and3A_431 : i32
      %and3A_433 = arith.constant 127 : i32
      %and3A_434 = arith.andi %add3A_414, %and3A_433 : i32
      %add3A_435 = arith.addi %and3A_432, %and3A_434 : i32
      %add3A_436 = vector.broadcast %add3A_435 : i32 to vector<16xi32>
      %add3A_437 = arith.addi %add3A_436, %iota3A : vector<16xi32>
      %add3A_438 = arith.addi %add3A_430, %add3A_437 : vector<16xi32>
      %swap3A_439 = arith.index_cast %mul3A_411 : i32 to index
      %swap3A_440 = tpu.vector_load %arg5[%swap3A_439] {strides = array<i32>} : memref<6400xi32, #tpu.memory_space<vmem>>, vector<16xi32>,
      %swap3A_441 = vector.shape_cast %swap3A_440 : vector<16xi32> to vector<16xi32>
      %swap3A_442 = vector.shape_cast %add3A_438 : vector<16xi32> to vector<16xi32>
      tpu.vector_store %arg5[%swap3A_439], %swap3A_442 {strides = array<i32>} : memref<6400xi32, #tpu.memory_space<vmem>>, vector<16xi32>,
      %mul3A_443 = arith.constant 8 : i32
      %mul3A_444 = arith.muli %scan3A_188, %mul3A_443 : i32
      %add3A_445 = arith.constant 7 : i32
      %add3A_446 = arith.addi %mul3A_444, %add3A_445 : i32
      %mul3A_447 = arith.constant 16 : i32
      %mul3A_448 = arith.muli %add3A_446, %mul3A_447 : i32
      %mul3A_449 = arith.constant 16 : i32
      %mul3A_450 = arith.muli %add3A_446, %mul3A_449 : i32
      %add3A_451 = arith.addi %multiple_of3A, %mul3A_450 : i32
      %get3A_452 = arith.index_cast %mul3A_448 : i32 to index
      %get3A_453 = tpu.vector_load %arg5[%get3A_452] {strides = array<i32>} : memref<6400xi32, #tpu.memory_space<vmem>>, vector<16xi32>,
      %get3A_454 = vector.shape_cast %get3A_453 : vector<16xi32> to vector<16xi32>
      %shift_right_arithmetic3A_455 = arith.constant 3 : i32
      %shift_right_arithmetic3A_456 = vector.broadcast %shift_right_arithmetic3A_455 : i32 to vector<16xi32>
      %shift_right_arithmetic3A_457 = arith.shrsi %get3A_454, %shift_right_arithmetic3A_456 : vector<16xi32>
      %shift_left3A_458 = arith.constant 13 : i32
      %shift_left3A_459 = vector.broadcast %shift_left3A_458 : i32 to vector<16xi32>
      %shift_left3A_460 = arith.shli %shift_right_arithmetic3A_457, %shift_left3A_459 : vector<16xi32>
      %and3A_461 = arith.constant 7 : i32
      %and3A_462 = vector.broadcast %and3A_461 : i32 to vector<16xi32>
      %and3A_463 = arith.andi %get3A_454, %and3A_462 : vector<16xi32>
      %shift_left3A_464 = arith.constant 7 : i32
      %shift_left3A_465 = vector.broadcast %shift_left3A_464 : i32 to vector<16xi32>
      %shift_left3A_466 = arith.shli %and3A_463, %shift_left3A_465 : vector<16xi32>
      %add3A_467 = arith.addi %shift_left3A_460, %shift_left3A_466 : vector<16xi32>
      %and3A_468 = arith.constant 7168 : i32
      %and3A_469 = arith.andi %add3A_451, %and3A_468 : i32
      %and3A_470 = arith.constant 127 : i32
      %and3A_471 = arith.andi %add3A_451, %and3A_470 : i32
      %add3A_472 = arith.addi %and3A_469, %and3A_471 : i32
      %add3A_473 = vector.broadcast %add3A_472 : i32 to vector<16xi32>
      %add3A_474 = arith.addi %add3A_473, %iota3A : vector<16xi32>
      %add3A_475 = arith.addi %add3A_467, %add3A_474 : vector<16xi32>
      %swap3A_476 = arith.index_cast %mul3A_448 : i32 to index
      %swap3A_477 = tpu.vector_load %arg5[%swap3A_476] {strides = array<i32>} : memref<6400xi32, #tpu.memory_space<vmem>>, vector<16xi32>,
      %swap3A_478 = vector.shape_cast %swap3A_477 : vector<16xi32> to vector<16xi32>
      %swap3A_479 = vector.shape_cast %add3A_475 : vector<16xi32> to vector<16xi32>
      tpu.vector_store %arg5[%swap3A_476], %swap3A_479 {strides = array<i32>} : memref<6400xi32, #tpu.memory_space<vmem>>, vector<16xi32>,
    }
    %scan3A_25 = arith.constant 2 : i32
    %multiple_of3A_26 = arith.constant 0 : i32
    %multiple_of3A_27 = tpu.assume_multiple %multiple_of3A_26, 8 : i32
    %dma_start3A_28 = tpu.memref_slice %arg6[%multiple_of3A_27] : memref<6400xf32, #tpu.memory_space<vmem>> -> memref<256xf32, #tpu.memory_space<vmem>>
    %dma_start3A_29 = tpu.memref_slice %arg5[%multiple_of3A_27] : memref<6400xi32, #tpu.memory_space<vmem>> -> memref<256xi32, #tpu.memory_space<vmem>>
    %dma_start3A_30 = arith.constant 0 : i32
    %dma_start3A_31 = tpu.memref_slice %arg2[%dma_start3A_30] : memref<102400000xf32, #tpu.memory_space<hbm>> -> memref<102400000xf32, #tpu.memory_space<hbm>>
    tpu.enqueue_indirect_dma source(%dma_start3A_31 : memref<102400000xf32, #tpu.memory_space<hbm>>) target(%dma_start3A_28 : memref<256xf32, #tpu.memory_space<vmem>>) offsets(%dma_start3A_29 : memref<256xi32, #tpu.memory_space<vmem>>) semaphore(%arg7 : memref<!tpu.dma_semaphore, #tpu.memory_space<semaphore_mem>>)
    %scan3A_32 = arith.constant 0 : i32
    %scan3A_33 = arith.constant 2 : i32
    %scan3A_34 = arith.constant 4 : i32
    %scan3A_35 = arith.addi %scan3A_33, %scan3A_34 : i32
    %scan3A_36 = arith.constant 1 : i32
    scf.for %scan3A_188 = %scan3A_33 to %scan3A_35 step %scan3A_36  : i32 {
      %mul3A_189 = arith.constant 8 : i32
      %mul3A_190 = arith.muli %scan3A_188, %mul3A_189 : i32
      %add3A_191 = arith.constant 0 : i32
      %add3A_192 = arith.addi %mul3A_190, %add3A_191 : i32
      %mul3A_193 = arith.constant 16 : i32
      %mul3A_194 = arith.muli %add3A_192, %mul3A_193 : i32
      %mul3A_195 = arith.constant 16 : i32
      %mul3A_196 = arith.muli %add3A_192, %mul3A_195 : i32
      %add3A_197 = arith.addi %multiple_of3A, %mul3A_196 : i32
      %get3A = arith.index_cast %mul3A_194 : i32 to index
      %get3A_198 = tpu.vector_load %arg5[%get3A] {strides = array<i32>} : memref<6400xi32, #tpu.memory_space<vmem>>, vector<16xi32>,
      %get3A_199 = vector.shape_cast %get3A_198 : vector<16xi32> to vector<16xi32>
      %shift_right_arithmetic3A = arith.constant 3 : i32
      %shift_right_arithmetic3A_200 = vector.broadcast %shift_right_arithmetic3A : i32 to vector<16xi32>
      %shift_right_arithmetic3A_201 = arith.shrsi %get3A_199, %shift_right_arithmetic3A_200 : vector<16xi32>
      %shift_left3A = arith.constant 13 : i32
      %shift_left3A_202 = vector.broadcast %shift_left3A : i32 to vector<16xi32>
      %shift_left3A_203 = arith.shli %shift_right_arithmetic3A_201, %shift_left3A_202 : vector<16xi32>
      %and3A = arith.constant 7 : i32
      %and3A_204 = vector.broadcast %and3A : i32 to vector<16xi32>
      %and3A_205 = arith.andi %get3A_199, %and3A_204 : vector<16xi32>
      %shift_left3A_206 = arith.constant 7 : i32
      %shift_left3A_207 = vector.broadcast %shift_left3A_206 : i32 to vector<16xi32>
      %shift_left3A_208 = arith.shli %and3A_205, %shift_left3A_207 : vector<16xi32>
      %add3A_209 = arith.addi %shift_left3A_203, %shift_left3A_208 : vector<16xi32>
      %and3A_210 = arith.constant 7168 : i32
      %and3A_211 = arith.andi %add3A_197, %and3A_210 : i32
      %and3A_212 = arith.constant 127 : i32
      %and3A_213 = arith.andi %add3A_197, %and3A_212 : i32
      %add3A_214 = arith.addi %and3A_211, %and3A_213 : i32
      %add3A_215 = vector.broadcast %add3A_214 : i32 to vector<16xi32>
      %add3A_216 = arith.addi %add3A_215, %iota3A : vector<16xi32>
      %add3A_217 = arith.addi %add3A_209, %add3A_216 : vector<16xi32>
      %swap3A = arith.index_cast %mul3A_194 : i32 to index
      %swap3A_218 = tpu.vector_load %arg5[%swap3A] {strides = array<i32>} : memref<6400xi32, #tpu.memory_space<vmem>>, vector<16xi32>,
      %swap3A_219 = vector.shape_cast %swap3A_218 : vector<16xi32> to vector<16xi32>
      %swap3A_220 = vector.shape_cast %add3A_217 : vector<16xi32> to vector<16xi32>
      tpu.vector_store %arg5[%swap3A], %swap3A_220 {strides = array<i32>} : memref<6400xi32, #tpu.memory_space<vmem>>, vector<16xi32>,
      %mul3A_221 = arith.constant 8 : i32
      %mul3A_222 = arith.muli %scan3A_188, %mul3A_221 : i32
      %add3A_223 = arith.constant 1 : i32
      %add3A_224 = arith.addi %mul3A_222, %add3A_223 : i32
      %mul3A_225 = arith.constant 16 : i32
      %mul3A_226 = arith.muli %add3A_224, %mul3A_225 : i32
      %mul3A_227 = arith.constant 16 : i32
      %mul3A_228 = arith.muli %add3A_224, %mul3A_227 : i32
      %add3A_229 = arith.addi %multiple_of3A, %mul3A_228 : i32
      %get3A_230 = arith.index_cast %mul3A_226 : i32 to index
      %get3A_231 = tpu.vector_load %arg5[%get3A_230] {strides = array<i32>} : memref<6400xi32, #tpu.memory_space<vmem>>, vector<16xi32>,
      %get3A_232 = vector.shape_cast %get3A_231 : vector<16xi32> to vector<16xi32>
      %shift_right_arithmetic3A_233 = arith.constant 3 : i32
      %shift_right_arithmetic3A_234 = vector.broadcast %shift_right_arithmetic3A_233 : i32 to vector<16xi32>
      %shift_right_arithmetic3A_235 = arith.shrsi %get3A_232, %shift_right_arithmetic3A_234 : vector<16xi32>
      %shift_left3A_236 = arith.constant 13 : i32
      %shift_left3A_237 = vector.broadcast %shift_left3A_236 : i32 to vector<16xi32>
      %shift_left3A_238 = arith.shli %shift_right_arithmetic3A_235, %shift_left3A_237 : vector<16xi32>
      %and3A_239 = arith.constant 7 : i32
      %and3A_240 = vector.broadcast %and3A_239 : i32 to vector<16xi32>
      %and3A_241 = arith.andi %get3A_232, %and3A_240 : vector<16xi32>
      %shift_left3A_242 = arith.constant 7 : i32
      %shift_left3A_243 = vector.broadcast %shift_left3A_242 : i32 to vector<16xi32>
      %shift_left3A_244 = arith.shli %and3A_241, %shift_left3A_243 : vector<16xi32>
      %add3A_245 = arith.addi %shift_left3A_238, %shift_left3A_244 : vector<16xi32>
      %and3A_246 = arith.constant 7168 : i32
      %and3A_247 = arith.andi %add3A_229, %and3A_246 : i32
      %and3A_248 = arith.constant 127 : i32
      %and3A_249 = arith.andi %add3A_229, %and3A_248 : i32
      %add3A_250 = arith.addi %and3A_247, %and3A_249 : i32
      %add3A_251 = vector.broadcast %add3A_250 : i32 to vector<16xi32>
      %add3A_252 = arith.addi %add3A_251, %iota3A : vector<16xi32>
      %add3A_253 = arith.addi %add3A_245, %add3A_252 : vector<16xi32>
      %swap3A_254 = arith.index_cast %mul3A_226 : i32 to index
      %swap3A_255 = tpu.vector_load %arg5[%swap3A_254] {strides = array<i32>} : memref<6400xi32, #tpu.memory_space<vmem>>, vector<16xi32>,
      %swap3A_256 = vector.shape_cast %swap3A_255 : vector<16xi32> to vector<16xi32>
      %swap3A_257 = vector.shape_cast %add3A_253 : vector<16xi32> to vector<16xi32>
      tpu.vector_store %arg5[%swap3A_254], %swap3A_257 {strides = array<i32>} : memref<6400xi32, #tpu.memory_space<vmem>>, vector<16xi32>,
      %mul3A_258 = arith.constant 8 : i32
      %mul3A_259 = arith.muli %scan3A_188, %mul3A_258 : i32
      %add3A_260 = arith.constant 2 : i32
      %add3A_261 = arith.addi %mul3A_259, %add3A_260 : i32
      %mul3A_262 = arith.constant 16 : i32
      %mul3A_263 = arith.muli %add3A_261, %mul3A_262 : i32
      %mul3A_264 = arith.constant 16 : i32
      %mul3A_265 = arith.muli %add3A_261, %mul3A_264 : i32
      %add3A_266 = arith.addi %multiple_of3A, %mul3A_265 : i32
      %get3A_267 = arith.index_cast %mul3A_263 : i32 to index
      %get3A_268 = tpu.vector_load %arg5[%get3A_267] {strides = array<i32>} : memref<6400xi32, #tpu.memory_space<vmem>>, vector<16xi32>,
      %get3A_269 = vector.shape_cast %get3A_268 : vector<16xi32> to vector<16xi32>
      %shift_right_arithmetic3A_270 = arith.constant 3 : i32
      %shift_right_arithmetic3A_271 = vector.broadcast %shift_right_arithmetic3A_270 : i32 to vector<16xi32>
      %shift_right_arithmetic3A_272 = arith.shrsi %get3A_269, %shift_right_arithmetic3A_271 : vector<16xi32>
      %shift_left3A_273 = arith.constant 13 : i32
      %shift_left3A_274 = vector.broadcast %shift_left3A_273 : i32 to vector<16xi32>
      %shift_left3A_275 = arith.shli %shift_right_arithmetic3A_272, %shift_left3A_274 : vector<16xi32>
      %and3A_276 = arith.constant 7 : i32
      %and3A_277 = vector.broadcast %and3A_276 : i32 to vector<16xi32>
      %and3A_278 = arith.andi %get3A_269, %and3A_277 : vector<16xi32>
      %shift_left3A_279 = arith.constant 7 : i32
      %shift_left3A_280 = vector.broadcast %shift_left3A_279 : i32 to vector<16xi32>
      %shift_left3A_281 = arith.shli %and3A_278, %shift_left3A_280 : vector<16xi32>
      %add3A_282 = arith.addi %shift_left3A_275, %shift_left3A_281 : vector<16xi32>
      %and3A_283 = arith.constant 7168 : i32
      %and3A_284 = arith.andi %add3A_266, %and3A_283 : i32
      %and3A_285 = arith.constant 127 : i32
      %and3A_286 = arith.andi %add3A_266, %and3A_285 : i32
      %add3A_287 = arith.addi %and3A_284, %and3A_286 : i32
      %add3A_288 = vector.broadcast %add3A_287 : i32 to vector<16xi32>
      %add3A_289 = arith.addi %add3A_288, %iota3A : vector<16xi32>
      %add3A_290 = arith.addi %add3A_282, %add3A_289 : vector<16xi32>
      %swap3A_291 = arith.index_cast %mul3A_263 : i32 to index
      %swap3A_292 = tpu.vector_load %arg5[%swap3A_291] {strides = array<i32>} : memref<6400xi32, #tpu.memory_space<vmem>>, vector<16xi32>,
      %swap3A_293 = vector.shape_cast %swap3A_292 : vector<16xi32> to vector<16xi32>
      %swap3A_294 = vector.shape_cast %add3A_290 : vector<16xi32> to vector<16xi32>
      tpu.vector_store %arg5[%swap3A_291], %swap3A_294 {strides = array<i32>} : memref<6400xi32, #tpu.memory_space<vmem>>, vector<16xi32>,
      %mul3A_295 = arith.constant 8 : i32
      %mul3A_296 = arith.muli %scan3A_188, %mul3A_295 : i32
      %add3A_297 = arith.constant 3 : i32
      %add3A_298 = arith.addi %mul3A_296, %add3A_297 : i32
      %mul3A_299 = arith.constant 16 : i32
      %mul3A_300 = arith.muli %add3A_298, %mul3A_299 : i32
      %mul3A_301 = arith.constant 16 : i32
      %mul3A_302 = arith.muli %add3A_298, %mul3A_301 : i32
      %add3A_303 = arith.addi %multiple_of3A, %mul3A_302 : i32
      %get3A_304 = arith.index_cast %mul3A_300 : i32 to index
      %get3A_305 = tpu.vector_load %arg5[%get3A_304] {strides = array<i32>} : memref<6400xi32, #tpu.memory_space<vmem>>, vector<16xi32>,
      %get3A_306 = vector.shape_cast %get3A_305 : vector<16xi32> to vector<16xi32>
      %shift_right_arithmetic3A_307 = arith.constant 3 : i32
      %shift_right_arithmetic3A_308 = vector.broadcast %shift_right_arithmetic3A_307 : i32 to vector<16xi32>
      %shift_right_arithmetic3A_309 = arith.shrsi %get3A_306, %shift_right_arithmetic3A_308 : vector<16xi32>
      %shift_left3A_310 = arith.constant 13 : i32
      %shift_left3A_311 = vector.broadcast %shift_left3A_310 : i32 to vector<16xi32>
      %shift_left3A_312 = arith.shli %shift_right_arithmetic3A_309, %shift_left3A_311 : vector<16xi32>
      %and3A_313 = arith.constant 7 : i32
      %and3A_314 = vector.broadcast %and3A_313 : i32 to vector<16xi32>
      %and3A_315 = arith.andi %get3A_306, %and3A_314 : vector<16xi32>
      %shift_left3A_316 = arith.constant 7 : i32
      %shift_left3A_317 = vector.broadcast %shift_left3A_316 : i32 to vector<16xi32>
      %shift_left3A_318 = arith.shli %and3A_315, %shift_left3A_317 : vector<16xi32>
      %add3A_319 = arith.addi %shift_left3A_312, %shift_left3A_318 : vector<16xi32>
      %and3A_320 = arith.constant 7168 : i32
      %and3A_321 = arith.andi %add3A_303, %and3A_320 : i32
      %and3A_322 = arith.constant 127 : i32
      %and3A_323 = arith.andi %add3A_303, %and3A_322 : i32
      %add3A_324 = arith.addi %and3A_321, %and3A_323 : i32
      %add3A_325 = vector.broadcast %add3A_324 : i32 to vector<16xi32>
      %add3A_326 = arith.addi %add3A_325, %iota3A : vector<16xi32>
      %add3A_327 = arith.addi %add3A_319, %add3A_326 : vector<16xi32>
      %swap3A_328 = arith.index_cast %mul3A_300 : i32 to index
      %swap3A_329 = tpu.vector_load %arg5[%swap3A_328] {strides = array<i32>} : memref<6400xi32, #tpu.memory_space<vmem>>, vector<16xi32>,
      %swap3A_330 = vector.shape_cast %swap3A_329 : vector<16xi32> to vector<16xi32>
      %swap3A_331 = vector.shape_cast %add3A_327 : vector<16xi32> to vector<16xi32>
      tpu.vector_store %arg5[%swap3A_328], %swap3A_331 {strides = array<i32>} : memref<6400xi32, #tpu.memory_space<vmem>>, vector<16xi32>,
      %mul3A_332 = arith.constant 8 : i32
      %mul3A_333 = arith.muli %scan3A_188, %mul3A_332 : i32
      %add3A_334 = arith.constant 4 : i32
      %add3A_335 = arith.addi %mul3A_333, %add3A_334 : i32
      %mul3A_336 = arith.constant 16 : i32
      %mul3A_337 = arith.muli %add3A_335, %mul3A_336 : i32
      %mul3A_338 = arith.constant 16 : i32
      %mul3A_339 = arith.muli %add3A_335, %mul3A_338 : i32
      %add3A_340 = arith.addi %multiple_of3A, %mul3A_339 : i32
      %get3A_341 = arith.index_cast %mul3A_337 : i32 to index
      %get3A_342 = tpu.vector_load %arg5[%get3A_341] {strides = array<i32>} : memref<6400xi32, #tpu.memory_space<vmem>>, vector<16xi32>,
      %get3A_343 = vector.shape_cast %get3A_342 : vector<16xi32> to vector<16xi32>
      %shift_right_arithmetic3A_344 = arith.constant 3 : i32
      %shift_right_arithmetic3A_345 = vector.broadcast %shift_right_arithmetic3A_344 : i32 to vector<16xi32>
      %shift_right_arithmetic3A_346 = arith.shrsi %get3A_343, %shift_right_arithmetic3A_345 : vector<16xi32>
      %shift_left3A_347 = arith.constant 13 : i32
      %shift_left3A_348 = vector.broadcast %shift_left3A_347 : i32 to vector<16xi32>
      %shift_left3A_349 = arith.shli %shift_right_arithmetic3A_346, %shift_left3A_348 : vector<16xi32>
      %and3A_350 = arith.constant 7 : i32
      %and3A_351 = vector.broadcast %and3A_350 : i32 to vector<16xi32>
      %and3A_352 = arith.andi %get3A_343, %and3A_351 : vector<16xi32>
      %shift_left3A_353 = arith.constant 7 : i32
      %shift_left3A_354 = vector.broadcast %shift_left3A_353 : i32 to vector<16xi32>
      %shift_left3A_355 = arith.shli %and3A_352, %shift_left3A_354 : vector<16xi32>
      %add3A_356 = arith.addi %shift_left3A_349, %shift_left3A_355 : vector<16xi32>
      %and3A_357 = arith.constant 7168 : i32
      %and3A_358 = arith.andi %add3A_340, %and3A_357 : i32
      %and3A_359 = arith.constant 127 : i32
      %and3A_360 = arith.andi %add3A_340, %and3A_359 : i32
      %add3A_361 = arith.addi %and3A_358, %and3A_360 : i32
      %add3A_362 = vector.broadcast %add3A_361 : i32 to vector<16xi32>
      %add3A_363 = arith.addi %add3A_362, %iota3A : vector<16xi32>
      %add3A_364 = arith.addi %add3A_356, %add3A_363 : vector<16xi32>
      %swap3A_365 = arith.index_cast %mul3A_337 : i32 to index
      %swap3A_366 = tpu.vector_load %arg5[%swap3A_365] {strides = array<i32>} : memref<6400xi32, #tpu.memory_space<vmem>>, vector<16xi32>,
      %swap3A_367 = vector.shape_cast %swap3A_366 : vector<16xi32> to vector<16xi32>
      %swap3A_368 = vector.shape_cast %add3A_364 : vector<16xi32> to vector<16xi32>
      tpu.vector_store %arg5[%swap3A_365], %swap3A_368 {strides = array<i32>} : memref<6400xi32, #tpu.memory_space<vmem>>, vector<16xi32>,
      %mul3A_369 = arith.constant 8 : i32
      %mul3A_370 = arith.muli %scan3A_188, %mul3A_369 : i32
      %add3A_371 = arith.constant 5 : i32
      %add3A_372 = arith.addi %mul3A_370, %add3A_371 : i32
      %mul3A_373 = arith.constant 16 : i32
      %mul3A_374 = arith.muli %add3A_372, %mul3A_373 : i32
      %mul3A_375 = arith.constant 16 : i32
      %mul3A_376 = arith.muli %add3A_372, %mul3A_375 : i32
      %add3A_377 = arith.addi %multiple_of3A, %mul3A_376 : i32
      %get3A_378 = arith.index_cast %mul3A_374 : i32 to index
      %get3A_379 = tpu.vector_load %arg5[%get3A_378] {strides = array<i32>} : memref<6400xi32, #tpu.memory_space<vmem>>, vector<16xi32>,
      %get3A_380 = vector.shape_cast %get3A_379 : vector<16xi32> to vector<16xi32>
      %shift_right_arithmetic3A_381 = arith.constant 3 : i32
      %shift_right_arithmetic3A_382 = vector.broadcast %shift_right_arithmetic3A_381 : i32 to vector<16xi32>
      %shift_right_arithmetic3A_383 = arith.shrsi %get3A_380, %shift_right_arithmetic3A_382 : vector<16xi32>
      %shift_left3A_384 = arith.constant 13 : i32
      %shift_left3A_385 = vector.broadcast %shift_left3A_384 : i32 to vector<16xi32>
      %shift_left3A_386 = arith.shli %shift_right_arithmetic3A_383, %shift_left3A_385 : vector<16xi32>
      %and3A_387 = arith.constant 7 : i32
      %and3A_388 = vector.broadcast %and3A_387 : i32 to vector<16xi32>
      %and3A_389 = arith.andi %get3A_380, %and3A_388 : vector<16xi32>
      %shift_left3A_390 = arith.constant 7 : i32
      %shift_left3A_391 = vector.broadcast %shift_left3A_390 : i32 to vector<16xi32>
      %shift_left3A_392 = arith.shli %and3A_389, %shift_left3A_391 : vector<16xi32>
      %add3A_393 = arith.addi %shift_left3A_386, %shift_left3A_392 : vector<16xi32>
      %and3A_394 = arith.constant 7168 : i32
      %and3A_395 = arith.andi %add3A_377, %and3A_394 : i32
      %and3A_396 = arith.constant 127 : i32
      %and3A_397 = arith.andi %add3A_377, %and3A_396 : i32
      %add3A_398 = arith.addi %and3A_395, %and3A_397 : i32
      %add3A_399 = vector.broadcast %add3A_398 : i32 to vector<16xi32>
      %add3A_400 = arith.addi %add3A_399, %iota3A : vector<16xi32>
      %add3A_401 = arith.addi %add3A_393, %add3A_400 : vector<16xi32>
      %swap3A_402 = arith.index_cast %mul3A_374 : i32 to index
      %swap3A_403 = tpu.vector_load %arg5[%swap3A_402] {strides = array<i32>} : memref<6400xi32, #tpu.memory_space<vmem>>, vector<16xi32>,
      %swap3A_404 = vector.shape_cast %swap3A_403 : vector<16xi32> to vector<16xi32>
      %swap3A_405 = vector.shape_cast %add3A_401 : vector<16xi32> to vector<16xi32>
      tpu.vector_store %arg5[%swap3A_402], %swap3A_405 {strides = array<i32>} : memref<6400xi32, #tpu.memory_space<vmem>>, vector<16xi32>,
      %mul3A_406 = arith.constant 8 : i32
      %mul3A_407 = arith.muli %scan3A_188, %mul3A_406 : i32
      %add3A_408 = arith.constant 6 : i32
      %add3A_409 = arith.addi %mul3A_407, %add3A_408 : i32
      %mul3A_410 = arith.constant 16 : i32
      %mul3A_411 = arith.muli %add3A_409, %mul3A_410 : i32
      %mul3A_412 = arith.constant 16 : i32
      %mul3A_413 = arith.muli %add3A_409, %mul3A_412 : i32
      %add3A_414 = arith.addi %multiple_of3A, %mul3A_413 : i32
      %get3A_415 = arith.index_cast %mul3A_411 : i32 to index
      %get3A_416 = tpu.vector_load %arg5[%get3A_415] {strides = array<i32>} : memref<6400xi32, #tpu.memory_space<vmem>>, vector<16xi32>,
      %get3A_417 = vector.shape_cast %get3A_416 : vector<16xi32> to vector<16xi32>
      %shift_right_arithmetic3A_418 = arith.constant 3 : i32
      %shift_right_arithmetic3A_419 = vector.broadcast %shift_right_arithmetic3A_418 : i32 to vector<16xi32>
      %shift_right_arithmetic3A_420 = arith.shrsi %get3A_417, %shift_right_arithmetic3A_419 : vector<16xi32>
      %shift_left3A_421 = arith.constant 13 : i32
      %shift_left3A_422 = vector.broadcast %shift_left3A_421 : i32 to vector<16xi32>
      %shift_left3A_423 = arith.shli %shift_right_arithmetic3A_420, %shift_left3A_422 : vector<16xi32>
      %and3A_424 = arith.constant 7 : i32
      %and3A_425 = vector.broadcast %and3A_424 : i32 to vector<16xi32>
      %and3A_426 = arith.andi %get3A_417, %and3A_425 : vector<16xi32>
      %shift_left3A_427 = arith.constant 7 : i32
      %shift_left3A_428 = vector.broadcast %shift_left3A_427 : i32 to vector<16xi32>
      %shift_left3A_429 = arith.shli %and3A_426, %shift_left3A_428 : vector<16xi32>
      %add3A_430 = arith.addi %shift_left3A_423, %shift_left3A_429 : vector<16xi32>
      %and3A_431 = arith.constant 7168 : i32
      %and3A_432 = arith.andi %add3A_414, %and3A_431 : i32
      %and3A_433 = arith.constant 127 : i32
      %and3A_434 = arith.andi %add3A_414, %and3A_433 : i32
      %add3A_435 = arith.addi %and3A_432, %and3A_434 : i32
      %add3A_436 = vector.broadcast %add3A_435 : i32 to vector<16xi32>
      %add3A_437 = arith.addi %add3A_436, %iota3A : vector<16xi32>
      %add3A_438 = arith.addi %add3A_430, %add3A_437 : vector<16xi32>
      %swap3A_439 = arith.index_cast %mul3A_411 : i32 to index
      %swap3A_440 = tpu.vector_load %arg5[%swap3A_439] {strides = array<i32>} : memref<6400xi32, #tpu.memory_space<vmem>>, vector<16xi32>,
      %swap3A_441 = vector.shape_cast %swap3A_440 : vector<16xi32> to vector<16xi32>
      %swap3A_442 = vector.shape_cast %add3A_438 : vector<16xi32> to vector<16xi32>
      tpu.vector_store %arg5[%swap3A_439], %swap3A_442 {strides = array<i32>} : memref<6400xi32, #tpu.memory_space<vmem>>, vector<16xi32>,
      %mul3A_443 = arith.constant 8 : i32
      %mul3A_444 = arith.muli %scan3A_188, %mul3A_443 : i32
      %add3A_445 = arith.constant 7 : i32
      %add3A_446 = arith.addi %mul3A_444, %add3A_445 : i32
      %mul3A_447 = arith.constant 16 : i32
      %mul3A_448 = arith.muli %add3A_446, %mul3A_447 : i32
      %mul3A_449 = arith.constant 16 : i32
      %mul3A_450 = arith.muli %add3A_446, %mul3A_449 : i32
      %add3A_451 = arith.addi %multiple_of3A, %mul3A_450 : i32
      %get3A_452 = arith.index_cast %mul3A_448 : i32 to index
      %get3A_453 = tpu.vector_load %arg5[%get3A_452] {strides = array<i32>} : memref<6400xi32, #tpu.memory_space<vmem>>, vector<16xi32>,
      %get3A_454 = vector.shape_cast %get3A_453 : vector<16xi32> to vector<16xi32>
      %shift_right_arithmetic3A_455 = arith.constant 3 : i32
      %shift_right_arithmetic3A_456 = vector.broadcast %shift_right_arithmetic3A_455 : i32 to vector<16xi32>
      %shift_right_arithmetic3A_457 = arith.shrsi %get3A_454, %shift_right_arithmetic3A_456 : vector<16xi32>
      %shift_left3A_458 = arith.constant 13 : i32
      %shift_left3A_459 = vector.broadcast %shift_left3A_458 : i32 to vector<16xi32>
      %shift_left3A_460 = arith.shli %shift_right_arithmetic3A_457, %shift_left3A_459 : vector<16xi32>
      %and3A_461 = arith.constant 7 : i32
      %and3A_462 = vector.broadcast %and3A_461 : i32 to vector<16xi32>
      %and3A_463 = arith.andi %get3A_454, %and3A_462 : vector<16xi32>
      %shift_left3A_464 = arith.constant 7 : i32
      %shift_left3A_465 = vector.broadcast %shift_left3A_464 : i32 to vector<16xi32>
      %shift_left3A_466 = arith.shli %and3A_463, %shift_left3A_465 : vector<16xi32>
      %add3A_467 = arith.addi %shift_left3A_460, %shift_left3A_466 : vector<16xi32>
      %and3A_468 = arith.constant 7168 : i32
      %and3A_469 = arith.andi %add3A_451, %and3A_468 : i32
      %and3A_470 = arith.constant 127 : i32
      %and3A_471 = arith.andi %add3A_451, %and3A_470 : i32
      %add3A_472 = arith.addi %and3A_469, %and3A_471 : i32
      %add3A_473 = vector.broadcast %add3A_472 : i32 to vector<16xi32>
      %add3A_474 = arith.addi %add3A_473, %iota3A : vector<16xi32>
      %add3A_475 = arith.addi %add3A_467, %add3A_474 : vector<16xi32>
      %swap3A_476 = arith.index_cast %mul3A_448 : i32 to index
      %swap3A_477 = tpu.vector_load %arg5[%swap3A_476] {strides = array<i32>} : memref<6400xi32, #tpu.memory_space<vmem>>, vector<16xi32>,
      %swap3A_478 = vector.shape_cast %swap3A_477 : vector<16xi32> to vector<16xi32>
      %swap3A_479 = vector.shape_cast %add3A_475 : vector<16xi32> to vector<16xi32>
      tpu.vector_store %arg5[%swap3A_476], %swap3A_479 {strides = array<i32>} : memref<6400xi32, #tpu.memory_space<vmem>>, vector<16xi32>,
    }
    %scan3A_37 = arith.constant 4 : i32
    %multiple_of3A_38 = arith.constant 256 : i32
    %multiple_of3A_39 = tpu.assume_multiple %multiple_of3A_38, 8 : i32
    %dma_start3A_40 = tpu.memref_slice %arg6[%multiple_of3A_39] : memref<6400xf32, #tpu.memory_space<vmem>> -> memref<512xf32, #tpu.memory_space<vmem>>
    %dma_start3A_41 = tpu.memref_slice %arg5[%multiple_of3A_39] : memref<6400xi32, #tpu.memory_space<vmem>> -> memref<512xi32, #tpu.memory_space<vmem>>
    %dma_start3A_42 = arith.constant 0 : i32
    %dma_start3A_43 = tpu.memref_slice %arg2[%dma_start3A_42] : memref<102400000xf32, #tpu.memory_space<hbm>> -> memref<102400000xf32, #tpu.memory_space<hbm>>
    tpu.enqueue_indirect_dma source(%dma_start3A_43 : memref<102400000xf32, #tpu.memory_space<hbm>>) target(%dma_start3A_40 : memref<512xf32, #tpu.memory_space<vmem>>) offsets(%dma_start3A_41 : memref<512xi32, #tpu.memory_space<vmem>>) semaphore(%arg7 : memref<!tpu.dma_semaphore, #tpu.memory_space<semaphore_mem>>)
    %scan3A_44 = arith.constant 0 : i32
    %scan3A_45 = arith.constant 6 : i32
    %scan3A_46 = arith.constant 8 : i32
    %scan3A_47 = arith.addi %scan3A_45, %scan3A_46 : i32
    %scan3A_48 = arith.constant 1 : i32
    scf.for %scan3A_188 = %scan3A_45 to %scan3A_47 step %scan3A_48  : i32 {
      %mul3A_189 = arith.constant 8 : i32
      %mul3A_190 = arith.muli %scan3A_188, %mul3A_189 : i32
      %add3A_191 = arith.constant 0 : i32
      %add3A_192 = arith.addi %mul3A_190, %add3A_191 : i32
      %mul3A_193 = arith.constant 16 : i32
      %mul3A_194 = arith.muli %add3A_192, %mul3A_193 : i32
      %mul3A_195 = arith.constant 16 : i32
      %mul3A_196 = arith.muli %add3A_192, %mul3A_195 : i32
      %add3A_197 = arith.addi %multiple_of3A, %mul3A_196 : i32
      %get3A = arith.index_cast %mul3A_194 : i32 to index
      %get3A_198 = tpu.vector_load %arg5[%get3A] {strides = array<i32>} : memref<6400xi32, #tpu.memory_space<vmem>>, vector<16xi32>,
      %get3A_199 = vector.shape_cast %get3A_198 : vector<16xi32> to vector<16xi32>
      %shift_right_arithmetic3A = arith.constant 3 : i32
      %shift_right_arithmetic3A_200 = vector.broadcast %shift_right_arithmetic3A : i32 to vector<16xi32>
      %shift_right_arithmetic3A_201 = arith.shrsi %get3A_199, %shift_right_arithmetic3A_200 : vector<16xi32>
      %shift_left3A = arith.constant 13 : i32
      %shift_left3A_202 = vector.broadcast %shift_left3A : i32 to vector<16xi32>
      %shift_left3A_203 = arith.shli %shift_right_arithmetic3A_201, %shift_left3A_202 : vector<16xi32>
      %and3A = arith.constant 7 : i32
      %and3A_204 = vector.broadcast %and3A : i32 to vector<16xi32>
      %and3A_205 = arith.andi %get3A_199, %and3A_204 : vector<16xi32>
      %shift_left3A_206 = arith.constant 7 : i32
      %shift_left3A_207 = vector.broadcast %shift_left3A_206 : i32 to vector<16xi32>
      %shift_left3A_208 = arith.shli %and3A_205, %shift_left3A_207 : vector<16xi32>
      %add3A_209 = arith.addi %shift_left3A_203, %shift_left3A_208 : vector<16xi32>
      %and3A_210 = arith.constant 7168 : i32
      %and3A_211 = arith.andi %add3A_197, %and3A_210 : i32
      %and3A_212 = arith.constant 127 : i32
      %and3A_213 = arith.andi %add3A_197, %and3A_212 : i32
      %add3A_214 = arith.addi %and3A_211, %and3A_213 : i32
      %add3A_215 = vector.broadcast %add3A_214 : i32 to vector<16xi32>
      %add3A_216 = arith.addi %add3A_215, %iota3A : vector<16xi32>
      %add3A_217 = arith.addi %add3A_209, %add3A_216 : vector<16xi32>
      %swap3A = arith.index_cast %mul3A_194 : i32 to index
      %swap3A_218 = tpu.vector_load %arg5[%swap3A] {strides = array<i32>} : memref<6400xi32, #tpu.memory_space<vmem>>, vector<16xi32>,
      %swap3A_219 = vector.shape_cast %swap3A_218 : vector<16xi32> to vector<16xi32>
      %swap3A_220 = vector.shape_cast %add3A_217 : vector<16xi32> to vector<16xi32>
      tpu.vector_store %arg5[%swap3A], %swap3A_220 {strides = array<i32>} : memref<6400xi32, #tpu.memory_space<vmem>>, vector<16xi32>,
      %mul3A_221 = arith.constant 8 : i32
      %mul3A_222 = arith.muli %scan3A_188, %mul3A_221 : i32
      %add3A_223 = arith.constant 1 : i32
      %add3A_224 = arith.addi %mul3A_222, %add3A_223 : i32
      %mul3A_225 = arith.constant 16 : i32
      %mul3A_226 = arith.muli %add3A_224, %mul3A_225 : i32
      %mul3A_227 = arith.constant 16 : i32
      %mul3A_228 = arith.muli %add3A_224, %mul3A_227 : i32
      %add3A_229 = arith.addi %multiple_of3A, %mul3A_228 : i32
      %get3A_230 = arith.index_cast %mul3A_226 : i32 to index
      %get3A_231 = tpu.vector_load %arg5[%get3A_230] {strides = array<i32>} : memref<6400xi32, #tpu.memory_space<vmem>>, vector<16xi32>,
      %get3A_232 = vector.shape_cast %get3A_231 : vector<16xi32> to vector<16xi32>
      %shift_right_arithmetic3A_233 = arith.constant 3 : i32
      %shift_right_arithmetic3A_234 = vector.broadcast %shift_right_arithmetic3A_233 : i32 to vector<16xi32>
      %shift_right_arithmetic3A_235 = arith.shrsi %get3A_232, %shift_right_arithmetic3A_234 : vector<16xi32>
      %shift_left3A_236 = arith.constant 13 : i32
      %shift_left3A_237 = vector.broadcast %shift_left3A_236 : i32 to vector<16xi32>
      %shift_left3A_238 = arith.shli %shift_right_arithmetic3A_235, %shift_left3A_237 : vector<16xi32>
      %and3A_239 = arith.constant 7 : i32
      %and3A_240 = vector.broadcast %and3A_239 : i32 to vector<16xi32>
      %and3A_241 = arith.andi %get3A_232, %and3A_240 : vector<16xi32>
      %shift_left3A_242 = arith.constant 7 : i32
      %shift_left3A_243 = vector.broadcast %shift_left3A_242 : i32 to vector<16xi32>
      %shift_left3A_244 = arith.shli %and3A_241, %shift_left3A_243 : vector<16xi32>
      %add3A_245 = arith.addi %shift_left3A_238, %shift_left3A_244 : vector<16xi32>
      %and3A_246 = arith.constant 7168 : i32
      %and3A_247 = arith.andi %add3A_229, %and3A_246 : i32
      %and3A_248 = arith.constant 127 : i32
      %and3A_249 = arith.andi %add3A_229, %and3A_248 : i32
      %add3A_250 = arith.addi %and3A_247, %and3A_249 : i32
      %add3A_251 = vector.broadcast %add3A_250 : i32 to vector<16xi32>
      %add3A_252 = arith.addi %add3A_251, %iota3A : vector<16xi32>
      %add3A_253 = arith.addi %add3A_245, %add3A_252 : vector<16xi32>
      %swap3A_254 = arith.index_cast %mul3A_226 : i32 to index
      %swap3A_255 = tpu.vector_load %arg5[%swap3A_254] {strides = array<i32>} : memref<6400xi32, #tpu.memory_space<vmem>>, vector<16xi32>,
      %swap3A_256 = vector.shape_cast %swap3A_255 : vector<16xi32> to vector<16xi32>
      %swap3A_257 = vector.shape_cast %add3A_253 : vector<16xi32> to vector<16xi32>
      tpu.vector_store %arg5[%swap3A_254], %swap3A_257 {strides = array<i32>} : memref<6400xi32, #tpu.memory_space<vmem>>, vector<16xi32>,
      %mul3A_258 = arith.constant 8 : i32
      %mul3A_259 = arith.muli %scan3A_188, %mul3A_258 : i32
      %add3A_260 = arith.constant 2 : i32
      %add3A_261 = arith.addi %mul3A_259, %add3A_260 : i32
      %mul3A_262 = arith.constant 16 : i32
      %mul3A_263 = arith.muli %add3A_261, %mul3A_262 : i32
      %mul3A_264 = arith.constant 16 : i32
      %mul3A_265 = arith.muli %add3A_261, %mul3A_264 : i32
      %add3A_266 = arith.addi %multiple_of3A, %mul3A_265 : i32
      %get3A_267 = arith.index_cast %mul3A_263 : i32 to index
      %get3A_268 = tpu.vector_load %arg5[%get3A_267] {strides = array<i32>} : memref<6400xi32, #tpu.memory_space<vmem>>, vector<16xi32>,
      %get3A_269 = vector.shape_cast %get3A_268 : vector<16xi32> to vector<16xi32>
      %shift_right_arithmetic3A_270 = arith.constant 3 : i32
      %shift_right_arithmetic3A_271 = vector.broadcast %shift_right_arithmetic3A_270 : i32 to vector<16xi32>
      %shift_right_arithmetic3A_272 = arith.shrsi %get3A_269, %shift_right_arithmetic3A_271 : vector<16xi32>
      %shift_left3A_273 = arith.constant 13 : i32
      %shift_left3A_274 = vector.broadcast %shift_left3A_273 : i32 to vector<16xi32>
      %shift_left3A_275 = arith.shli %shift_right_arithmetic3A_272, %shift_left3A_274 : vector<16xi32>
      %and3A_276 = arith.constant 7 : i32
      %and3A_277 = vector.broadcast %and3A_276 : i32 to vector<16xi32>
      %and3A_278 = arith.andi %get3A_269, %and3A_277 : vector<16xi32>
      %shift_left3A_279 = arith.constant 7 : i32
      %shift_left3A_280 = vector.broadcast %shift_left3A_279 : i32 to vector<16xi32>
      %shift_left3A_281 = arith.shli %and3A_278, %shift_left3A_280 : vector<16xi32>
      %add3A_282 = arith.addi %shift_left3A_275, %shift_left3A_281 : vector<16xi32>
      %and3A_283 = arith.constant 7168 : i32
      %and3A_284 = arith.andi %add3A_266, %and3A_283 : i32
      %and3A_285 = arith.constant 127 : i32
      %and3A_286 = arith.andi %add3A_266, %and3A_285 : i32
      %add3A_287 = arith.addi %and3A_284, %and3A_286 : i32
      %add3A_288 = vector.broadcast %add3A_287 : i32 to vector<16xi32>
      %add3A_289 = arith.addi %add3A_288, %iota3A : vector<16xi32>
      %add3A_290 = arith.addi %add3A_282, %add3A_289 : vector<16xi32>
      %swap3A_291 = arith.index_cast %mul3A_263 : i32 to index
      %swap3A_292 = tpu.vector_load %arg5[%swap3A_291] {strides = array<i32>} : memref<6400xi32, #tpu.memory_space<vmem>>, vector<16xi32>,
      %swap3A_293 = vector.shape_cast %swap3A_292 : vector<16xi32> to vector<16xi32>
      %swap3A_294 = vector.shape_cast %add3A_290 : vector<16xi32> to vector<16xi32>
      tpu.vector_store %arg5[%swap3A_291], %swap3A_294 {strides = array<i32>} : memref<6400xi32, #tpu.memory_space<vmem>>, vector<16xi32>,
      %mul3A_295 = arith.constant 8 : i32
      %mul3A_296 = arith.muli %scan3A_188, %mul3A_295 : i32
      %add3A_297 = arith.constant 3 : i32
      %add3A_298 = arith.addi %mul3A_296, %add3A_297 : i32
      %mul3A_299 = arith.constant 16 : i32
      %mul3A_300 = arith.muli %add3A_298, %mul3A_299 : i32
      %mul3A_301 = arith.constant 16 : i32
      %mul3A_302 = arith.muli %add3A_298, %mul3A_301 : i32
      %add3A_303 = arith.addi %multiple_of3A, %mul3A_302 : i32
      %get3A_304 = arith.index_cast %mul3A_300 : i32 to index
      %get3A_305 = tpu.vector_load %arg5[%get3A_304] {strides = array<i32>} : memref<6400xi32, #tpu.memory_space<vmem>>, vector<16xi32>,
      %get3A_306 = vector.shape_cast %get3A_305 : vector<16xi32> to vector<16xi32>
      %shift_right_arithmetic3A_307 = arith.constant 3 : i32
      %shift_right_arithmetic3A_308 = vector.broadcast %shift_right_arithmetic3A_307 : i32 to vector<16xi32>
      %shift_right_arithmetic3A_309 = arith.shrsi %get3A_306, %shift_right_arithmetic3A_308 : vector<16xi32>
      %shift_left3A_310 = arith.constant 13 : i32
      %shift_left3A_311 = vector.broadcast %shift_left3A_310 : i32 to vector<16xi32>
      %shift_left3A_312 = arith.shli %shift_right_arithmetic3A_309, %shift_left3A_311 : vector<16xi32>
      %and3A_313 = arith.constant 7 : i32
      %and3A_314 = vector.broadcast %and3A_313 : i32 to vector<16xi32>
      %and3A_315 = arith.andi %get3A_306, %and3A_314 : vector<16xi32>
      %shift_left3A_316 = arith.constant 7 : i32
      %shift_left3A_317 = vector.broadcast %shift_left3A_316 : i32 to vector<16xi32>
      %shift_left3A_318 = arith.shli %and3A_315, %shift_left3A_317 : vector<16xi32>
      %add3A_319 = arith.addi %shift_left3A_312, %shift_left3A_318 : vector<16xi32>
      %and3A_320 = arith.constant 7168 : i32
      %and3A_321 = arith.andi %add3A_303, %and3A_320 : i32
      %and3A_322 = arith.constant 127 : i32
      %and3A_323 = arith.andi %add3A_303, %and3A_322 : i32
      %add3A_324 = arith.addi %and3A_321, %and3A_323 : i32
      %add3A_325 = vector.broadcast %add3A_324 : i32 to vector<16xi32>
      %add3A_326 = arith.addi %add3A_325, %iota3A : vector<16xi32>
      %add3A_327 = arith.addi %add3A_319, %add3A_326 : vector<16xi32>
      %swap3A_328 = arith.index_cast %mul3A_300 : i32 to index
      %swap3A_329 = tpu.vector_load %arg5[%swap3A_328] {strides = array<i32>} : memref<6400xi32, #tpu.memory_space<vmem>>, vector<16xi32>,
      %swap3A_330 = vector.shape_cast %swap3A_329 : vector<16xi32> to vector<16xi32>
      %swap3A_331 = vector.shape_cast %add3A_327 : vector<16xi32> to vector<16xi32>
      tpu.vector_store %arg5[%swap3A_328], %swap3A_331 {strides = array<i32>} : memref<6400xi32, #tpu.memory_space<vmem>>, vector<16xi32>,
      %mul3A_332 = arith.constant 8 : i32
      %mul3A_333 = arith.muli %scan3A_188, %mul3A_332 : i32
      %add3A_334 = arith.constant 4 : i32
      %add3A_335 = arith.addi %mul3A_333, %add3A_334 : i32
      %mul3A_336 = arith.constant 16 : i32
      %mul3A_337 = arith.muli %add3A_335, %mul3A_336 : i32
      %mul3A_338 = arith.constant 16 : i32
      %mul3A_339 = arith.muli %add3A_335, %mul3A_338 : i32
      %add3A_340 = arith.addi %multiple_of3A, %mul3A_339 : i32
      %get3A_341 = arith.index_cast %mul3A_337 : i32 to index
      %get3A_342 = tpu.vector_load %arg5[%get3A_341] {strides = array<i32>} : memref<6400xi32, #tpu.memory_space<vmem>>, vector<16xi32>,
      %get3A_343 = vector.shape_cast %get3A_342 : vector<16xi32> to vector<16xi32>
      %shift_right_arithmetic3A_344 = arith.constant 3 : i32
      %shift_right_arithmetic3A_345 = vector.broadcast %shift_right_arithmetic3A_344 : i32 to vector<16xi32>
      %shift_right_arithmetic3A_346 = arith.shrsi %get3A_343, %shift_right_arithmetic3A_345 : vector<16xi32>
      %shift_left3A_347 = arith.constant 13 : i32
      %shift_left3A_348 = vector.broadcast %shift_left3A_347 : i32 to vector<16xi32>
      %shift_left3A_349 = arith.shli %shift_right_arithmetic3A_346, %shift_left3A_348 : vector<16xi32>
      %and3A_350 = arith.constant 7 : i32
      %and3A_351 = vector.broadcast %and3A_350 : i32 to vector<16xi32>
      %and3A_352 = arith.andi %get3A_343, %and3A_351 : vector<16xi32>
      %shift_left3A_353 = arith.constant 7 : i32
      %shift_left3A_354 = vector.broadcast %shift_left3A_353 : i32 to vector<16xi32>
      %shift_left3A_355 = arith.shli %and3A_352, %shift_left3A_354 : vector<16xi32>
      %add3A_356 = arith.addi %shift_left3A_349, %shift_left3A_355 : vector<16xi32>
      %and3A_357 = arith.constant 7168 : i32
      %and3A_358 = arith.andi %add3A_340, %and3A_357 : i32
      %and3A_359 = arith.constant 127 : i32
      %and3A_360 = arith.andi %add3A_340, %and3A_359 : i32
      %add3A_361 = arith.addi %and3A_358, %and3A_360 : i32
      %add3A_362 = vector.broadcast %add3A_361 : i32 to vector<16xi32>
      %add3A_363 = arith.addi %add3A_362, %iota3A : vector<16xi32>
      %add3A_364 = arith.addi %add3A_356, %add3A_363 : vector<16xi32>
      %swap3A_365 = arith.index_cast %mul3A_337 : i32 to index
      %swap3A_366 = tpu.vector_load %arg5[%swap3A_365] {strides = array<i32>} : memref<6400xi32, #tpu.memory_space<vmem>>, vector<16xi32>,
      %swap3A_367 = vector.shape_cast %swap3A_366 : vector<16xi32> to vector<16xi32>
      %swap3A_368 = vector.shape_cast %add3A_364 : vector<16xi32> to vector<16xi32>
      tpu.vector_store %arg5[%swap3A_365], %swap3A_368 {strides = array<i32>} : memref<6400xi32, #tpu.memory_space<vmem>>, vector<16xi32>,
      %mul3A_369 = arith.constant 8 : i32
      %mul3A_370 = arith.muli %scan3A_188, %mul3A_369 : i32
      %add3A_371 = arith.constant 5 : i32
      %add3A_372 = arith.addi %mul3A_370, %add3A_371 : i32
      %mul3A_373 = arith.constant 16 : i32
      %mul3A_374 = arith.muli %add3A_372, %mul3A_373 : i32
      %mul3A_375 = arith.constant 16 : i32
      %mul3A_376 = arith.muli %add3A_372, %mul3A_375 : i32
      %add3A_377 = arith.addi %multiple_of3A, %mul3A_376 : i32
      %get3A_378 = arith.index_cast %mul3A_374 : i32 to index
      %get3A_379 = tpu.vector_load %arg5[%get3A_378] {strides = array<i32>} : memref<6400xi32, #tpu.memory_space<vmem>>, vector<16xi32>,
      %get3A_380 = vector.shape_cast %get3A_379 : vector<16xi32> to vector<16xi32>
      %shift_right_arithmetic3A_381 = arith.constant 3 : i32
      %shift_right_arithmetic3A_382 = vector.broadcast %shift_right_arithmetic3A_381 : i32 to vector<16xi32>
      %shift_right_arithmetic3A_383 = arith.shrsi %get3A_380, %shift_right_arithmetic3A_382 : vector<16xi32>
      %shift_left3A_384 = arith.constant 13 : i32
      %shift_left3A_385 = vector.broadcast %shift_left3A_384 : i32 to vector<16xi32>
      %shift_left3A_386 = arith.shli %shift_right_arithmetic3A_383, %shift_left3A_385 : vector<16xi32>
      %and3A_387 = arith.constant 7 : i32
      %and3A_388 = vector.broadcast %and3A_387 : i32 to vector<16xi32>
      %and3A_389 = arith.andi %get3A_380, %and3A_388 : vector<16xi32>
      %shift_left3A_390 = arith.constant 7 : i32
      %shift_left3A_391 = vector.broadcast %shift_left3A_390 : i32 to vector<16xi32>
      %shift_left3A_392 = arith.shli %and3A_389, %shift_left3A_391 : vector<16xi32>
      %add3A_393 = arith.addi %shift_left3A_386, %shift_left3A_392 : vector<16xi32>
      %and3A_394 = arith.constant 7168 : i32
      %and3A_395 = arith.andi %add3A_377, %and3A_394 : i32
      %and3A_396 = arith.constant 127 : i32
      %and3A_397 = arith.andi %add3A_377, %and3A_396 : i32
      %add3A_398 = arith.addi %and3A_395, %and3A_397 : i32
      %add3A_399 = vector.broadcast %add3A_398 : i32 to vector<16xi32>
      %add3A_400 = arith.addi %add3A_399, %iota3A : vector<16xi32>
      %add3A_401 = arith.addi %add3A_393, %add3A_400 : vector<16xi32>
      %swap3A_402 = arith.index_cast %mul3A_374 : i32 to index
      %swap3A_403 = tpu.vector_load %arg5[%swap3A_402] {strides = array<i32>} : memref<6400xi32, #tpu.memory_space<vmem>>, vector<16xi32>,
      %swap3A_404 = vector.shape_cast %swap3A_403 : vector<16xi32> to vector<16xi32>
      %swap3A_405 = vector.shape_cast %add3A_401 : vector<16xi32> to vector<16xi32>
      tpu.vector_store %arg5[%swap3A_402], %swap3A_405 {strides = array<i32>} : memref<6400xi32, #tpu.memory_space<vmem>>, vector<16xi32>,
      %mul3A_406 = arith.constant 8 : i32
      %mul3A_407 = arith.muli %scan3A_188, %mul3A_406 : i32
      %add3A_408 = arith.constant 6 : i32
      %add3A_409 = arith.addi %mul3A_407, %add3A_408 : i32
      %mul3A_410 = arith.constant 16 : i32
      %mul3A_411 = arith.muli %add3A_409, %mul3A_410 : i32
      %mul3A_412 = arith.constant 16 : i32
      %mul3A_413 = arith.muli %add3A_409, %mul3A_412 : i32
      %add3A_414 = arith.addi %multiple_of3A, %mul3A_413 : i32
      %get3A_415 = arith.index_cast %mul3A_411 : i32 to index
      %get3A_416 = tpu.vector_load %arg5[%get3A_415] {strides = array<i32>} : memref<6400xi32, #tpu.memory_space<vmem>>, vector<16xi32>,
      %get3A_417 = vector.shape_cast %get3A_416 : vector<16xi32> to vector<16xi32>
      %shift_right_arithmetic3A_418 = arith.constant 3 : i32
      %shift_right_arithmetic3A_419 = vector.broadcast %shift_right_arithmetic3A_418 : i32 to vector<16xi32>
      %shift_right_arithmetic3A_420 = arith.shrsi %get3A_417, %shift_right_arithmetic3A_419 : vector<16xi32>
      %shift_left3A_421 = arith.constant 13 : i32
      %shift_left3A_422 = vector.broadcast %shift_left3A_421 : i32 to vector<16xi32>
      %shift_left3A_423 = arith.shli %shift_right_arithmetic3A_420, %shift_left3A_422 : vector<16xi32>
      %and3A_424 = arith.constant 7 : i32
      %and3A_425 = vector.broadcast %and3A_424 : i32 to vector<16xi32>
      %and3A_426 = arith.andi %get3A_417, %and3A_425 : vector<16xi32>
      %shift_left3A_427 = arith.constant 7 : i32
      %shift_left3A_428 = vector.broadcast %shift_left3A_427 : i32 to vector<16xi32>
      %shift_left3A_429 = arith.shli %and3A_426, %shift_left3A_428 : vector<16xi32>
      %add3A_430 = arith.addi %shift_left3A_423, %shift_left3A_429 : vector<16xi32>
      %and3A_431 = arith.constant 7168 : i32
      %and3A_432 = arith.andi %add3A_414, %and3A_431 : i32
      %and3A_433 = arith.constant 127 : i32
      %and3A_434 = arith.andi %add3A_414, %and3A_433 : i32
      %add3A_435 = arith.addi %and3A_432, %and3A_434 : i32
      %add3A_436 = vector.broadcast %add3A_435 : i32 to vector<16xi32>
      %add3A_437 = arith.addi %add3A_436, %iota3A : vector<16xi32>
      %add3A_438 = arith.addi %add3A_430, %add3A_437 : vector<16xi32>
      %swap3A_439 = arith.index_cast %mul3A_411 : i32 to index
      %swap3A_440 = tpu.vector_load %arg5[%swap3A_439] {strides = array<i32>} : memref<6400xi32, #tpu.memory_space<vmem>>, vector<16xi32>,
      %swap3A_441 = vector.shape_cast %swap3A_440 : vector<16xi32> to vector<16xi32>
      %swap3A_442 = vector.shape_cast %add3A_438 : vector<16xi32> to vector<16xi32>
      tpu.vector_store %arg5[%swap3A_439], %swap3A_442 {strides = array<i32>} : memref<6400xi32, #tpu.memory_space<vmem>>, vector<16xi32>,
      %mul3A_443 = arith.constant 8 : i32
      %mul3A_444 = arith.muli %scan3A_188, %mul3A_443 : i32
      %add3A_445 = arith.constant 7 : i32
      %add3A_446 = arith.addi %mul3A_444, %add3A_445 : i32
      %mul3A_447 = arith.constant 16 : i32
      %mul3A_448 = arith.muli %add3A_446, %mul3A_447 : i32
      %mul3A_449 = arith.constant 16 : i32
      %mul3A_450 = arith.muli %add3A_446, %mul3A_449 : i32
      %add3A_451 = arith.addi %multiple_of3A, %mul3A_450 : i32
      %get3A_452 = arith.index_cast %mul3A_448 : i32 to index
      %get3A_453 = tpu.vector_load %arg5[%get3A_452] {strides = array<i32>} : memref<6400xi32, #tpu.memory_space<vmem>>, vector<16xi32>,
      %get3A_454 = vector.shape_cast %get3A_453 : vector<16xi32> to vector<16xi32>
      %shift_right_arithmetic3A_455 = arith.constant 3 : i32
      %shift_right_arithmetic3A_456 = vector.broadcast %shift_right_arithmetic3A_455 : i32 to vector<16xi32>
      %shift_right_arithmetic3A_457 = arith.shrsi %get3A_454, %shift_right_arithmetic3A_456 : vector<16xi32>
      %shift_left3A_458 = arith.constant 13 : i32
      %shift_left3A_459 = vector.broadcast %shift_left3A_458 : i32 to vector<16xi32>
      %shift_left3A_460 = arith.shli %shift_right_arithmetic3A_457, %shift_left3A_459 : vector<16xi32>
      %and3A_461 = arith.constant 7 : i32
      %and3A_462 = vector.broadcast %and3A_461 : i32 to vector<16xi32>
      %and3A_463 = arith.andi %get3A_454, %and3A_462 : vector<16xi32>
      %shift_left3A_464 = arith.constant 7 : i32
      %shift_left3A_465 = vector.broadcast %shift_left3A_464 : i32 to vector<16xi32>
      %shift_left3A_466 = arith.shli %and3A_463, %shift_left3A_465 : vector<16xi32>
      %add3A_467 = arith.addi %shift_left3A_460, %shift_left3A_466 : vector<16xi32>
      %and3A_468 = arith.constant 7168 : i32
      %and3A_469 = arith.andi %add3A_451, %and3A_468 : i32
      %and3A_470 = arith.constant 127 : i32
      %and3A_471 = arith.andi %add3A_451, %and3A_470 : i32
      %add3A_472 = arith.addi %and3A_469, %and3A_471 : i32
      %add3A_473 = vector.broadcast %add3A_472 : i32 to vector<16xi32>
      %add3A_474 = arith.addi %add3A_473, %iota3A : vector<16xi32>
      %add3A_475 = arith.addi %add3A_467, %add3A_474 : vector<16xi32>
      %swap3A_476 = arith.index_cast %mul3A_448 : i32 to index
      %swap3A_477 = tpu.vector_load %arg5[%swap3A_476] {strides = array<i32>} : memref<6400xi32, #tpu.memory_space<vmem>>, vector<16xi32>,
      %swap3A_478 = vector.shape_cast %swap3A_477 : vector<16xi32> to vector<16xi32>
      %swap3A_479 = vector.shape_cast %add3A_475 : vector<16xi32> to vector<16xi32>
      tpu.vector_store %arg5[%swap3A_476], %swap3A_479 {strides = array<i32>} : memref<6400xi32, #tpu.memory_space<vmem>>, vector<16xi32>,
    }
    %scan3A_49 = arith.constant 8 : i32
    %multiple_of3A_50 = arith.constant 768 : i32
    %multiple_of3A_51 = tpu.assume_multiple %multiple_of3A_50, 8 : i32
    %dma_start3A_52 = tpu.memref_slice %arg6[%multiple_of3A_51] : memref<6400xf32, #tpu.memory_space<vmem>> -> memref<1024xf32, #tpu.memory_space<vmem>>
    %dma_start3A_53 = tpu.memref_slice %arg5[%multiple_of3A_51] : memref<6400xi32, #tpu.memory_space<vmem>> -> memref<1024xi32, #tpu.memory_space<vmem>>
    %dma_start3A_54 = arith.constant 0 : i32
    %dma_start3A_55 = tpu.memref_slice %arg2[%dma_start3A_54] : memref<102400000xf32, #tpu.memory_space<hbm>> -> memref<102400000xf32, #tpu.memory_space<hbm>>
    tpu.enqueue_indirect_dma source(%dma_start3A_55 : memref<102400000xf32, #tpu.memory_space<hbm>>) target(%dma_start3A_52 : memref<1024xf32, #tpu.memory_space<vmem>>) offsets(%dma_start3A_53 : memref<1024xi32, #tpu.memory_space<vmem>>) semaphore(%arg7 : memref<!tpu.dma_semaphore, #tpu.memory_space<semaphore_mem>>)
    %dma_wait3A_56 = arith.constant 1792 : i32
    %dma_wait3A_57 = tpu.memref_slice %arg5[%dma_wait3A_56] : memref<6400xi32, #tpu.memory_space<vmem>> -> memref<4608xi32, #tpu.memory_space<vmem>>
    %dma_wait3A_58 = tpu.memref_slice %arg3[%add3A_4] : memref<204800xi32, #tpu.memory_space<hbm>> -> memref<4608xi32, #tpu.memory_space<hbm>>
    %dma_wait3A_59 = arith.constant 1792 : i32
    %dma_wait3A_60 = tpu.memref_slice %arg5[%dma_wait3A_59] : memref<6400xi32, #tpu.memory_space<vmem>> -> memref<4608xi32, #tpu.memory_space<vmem>>
    %dma_wait3A_61 = tpu.memref_slice %arg3[%add3A_4] : memref<204800xi32, #tpu.memory_space<hbm>> -> memref<4608xi32, #tpu.memory_space<hbm>>
    tpu.wait_dma2 semaphore(%arg8 : memref<!tpu.dma_semaphore, #tpu.memory_space<semaphore_mem>>) src(%dma_wait3A_61 : memref<4608xi32, #tpu.memory_space<hbm>>) dst(%dma_wait3A_60 : memref<4608xi32, #tpu.memory_space<vmem>>)
    %scan3A_62 = arith.constant 0 : i32
    %scan3A_63 = arith.constant 14 : i32
    %scan3A_64 = arith.constant 12 : i32
    %scan3A_65 = arith.addi %scan3A_63, %scan3A_64 : i32
    %scan3A_66 = arith.constant 1 : i32
    scf.for %scan3A_188 = %scan3A_63 to %scan3A_65 step %scan3A_66  : i32 {
      %mul3A_189 = arith.constant 8 : i32
      %mul3A_190 = arith.muli %scan3A_188, %mul3A_189 : i32
      %add3A_191 = arith.constant 0 : i32
      %add3A_192 = arith.addi %mul3A_190, %add3A_191 : i32
      %mul3A_193 = arith.constant 16 : i32
      %mul3A_194 = arith.muli %add3A_192, %mul3A_193 : i32
      %mul3A_195 = arith.constant 16 : i32
      %mul3A_196 = arith.muli %add3A_192, %mul3A_195 : i32
      %add3A_197 = arith.addi %multiple_of3A, %mul3A_196 : i32
      %get3A = arith.index_cast %mul3A_194 : i32 to index
      %get3A_198 = tpu.vector_load %arg5[%get3A] {strides = array<i32>} : memref<6400xi32, #tpu.memory_space<vmem>>, vector<16xi32>,
      %get3A_199 = vector.shape_cast %get3A_198 : vector<16xi32> to vector<16xi32>
      %shift_right_arithmetic3A = arith.constant 3 : i32
      %shift_right_arithmetic3A_200 = vector.broadcast %shift_right_arithmetic3A : i32 to vector<16xi32>
      %shift_right_arithmetic3A_201 = arith.shrsi %get3A_199, %shift_right_arithmetic3A_200 : vector<16xi32>
      %shift_left3A = arith.constant 13 : i32
      %shift_left3A_202 = vector.broadcast %shift_left3A : i32 to vector<16xi32>
      %shift_left3A_203 = arith.shli %shift_right_arithmetic3A_201, %shift_left3A_202 : vector<16xi32>
      %and3A = arith.constant 7 : i32
      %and3A_204 = vector.broadcast %and3A : i32 to vector<16xi32>
      %and3A_205 = arith.andi %get3A_199, %and3A_204 : vector<16xi32>
      %shift_left3A_206 = arith.constant 7 : i32
      %shift_left3A_207 = vector.broadcast %shift_left3A_206 : i32 to vector<16xi32>
      %shift_left3A_208 = arith.shli %and3A_205, %shift_left3A_207 : vector<16xi32>
      %add3A_209 = arith.addi %shift_left3A_203, %shift_left3A_208 : vector<16xi32>
      %and3A_210 = arith.constant 7168 : i32
      %and3A_211 = arith.andi %add3A_197, %and3A_210 : i32
      %and3A_212 = arith.constant 127 : i32
      %and3A_213 = arith.andi %add3A_197, %and3A_212 : i32
      %add3A_214 = arith.addi %and3A_211, %and3A_213 : i32
      %add3A_215 = vector.broadcast %add3A_214 : i32 to vector<16xi32>
      %add3A_216 = arith.addi %add3A_215, %iota3A : vector<16xi32>
      %add3A_217 = arith.addi %add3A_209, %add3A_216 : vector<16xi32>
      %swap3A = arith.index_cast %mul3A_194 : i32 to index
      %swap3A_218 = tpu.vector_load %arg5[%swap3A] {strides = array<i32>} : memref<6400xi32, #tpu.memory_space<vmem>>, vector<16xi32>,
      %swap3A_219 = vector.shape_cast %swap3A_218 : vector<16xi32> to vector<16xi32>
      %swap3A_220 = vector.shape_cast %add3A_217 : vector<16xi32> to vector<16xi32>
      tpu.vector_store %arg5[%swap3A], %swap3A_220 {strides = array<i32>} : memref<6400xi32, #tpu.memory_space<vmem>>, vector<16xi32>,
      %mul3A_221 = arith.constant 8 : i32
      %mul3A_222 = arith.muli %scan3A_188, %mul3A_221 : i32
      %add3A_223 = arith.constant 1 : i32
      %add3A_224 = arith.addi %mul3A_222, %add3A_223 : i32
      %mul3A_225 = arith.constant 16 : i32
      %mul3A_226 = arith.muli %add3A_224, %mul3A_225 : i32
      %mul3A_227 = arith.constant 16 : i32
      %mul3A_228 = arith.muli %add3A_224, %mul3A_227 : i32
      %add3A_229 = arith.addi %multiple_of3A, %mul3A_228 : i32
      %get3A_230 = arith.index_cast %mul3A_226 : i32 to index
      %get3A_231 = tpu.vector_load %arg5[%get3A_230] {strides = array<i32>} : memref<6400xi32, #tpu.memory_space<vmem>>, vector<16xi32>,
      %get3A_232 = vector.shape_cast %get3A_231 : vector<16xi32> to vector<16xi32>
      %shift_right_arithmetic3A_233 = arith.constant 3 : i32
      %shift_right_arithmetic3A_234 = vector.broadcast %shift_right_arithmetic3A_233 : i32 to vector<16xi32>
      %shift_right_arithmetic3A_235 = arith.shrsi %get3A_232, %shift_right_arithmetic3A_234 : vector<16xi32>
      %shift_left3A_236 = arith.constant 13 : i32
      %shift_left3A_237 = vector.broadcast %shift_left3A_236 : i32 to vector<16xi32>
      %shift_left3A_238 = arith.shli %shift_right_arithmetic3A_235, %shift_left3A_237 : vector<16xi32>
      %and3A_239 = arith.constant 7 : i32
      %and3A_240 = vector.broadcast %and3A_239 : i32 to vector<16xi32>
      %and3A_241 = arith.andi %get3A_232, %and3A_240 : vector<16xi32>
      %shift_left3A_242 = arith.constant 7 : i32
      %shift_left3A_243 = vector.broadcast %shift_left3A_242 : i32 to vector<16xi32>
      %shift_left3A_244 = arith.shli %and3A_241, %shift_left3A_243 : vector<16xi32>
      %add3A_245 = arith.addi %shift_left3A_238, %shift_left3A_244 : vector<16xi32>
      %and3A_246 = arith.constant 7168 : i32
      %and3A_247 = arith.andi %add3A_229, %and3A_246 : i32
      %and3A_248 = arith.constant 127 : i32
      %and3A_249 = arith.andi %add3A_229, %and3A_248 : i32
      %add3A_250 = arith.addi %and3A_247, %and3A_249 : i32
      %add3A_251 = vector.broadcast %add3A_250 : i32 to vector<16xi32>
      %add3A_252 = arith.addi %add3A_251, %iota3A : vector<16xi32>
      %add3A_253 = arith.addi %add3A_245, %add3A_252 : vector<16xi32>
      %swap3A_254 = arith.index_cast %mul3A_226 : i32 to index
      %swap3A_255 = tpu.vector_load %arg5[%swap3A_254] {strides = array<i32>} : memref<6400xi32, #tpu.memory_space<vmem>>, vector<16xi32>,
      %swap3A_256 = vector.shape_cast %swap3A_255 : vector<16xi32> to vector<16xi32>
      %swap3A_257 = vector.shape_cast %add3A_253 : vector<16xi32> to vector<16xi32>
      tpu.vector_store %arg5[%swap3A_254], %swap3A_257 {strides = array<i32>} : memref<6400xi32, #tpu.memory_space<vmem>>, vector<16xi32>,
      %mul3A_258 = arith.constant 8 : i32
      %mul3A_259 = arith.muli %scan3A_188, %mul3A_258 : i32
      %add3A_260 = arith.constant 2 : i32
      %add3A_261 = arith.addi %mul3A_259, %add3A_260 : i32
      %mul3A_262 = arith.constant 16 : i32
      %mul3A_263 = arith.muli %add3A_261, %mul3A_262 : i32
      %mul3A_264 = arith.constant 16 : i32
      %mul3A_265 = arith.muli %add3A_261, %mul3A_264 : i32
      %add3A_266 = arith.addi %multiple_of3A, %mul3A_265 : i32
      %get3A_267 = arith.index_cast %mul3A_263 : i32 to index
      %get3A_268 = tpu.vector_load %arg5[%get3A_267] {strides = array<i32>} : memref<6400xi32, #tpu.memory_space<vmem>>, vector<16xi32>,
      %get3A_269 = vector.shape_cast %get3A_268 : vector<16xi32> to vector<16xi32>
      %shift_right_arithmetic3A_270 = arith.constant 3 : i32
      %shift_right_arithmetic3A_271 = vector.broadcast %shift_right_arithmetic3A_270 : i32 to vector<16xi32>
      %shift_right_arithmetic3A_272 = arith.shrsi %get3A_269, %shift_right_arithmetic3A_271 : vector<16xi32>
      %shift_left3A_273 = arith.constant 13 : i32
      %shift_left3A_274 = vector.broadcast %shift_left3A_273 : i32 to vector<16xi32>
      %shift_left3A_275 = arith.shli %shift_right_arithmetic3A_272, %shift_left3A_274 : vector<16xi32>
      %and3A_276 = arith.constant 7 : i32
      %and3A_277 = vector.broadcast %and3A_276 : i32 to vector<16xi32>
      %and3A_278 = arith.andi %get3A_269, %and3A_277 : vector<16xi32>
      %shift_left3A_279 = arith.constant 7 : i32
      %shift_left3A_280 = vector.broadcast %shift_left3A_279 : i32 to vector<16xi32>
      %shift_left3A_281 = arith.shli %and3A_278, %shift_left3A_280 : vector<16xi32>
      %add3A_282 = arith.addi %shift_left3A_275, %shift_left3A_281 : vector<16xi32>
      %and3A_283 = arith.constant 7168 : i32
      %and3A_284 = arith.andi %add3A_266, %and3A_283 : i32
      %and3A_285 = arith.constant 127 : i32
      %and3A_286 = arith.andi %add3A_266, %and3A_285 : i32
      %add3A_287 = arith.addi %and3A_284, %and3A_286 : i32
      %add3A_288 = vector.broadcast %add3A_287 : i32 to vector<16xi32>
      %add3A_289 = arith.addi %add3A_288, %iota3A : vector<16xi32>
      %add3A_290 = arith.addi %add3A_282, %add3A_289 : vector<16xi32>
      %swap3A_291 = arith.index_cast %mul3A_263 : i32 to index
      %swap3A_292 = tpu.vector_load %arg5[%swap3A_291] {strides = array<i32>} : memref<6400xi32, #tpu.memory_space<vmem>>, vector<16xi32>,
      %swap3A_293 = vector.shape_cast %swap3A_292 : vector<16xi32> to vector<16xi32>
      %swap3A_294 = vector.shape_cast %add3A_290 : vector<16xi32> to vector<16xi32>
      tpu.vector_store %arg5[%swap3A_291], %swap3A_294 {strides = array<i32>} : memref<6400xi32, #tpu.memory_space<vmem>>, vector<16xi32>,
      %mul3A_295 = arith.constant 8 : i32
      %mul3A_296 = arith.muli %scan3A_188, %mul3A_295 : i32
      %add3A_297 = arith.constant 3 : i32
      %add3A_298 = arith.addi %mul3A_296, %add3A_297 : i32
      %mul3A_299 = arith.constant 16 : i32
      %mul3A_300 = arith.muli %add3A_298, %mul3A_299 : i32
      %mul3A_301 = arith.constant 16 : i32
      %mul3A_302 = arith.muli %add3A_298, %mul3A_301 : i32
      %add3A_303 = arith.addi %multiple_of3A, %mul3A_302 : i32
      %get3A_304 = arith.index_cast %mul3A_300 : i32 to index
      %get3A_305 = tpu.vector_load %arg5[%get3A_304] {strides = array<i32>} : memref<6400xi32, #tpu.memory_space<vmem>>, vector<16xi32>,
      %get3A_306 = vector.shape_cast %get3A_305 : vector<16xi32> to vector<16xi32>
      %shift_right_arithmetic3A_307 = arith.constant 3 : i32
      %shift_right_arithmetic3A_308 = vector.broadcast %shift_right_arithmetic3A_307 : i32 to vector<16xi32>
      %shift_right_arithmetic3A_309 = arith.shrsi %get3A_306, %shift_right_arithmetic3A_308 : vector<16xi32>
      %shift_left3A_310 = arith.constant 13 : i32
      %shift_left3A_311 = vector.broadcast %shift_left3A_310 : i32 to vector<16xi32>
      %shift_left3A_312 = arith.shli %shift_right_arithmetic3A_309, %shift_left3A_311 : vector<16xi32>
      %and3A_313 = arith.constant 7 : i32
      %and3A_314 = vector.broadcast %and3A_313 : i32 to vector<16xi32>
      %and3A_315 = arith.andi %get3A_306, %and3A_314 : vector<16xi32>
      %shift_left3A_316 = arith.constant 7 : i32
      %shift_left3A_317 = vector.broadcast %shift_left3A_316 : i32 to vector<16xi32>
      %shift_left3A_318 = arith.shli %and3A_315, %shift_left3A_317 : vector<16xi32>
      %add3A_319 = arith.addi %shift_left3A_312, %shift_left3A_318 : vector<16xi32>
      %and3A_320 = arith.constant 7168 : i32
      %and3A_321 = arith.andi %add3A_303, %and3A_320 : i32
      %and3A_322 = arith.constant 127 : i32
      %and3A_323 = arith.andi %add3A_303, %and3A_322 : i32
      %add3A_324 = arith.addi %and3A_321, %and3A_323 : i32
      %add3A_325 = vector.broadcast %add3A_324 : i32 to vector<16xi32>
      %add3A_326 = arith.addi %add3A_325, %iota3A : vector<16xi32>
      %add3A_327 = arith.addi %add3A_319, %add3A_326 : vector<16xi32>
      %swap3A_328 = arith.index_cast %mul3A_300 : i32 to index
      %swap3A_329 = tpu.vector_load %arg5[%swap3A_328] {strides = array<i32>} : memref<6400xi32, #tpu.memory_space<vmem>>, vector<16xi32>,
      %swap3A_330 = vector.shape_cast %swap3A_329 : vector<16xi32> to vector<16xi32>
      %swap3A_331 = vector.shape_cast %add3A_327 : vector<16xi32> to vector<16xi32>
      tpu.vector_store %arg5[%swap3A_328], %swap3A_331 {strides = array<i32>} : memref<6400xi32, #tpu.memory_space<vmem>>, vector<16xi32>,
      %mul3A_332 = arith.constant 8 : i32
      %mul3A_333 = arith.muli %scan3A_188, %mul3A_332 : i32
      %add3A_334 = arith.constant 4 : i32
      %add3A_335 = arith.addi %mul3A_333, %add3A_334 : i32
      %mul3A_336 = arith.constant 16 : i32
      %mul3A_337 = arith.muli %add3A_335, %mul3A_336 : i32
      %mul3A_338 = arith.constant 16 : i32
      %mul3A_339 = arith.muli %add3A_335, %mul3A_338 : i32
      %add3A_340 = arith.addi %multiple_of3A, %mul3A_339 : i32
      %get3A_341 = arith.index_cast %mul3A_337 : i32 to index
      %get3A_342 = tpu.vector_load %arg5[%get3A_341] {strides = array<i32>} : memref<6400xi32, #tpu.memory_space<vmem>>, vector<16xi32>,
      %get3A_343 = vector.shape_cast %get3A_342 : vector<16xi32> to vector<16xi32>
      %shift_right_arithmetic3A_344 = arith.constant 3 : i32
      %shift_right_arithmetic3A_345 = vector.broadcast %shift_right_arithmetic3A_344 : i32 to vector<16xi32>
      %shift_right_arithmetic3A_346 = arith.shrsi %get3A_343, %shift_right_arithmetic3A_345 : vector<16xi32>
      %shift_left3A_347 = arith.constant 13 : i32
      %shift_left3A_348 = vector.broadcast %shift_left3A_347 : i32 to vector<16xi32>
      %shift_left3A_349 = arith.shli %shift_right_arithmetic3A_346, %shift_left3A_348 : vector<16xi32>
      %and3A_350 = arith.constant 7 : i32
      %and3A_351 = vector.broadcast %and3A_350 : i32 to vector<16xi32>
      %and3A_352 = arith.andi %get3A_343, %and3A_351 : vector<16xi32>
      %shift_left3A_353 = arith.constant 7 : i32
      %shift_left3A_354 = vector.broadcast %shift_left3A_353 : i32 to vector<16xi32>
      %shift_left3A_355 = arith.shli %and3A_352, %shift_left3A_354 : vector<16xi32>
      %add3A_356 = arith.addi %shift_left3A_349, %shift_left3A_355 : vector<16xi32>
      %and3A_357 = arith.constant 7168 : i32
      %and3A_358 = arith.andi %add3A_340, %and3A_357 : i32
      %and3A_359 = arith.constant 127 : i32
      %and3A_360 = arith.andi %add3A_340, %and3A_359 : i32
      %add3A_361 = arith.addi %and3A_358, %and3A_360 : i32
      %add3A_362 = vector.broadcast %add3A_361 : i32 to vector<16xi32>
      %add3A_363 = arith.addi %add3A_362, %iota3A : vector<16xi32>
      %add3A_364 = arith.addi %add3A_356, %add3A_363 : vector<16xi32>
      %swap3A_365 = arith.index_cast %mul3A_337 : i32 to index
      %swap3A_366 = tpu.vector_load %arg5[%swap3A_365] {strides = array<i32>} : memref<6400xi32, #tpu.memory_space<vmem>>, vector<16xi32>,
      %swap3A_367 = vector.shape_cast %swap3A_366 : vector<16xi32> to vector<16xi32>
      %swap3A_368 = vector.shape_cast %add3A_364 : vector<16xi32> to vector<16xi32>
      tpu.vector_store %arg5[%swap3A_365], %swap3A_368 {strides = array<i32>} : memref<6400xi32, #tpu.memory_space<vmem>>, vector<16xi32>,
      %mul3A_369 = arith.constant 8 : i32
      %mul3A_370 = arith.muli %scan3A_188, %mul3A_369 : i32
      %add3A_371 = arith.constant 5 : i32
      %add3A_372 = arith.addi %mul3A_370, %add3A_371 : i32
      %mul3A_373 = arith.constant 16 : i32
      %mul3A_374 = arith.muli %add3A_372, %mul3A_373 : i32
      %mul3A_375 = arith.constant 16 : i32
      %mul3A_376 = arith.muli %add3A_372, %mul3A_375 : i32
      %add3A_377 = arith.addi %multiple_of3A, %mul3A_376 : i32
      %get3A_378 = arith.index_cast %mul3A_374 : i32 to index
      %get3A_379 = tpu.vector_load %arg5[%get3A_378] {strides = array<i32>} : memref<6400xi32, #tpu.memory_space<vmem>>, vector<16xi32>,
      %get3A_380 = vector.shape_cast %get3A_379 : vector<16xi32> to vector<16xi32>
      %shift_right_arithmetic3A_381 = arith.constant 3 : i32
      %shift_right_arithmetic3A_382 = vector.broadcast %shift_right_arithmetic3A_381 : i32 to vector<16xi32>
      %shift_right_arithmetic3A_383 = arith.shrsi %get3A_380, %shift_right_arithmetic3A_382 : vector<16xi32>
      %shift_left3A_384 = arith.constant 13 : i32
      %shift_left3A_385 = vector.broadcast %shift_left3A_384 : i32 to vector<16xi32>
      %shift_left3A_386 = arith.shli %shift_right_arithmetic3A_383, %shift_left3A_385 : vector<16xi32>
      %and3A_387 = arith.constant 7 : i32
      %and3A_388 = vector.broadcast %and3A_387 : i32 to vector<16xi32>
      %and3A_389 = arith.andi %get3A_380, %and3A_388 : vector<16xi32>
      %shift_left3A_390 = arith.constant 7 : i32
      %shift_left3A_391 = vector.broadcast %shift_left3A_390 : i32 to vector<16xi32>
      %shift_left3A_392 = arith.shli %and3A_389, %shift_left3A_391 : vector<16xi32>
      %add3A_393 = arith.addi %shift_left3A_386, %shift_left3A_392 : vector<16xi32>
      %and3A_394 = arith.constant 7168 : i32
      %and3A_395 = arith.andi %add3A_377, %and3A_394 : i32
      %and3A_396 = arith.constant 127 : i32
      %and3A_397 = arith.andi %add3A_377, %and3A_396 : i32
      %add3A_398 = arith.addi %and3A_395, %and3A_397 : i32
      %add3A_399 = vector.broadcast %add3A_398 : i32 to vector<16xi32>
      %add3A_400 = arith.addi %add3A_399, %iota3A : vector<16xi32>
      %add3A_401 = arith.addi %add3A_393, %add3A_400 : vector<16xi32>
      %swap3A_402 = arith.index_cast %mul3A_374 : i32 to index
      %swap3A_403 = tpu.vector_load %arg5[%swap3A_402] {strides = array<i32>} : memref<6400xi32, #tpu.memory_space<vmem>>, vector<16xi32>,
      %swap3A_404 = vector.shape_cast %swap3A_403 : vector<16xi32> to vector<16xi32>
      %swap3A_405 = vector.shape_cast %add3A_401 : vector<16xi32> to vector<16xi32>
      tpu.vector_store %arg5[%swap3A_402], %swap3A_405 {strides = array<i32>} : memref<6400xi32, #tpu.memory_space<vmem>>, vector<16xi32>,
      %mul3A_406 = arith.constant 8 : i32
      %mul3A_407 = arith.muli %scan3A_188, %mul3A_406 : i32
      %add3A_408 = arith.constant 6 : i32
      %add3A_409 = arith.addi %mul3A_407, %add3A_408 : i32
      %mul3A_410 = arith.constant 16 : i32
      %mul3A_411 = arith.muli %add3A_409, %mul3A_410 : i32
      %mul3A_412 = arith.constant 16 : i32
      %mul3A_413 = arith.muli %add3A_409, %mul3A_412 : i32
      %add3A_414 = arith.addi %multiple_of3A, %mul3A_413 : i32
      %get3A_415 = arith.index_cast %mul3A_411 : i32 to index
      %get3A_416 = tpu.vector_load %arg5[%get3A_415] {strides = array<i32>} : memref<6400xi32, #tpu.memory_space<vmem>>, vector<16xi32>,
      %get3A_417 = vector.shape_cast %get3A_416 : vector<16xi32> to vector<16xi32>
      %shift_right_arithmetic3A_418 = arith.constant 3 : i32
      %shift_right_arithmetic3A_419 = vector.broadcast %shift_right_arithmetic3A_418 : i32 to vector<16xi32>
      %shift_right_arithmetic3A_420 = arith.shrsi %get3A_417, %shift_right_arithmetic3A_419 : vector<16xi32>
      %shift_left3A_421 = arith.constant 13 : i32
      %shift_left3A_422 = vector.broadcast %shift_left3A_421 : i32 to vector<16xi32>
      %shift_left3A_423 = arith.shli %shift_right_arithmetic3A_420, %shift_left3A_422 : vector<16xi32>
      %and3A_424 = arith.constant 7 : i32
      %and3A_425 = vector.broadcast %and3A_424 : i32 to vector<16xi32>
      %and3A_426 = arith.andi %get3A_417, %and3A_425 : vector<16xi32>
      %shift_left3A_427 = arith.constant 7 : i32
      %shift_left3A_428 = vector.broadcast %shift_left3A_427 : i32 to vector<16xi32>
      %shift_left3A_429 = arith.shli %and3A_426, %shift_left3A_428 : vector<16xi32>
      %add3A_430 = arith.addi %shift_left3A_423, %shift_left3A_429 : vector<16xi32>
      %and3A_431 = arith.constant 7168 : i32
      %and3A_432 = arith.andi %add3A_414, %and3A_431 : i32
      %and3A_433 = arith.constant 127 : i32
      %and3A_434 = arith.andi %add3A_414, %and3A_433 : i32
      %add3A_435 = arith.addi %and3A_432, %and3A_434 : i32
      %add3A_436 = vector.broadcast %add3A_435 : i32 to vector<16xi32>
      %add3A_437 = arith.addi %add3A_436, %iota3A : vector<16xi32>
      %add3A_438 = arith.addi %add3A_430, %add3A_437 : vector<16xi32>
      %swap3A_439 = arith.index_cast %mul3A_411 : i32 to index
      %swap3A_440 = tpu.vector_load %arg5[%swap3A_439] {strides = array<i32>} : memref<6400xi32, #tpu.memory_space<vmem>>, vector<16xi32>,
      %swap3A_441 = vector.shape_cast %swap3A_440 : vector<16xi32> to vector<16xi32>
      %swap3A_442 = vector.shape_cast %add3A_438 : vector<16xi32> to vector<16xi32>
      tpu.vector_store %arg5[%swap3A_439], %swap3A_442 {strides = array<i32>} : memref<6400xi32, #tpu.memory_space<vmem>>, vector<16xi32>,
      %mul3A_443 = arith.constant 8 : i32
      %mul3A_444 = arith.muli %scan3A_188, %mul3A_443 : i32
      %add3A_445 = arith.constant 7 : i32
      %add3A_446 = arith.addi %mul3A_444, %add3A_445 : i32
      %mul3A_447 = arith.constant 16 : i32
      %mul3A_448 = arith.muli %add3A_446, %mul3A_447 : i32
      %mul3A_449 = arith.constant 16 : i32
      %mul3A_450 = arith.muli %add3A_446, %mul3A_449 : i32
      %add3A_451 = arith.addi %multiple_of3A, %mul3A_450 : i32
      %get3A_452 = arith.index_cast %mul3A_448 : i32 to index
      %get3A_453 = tpu.vector_load %arg5[%get3A_452] {strides = array<i32>} : memref<6400xi32, #tpu.memory_space<vmem>>, vector<16xi32>,
      %get3A_454 = vector.shape_cast %get3A_453 : vector<16xi32> to vector<16xi32>
      %shift_right_arithmetic3A_455 = arith.constant 3 : i32
      %shift_right_arithmetic3A_456 = vector.broadcast %shift_right_arithmetic3A_455 : i32 to vector<16xi32>
      %shift_right_arithmetic3A_457 = arith.shrsi %get3A_454, %shift_right_arithmetic3A_456 : vector<16xi32>
      %shift_left3A_458 = arith.constant 13 : i32
      %shift_left3A_459 = vector.broadcast %shift_left3A_458 : i32 to vector<16xi32>
      %shift_left3A_460 = arith.shli %shift_right_arithmetic3A_457, %shift_left3A_459 : vector<16xi32>
      %and3A_461 = arith.constant 7 : i32
      %and3A_462 = vector.broadcast %and3A_461 : i32 to vector<16xi32>
      %and3A_463 = arith.andi %get3A_454, %and3A_462 : vector<16xi32>
      %shift_left3A_464 = arith.constant 7 : i32
      %shift_left3A_465 = vector.broadcast %shift_left3A_464 : i32 to vector<16xi32>
      %shift_left3A_466 = arith.shli %and3A_463, %shift_left3A_465 : vector<16xi32>
      %add3A_467 = arith.addi %shift_left3A_460, %shift_left3A_466 : vector<16xi32>
      %and3A_468 = arith.constant 7168 : i32
      %and3A_469 = arith.andi %add3A_451, %and3A_468 : i32
      %and3A_470 = arith.constant 127 : i32
      %and3A_471 = arith.andi %add3A_451, %and3A_470 : i32
      %add3A_472 = arith.addi %and3A_469, %and3A_471 : i32
      %add3A_473 = vector.broadcast %add3A_472 : i32 to vector<16xi32>
      %add3A_474 = arith.addi %add3A_473, %iota3A : vector<16xi32>
      %add3A_475 = arith.addi %add3A_467, %add3A_474 : vector<16xi32>
      %swap3A_476 = arith.index_cast %mul3A_448 : i32 to index
      %swap3A_477 = tpu.vector_load %arg5[%swap3A_476] {strides = array<i32>} : memref<6400xi32, #tpu.memory_space<vmem>>, vector<16xi32>,
      %swap3A_478 = vector.shape_cast %swap3A_477 : vector<16xi32> to vector<16xi32>
      %swap3A_479 = vector.shape_cast %add3A_475 : vector<16xi32> to vector<16xi32>
      tpu.vector_store %arg5[%swap3A_476], %swap3A_479 {strides = array<i32>} : memref<6400xi32, #tpu.memory_space<vmem>>, vector<16xi32>,
    }
    %scan3A_67 = arith.constant 12 : i32
    %multiple_of3A_68 = arith.constant 1792 : i32
    %multiple_of3A_69 = tpu.assume_multiple %multiple_of3A_68, 8 : i32
    %dma_start3A_70 = tpu.memref_slice %arg6[%multiple_of3A_69] : memref<6400xf32, #tpu.memory_space<vmem>> -> memref<1536xf32, #tpu.memory_space<vmem>>
    %dma_start3A_71 = tpu.memref_slice %arg5[%multiple_of3A_69] : memref<6400xi32, #tpu.memory_space<vmem>> -> memref<1536xi32, #tpu.memory_space<vmem>>
    %dma_start3A_72 = arith.constant 0 : i32
    %dma_start3A_73 = tpu.memref_slice %arg2[%dma_start3A_72] : memref<102400000xf32, #tpu.memory_space<hbm>> -> memref<102400000xf32, #tpu.memory_space<hbm>>
    tpu.enqueue_indirect_dma source(%dma_start3A_73 : memref<102400000xf32, #tpu.memory_space<hbm>>) target(%dma_start3A_70 : memref<1536xf32, #tpu.memory_space<vmem>>) offsets(%dma_start3A_71 : memref<1536xi32, #tpu.memory_space<vmem>>) semaphore(%arg7 : memref<!tpu.dma_semaphore, #tpu.memory_space<semaphore_mem>>)
    %scan3A_74 = arith.constant 0 : i32
    %scan3A_75 = arith.constant 26 : i32
    %scan3A_76 = arith.constant 12 : i32
    %scan3A_77 = arith.addi %scan3A_75, %scan3A_76 : i32
    %scan3A_78 = arith.constant 1 : i32
    scf.for %scan3A_188 = %scan3A_75 to %scan3A_77 step %scan3A_78  : i32 {
      %mul3A_189 = arith.constant 8 : i32
      %mul3A_190 = arith.muli %scan3A_188, %mul3A_189 : i32
      %add3A_191 = arith.constant 0 : i32
      %add3A_192 = arith.addi %mul3A_190, %add3A_191 : i32
      %mul3A_193 = arith.constant 16 : i32
      %mul3A_194 = arith.muli %add3A_192, %mul3A_193 : i32
      %mul3A_195 = arith.constant 16 : i32
      %mul3A_196 = arith.muli %add3A_192, %mul3A_195 : i32
      %add3A_197 = arith.addi %multiple_of3A, %mul3A_196 : i32
      %get3A = arith.index_cast %mul3A_194 : i32 to index
      %get3A_198 = tpu.vector_load %arg5[%get3A] {strides = array<i32>} : memref<6400xi32, #tpu.memory_space<vmem>>, vector<16xi32>,
      %get3A_199 = vector.shape_cast %get3A_198 : vector<16xi32> to vector<16xi32>
      %shift_right_arithmetic3A = arith.constant 3 : i32
      %shift_right_arithmetic3A_200 = vector.broadcast %shift_right_arithmetic3A : i32 to vector<16xi32>
      %shift_right_arithmetic3A_201 = arith.shrsi %get3A_199, %shift_right_arithmetic3A_200 : vector<16xi32>
      %shift_left3A = arith.constant 13 : i32
      %shift_left3A_202 = vector.broadcast %shift_left3A : i32 to vector<16xi32>
      %shift_left3A_203 = arith.shli %shift_right_arithmetic3A_201, %shift_left3A_202 : vector<16xi32>
      %and3A = arith.constant 7 : i32
      %and3A_204 = vector.broadcast %and3A : i32 to vector<16xi32>
      %and3A_205 = arith.andi %get3A_199, %and3A_204 : vector<16xi32>
      %shift_left3A_206 = arith.constant 7 : i32
      %shift_left3A_207 = vector.broadcast %shift_left3A_206 : i32 to vector<16xi32>
      %shift_left3A_208 = arith.shli %and3A_205, %shift_left3A_207 : vector<16xi32>
      %add3A_209 = arith.addi %shift_left3A_203, %shift_left3A_208 : vector<16xi32>
      %and3A_210 = arith.constant 7168 : i32
      %and3A_211 = arith.andi %add3A_197, %and3A_210 : i32
      %and3A_212 = arith.constant 127 : i32
      %and3A_213 = arith.andi %add3A_197, %and3A_212 : i32
      %add3A_214 = arith.addi %and3A_211, %and3A_213 : i32
      %add3A_215 = vector.broadcast %add3A_214 : i32 to vector<16xi32>
      %add3A_216 = arith.addi %add3A_215, %iota3A : vector<16xi32>
      %add3A_217 = arith.addi %add3A_209, %add3A_216 : vector<16xi32>
      %swap3A = arith.index_cast %mul3A_194 : i32 to index
      %swap3A_218 = tpu.vector_load %arg5[%swap3A] {strides = array<i32>} : memref<6400xi32, #tpu.memory_space<vmem>>, vector<16xi32>,
      %swap3A_219 = vector.shape_cast %swap3A_218 : vector<16xi32> to vector<16xi32>
      %swap3A_220 = vector.shape_cast %add3A_217 : vector<16xi32> to vector<16xi32>
      tpu.vector_store %arg5[%swap3A], %swap3A_220 {strides = array<i32>} : memref<6400xi32, #tpu.memory_space<vmem>>, vector<16xi32>,
      %mul3A_221 = arith.constant 8 : i32
      %mul3A_222 = arith.muli %scan3A_188, %mul3A_221 : i32
      %add3A_223 = arith.constant 1 : i32
      %add3A_224 = arith.addi %mul3A_222, %add3A_223 : i32
      %mul3A_225 = arith.constant 16 : i32
      %mul3A_226 = arith.muli %add3A_224, %mul3A_225 : i32
      %mul3A_227 = arith.constant 16 : i32
      %mul3A_228 = arith.muli %add3A_224, %mul3A_227 : i32
      %add3A_229 = arith.addi %multiple_of3A, %mul3A_228 : i32
      %get3A_230 = arith.index_cast %mul3A_226 : i32 to index
      %get3A_231 = tpu.vector_load %arg5[%get3A_230] {strides = array<i32>} : memref<6400xi32, #tpu.memory_space<vmem>>, vector<16xi32>,
      %get3A_232 = vector.shape_cast %get3A_231 : vector<16xi32> to vector<16xi32>
      %shift_right_arithmetic3A_233 = arith.constant 3 : i32
      %shift_right_arithmetic3A_234 = vector.broadcast %shift_right_arithmetic3A_233 : i32 to vector<16xi32>
      %shift_right_arithmetic3A_235 = arith.shrsi %get3A_232, %shift_right_arithmetic3A_234 : vector<16xi32>
      %shift_left3A_236 = arith.constant 13 : i32
      %shift_left3A_237 = vector.broadcast %shift_left3A_236 : i32 to vector<16xi32>
      %shift_left3A_238 = arith.shli %shift_right_arithmetic3A_235, %shift_left3A_237 : vector<16xi32>
      %and3A_239 = arith.constant 7 : i32
      %and3A_240 = vector.broadcast %and3A_239 : i32 to vector<16xi32>
      %and3A_241 = arith.andi %get3A_232, %and3A_240 : vector<16xi32>
      %shift_left3A_242 = arith.constant 7 : i32
      %shift_left3A_243 = vector.broadcast %shift_left3A_242 : i32 to vector<16xi32>
      %shift_left3A_244 = arith.shli %and3A_241, %shift_left3A_243 : vector<16xi32>
      %add3A_245 = arith.addi %shift_left3A_238, %shift_left3A_244 : vector<16xi32>
      %and3A_246 = arith.constant 7168 : i32
      %and3A_247 = arith.andi %add3A_229, %and3A_246 : i32
      %and3A_248 = arith.constant 127 : i32
      %and3A_249 = arith.andi %add3A_229, %and3A_248 : i32
      %add3A_250 = arith.addi %and3A_247, %and3A_249 : i32
      %add3A_251 = vector.broadcast %add3A_250 : i32 to vector<16xi32>
      %add3A_252 = arith.addi %add3A_251, %iota3A : vector<16xi32>
      %add3A_253 = arith.addi %add3A_245, %add3A_252 : vector<16xi32>
      %swap3A_254 = arith.index_cast %mul3A_226 : i32 to index
      %swap3A_255 = tpu.vector_load %arg5[%swap3A_254] {strides = array<i32>} : memref<6400xi32, #tpu.memory_space<vmem>>, vector<16xi32>,
      %swap3A_256 = vector.shape_cast %swap3A_255 : vector<16xi32> to vector<16xi32>
      %swap3A_257 = vector.shape_cast %add3A_253 : vector<16xi32> to vector<16xi32>
      tpu.vector_store %arg5[%swap3A_254], %swap3A_257 {strides = array<i32>} : memref<6400xi32, #tpu.memory_space<vmem>>, vector<16xi32>,
      %mul3A_258 = arith.constant 8 : i32
      %mul3A_259 = arith.muli %scan3A_188, %mul3A_258 : i32
      %add3A_260 = arith.constant 2 : i32
      %add3A_261 = arith.addi %mul3A_259, %add3A_260 : i32
      %mul3A_262 = arith.constant 16 : i32
      %mul3A_263 = arith.muli %add3A_261, %mul3A_262 : i32
      %mul3A_264 = arith.constant 16 : i32
      %mul3A_265 = arith.muli %add3A_261, %mul3A_264 : i32
      %add3A_266 = arith.addi %multiple_of3A, %mul3A_265 : i32
      %get3A_267 = arith.index_cast %mul3A_263 : i32 to index
      %get3A_268 = tpu.vector_load %arg5[%get3A_267] {strides = array<i32>} : memref<6400xi32, #tpu.memory_space<vmem>>, vector<16xi32>,
      %get3A_269 = vector.shape_cast %get3A_268 : vector<16xi32> to vector<16xi32>
      %shift_right_arithmetic3A_270 = arith.constant 3 : i32
      %shift_right_arithmetic3A_271 = vector.broadcast %shift_right_arithmetic3A_270 : i32 to vector<16xi32>
      %shift_right_arithmetic3A_272 = arith.shrsi %get3A_269, %shift_right_arithmetic3A_271 : vector<16xi32>
      %shift_left3A_273 = arith.constant 13 : i32
      %shift_left3A_274 = vector.broadcast %shift_left3A_273 : i32 to vector<16xi32>
      %shift_left3A_275 = arith.shli %shift_right_arithmetic3A_272, %shift_left3A_274 : vector<16xi32>
      %and3A_276 = arith.constant 7 : i32
      %and3A_277 = vector.broadcast %and3A_276 : i32 to vector<16xi32>
      %and3A_278 = arith.andi %get3A_269, %and3A_277 : vector<16xi32>
      %shift_left3A_279 = arith.constant 7 : i32
      %shift_left3A_280 = vector.broadcast %shift_left3A_279 : i32 to vector<16xi32>
      %shift_left3A_281 = arith.shli %and3A_278, %shift_left3A_280 : vector<16xi32>
      %add3A_282 = arith.addi %shift_left3A_275, %shift_left3A_281 : vector<16xi32>
      %and3A_283 = arith.constant 7168 : i32
      %and3A_284 = arith.andi %add3A_266, %and3A_283 : i32
      %and3A_285 = arith.constant 127 : i32
      %and3A_286 = arith.andi %add3A_266, %and3A_285 : i32
      %add3A_287 = arith.addi %and3A_284, %and3A_286 : i32
      %add3A_288 = vector.broadcast %add3A_287 : i32 to vector<16xi32>
      %add3A_289 = arith.addi %add3A_288, %iota3A : vector<16xi32>
      %add3A_290 = arith.addi %add3A_282, %add3A_289 : vector<16xi32>
      %swap3A_291 = arith.index_cast %mul3A_263 : i32 to index
      %swap3A_292 = tpu.vector_load %arg5[%swap3A_291] {strides = array<i32>} : memref<6400xi32, #tpu.memory_space<vmem>>, vector<16xi32>,
      %swap3A_293 = vector.shape_cast %swap3A_292 : vector<16xi32> to vector<16xi32>
      %swap3A_294 = vector.shape_cast %add3A_290 : vector<16xi32> to vector<16xi32>
      tpu.vector_store %arg5[%swap3A_291], %swap3A_294 {strides = array<i32>} : memref<6400xi32, #tpu.memory_space<vmem>>, vector<16xi32>,
      %mul3A_295 = arith.constant 8 : i32
      %mul3A_296 = arith.muli %scan3A_188, %mul3A_295 : i32
      %add3A_297 = arith.constant 3 : i32
      %add3A_298 = arith.addi %mul3A_296, %add3A_297 : i32
      %mul3A_299 = arith.constant 16 : i32
      %mul3A_300 = arith.muli %add3A_298, %mul3A_299 : i32
      %mul3A_301 = arith.constant 16 : i32
      %mul3A_302 = arith.muli %add3A_298, %mul3A_301 : i32
      %add3A_303 = arith.addi %multiple_of3A, %mul3A_302 : i32
      %get3A_304 = arith.index_cast %mul3A_300 : i32 to index
      %get3A_305 = tpu.vector_load %arg5[%get3A_304] {strides = array<i32>} : memref<6400xi32, #tpu.memory_space<vmem>>, vector<16xi32>,
      %get3A_306 = vector.shape_cast %get3A_305 : vector<16xi32> to vector<16xi32>
      %shift_right_arithmetic3A_307 = arith.constant 3 : i32
      %shift_right_arithmetic3A_308 = vector.broadcast %shift_right_arithmetic3A_307 : i32 to vector<16xi32>
      %shift_right_arithmetic3A_309 = arith.shrsi %get3A_306, %shift_right_arithmetic3A_308 : vector<16xi32>
      %shift_left3A_310 = arith.constant 13 : i32
      %shift_left3A_311 = vector.broadcast %shift_left3A_310 : i32 to vector<16xi32>
      %shift_left3A_312 = arith.shli %shift_right_arithmetic3A_309, %shift_left3A_311 : vector<16xi32>
      %and3A_313 = arith.constant 7 : i32
      %and3A_314 = vector.broadcast %and3A_313 : i32 to vector<16xi32>
      %and3A_315 = arith.andi %get3A_306, %and3A_314 : vector<16xi32>
      %shift_left3A_316 = arith.constant 7 : i32
      %shift_left3A_317 = vector.broadcast %shift_left3A_316 : i32 to vector<16xi32>
      %shift_left3A_318 = arith.shli %and3A_315, %shift_left3A_317 : vector<16xi32>
      %add3A_319 = arith.addi %shift_left3A_312, %shift_left3A_318 : vector<16xi32>
      %and3A_320 = arith.constant 7168 : i32
      %and3A_321 = arith.andi %add3A_303, %and3A_320 : i32
      %and3A_322 = arith.constant 127 : i32
      %and3A_323 = arith.andi %add3A_303, %and3A_322 : i32
      %add3A_324 = arith.addi %and3A_321, %and3A_323 : i32
      %add3A_325 = vector.broadcast %add3A_324 : i32 to vector<16xi32>
      %add3A_326 = arith.addi %add3A_325, %iota3A : vector<16xi32>
      %add3A_327 = arith.addi %add3A_319, %add3A_326 : vector<16xi32>
      %swap3A_328 = arith.index_cast %mul3A_300 : i32 to index
      %swap3A_329 = tpu.vector_load %arg5[%swap3A_328] {strides = array<i32>} : memref<6400xi32, #tpu.memory_space<vmem>>, vector<16xi32>,
      %swap3A_330 = vector.shape_cast %swap3A_329 : vector<16xi32> to vector<16xi32>
      %swap3A_331 = vector.shape_cast %add3A_327 : vector<16xi32> to vector<16xi32>
      tpu.vector_store %arg5[%swap3A_328], %swap3A_331 {strides = array<i32>} : memref<6400xi32, #tpu.memory_space<vmem>>, vector<16xi32>,
      %mul3A_332 = arith.constant 8 : i32
      %mul3A_333 = arith.muli %scan3A_188, %mul3A_332 : i32
      %add3A_334 = arith.constant 4 : i32
      %add3A_335 = arith.addi %mul3A_333, %add3A_334 : i32
      %mul3A_336 = arith.constant 16 : i32
      %mul3A_337 = arith.muli %add3A_335, %mul3A_336 : i32
      %mul3A_338 = arith.constant 16 : i32
      %mul3A_339 = arith.muli %add3A_335, %mul3A_338 : i32
      %add3A_340 = arith.addi %multiple_of3A, %mul3A_339 : i32
      %get3A_341 = arith.index_cast %mul3A_337 : i32 to index
      %get3A_342 = tpu.vector_load %arg5[%get3A_341] {strides = array<i32>} : memref<6400xi32, #tpu.memory_space<vmem>>, vector<16xi32>,
      %get3A_343 = vector.shape_cast %get3A_342 : vector<16xi32> to vector<16xi32>
      %shift_right_arithmetic3A_344 = arith.constant 3 : i32
      %shift_right_arithmetic3A_345 = vector.broadcast %shift_right_arithmetic3A_344 : i32 to vector<16xi32>
      %shift_right_arithmetic3A_346 = arith.shrsi %get3A_343, %shift_right_arithmetic3A_345 : vector<16xi32>
      %shift_left3A_347 = arith.constant 13 : i32
      %shift_left3A_348 = vector.broadcast %shift_left3A_347 : i32 to vector<16xi32>
      %shift_left3A_349 = arith.shli %shift_right_arithmetic3A_346, %shift_left3A_348 : vector<16xi32>
      %and3A_350 = arith.constant 7 : i32
      %and3A_351 = vector.broadcast %and3A_350 : i32 to vector<16xi32>
      %and3A_352 = arith.andi %get3A_343, %and3A_351 : vector<16xi32>
      %shift_left3A_353 = arith.constant 7 : i32
      %shift_left3A_354 = vector.broadcast %shift_left3A_353 : i32 to vector<16xi32>
      %shift_left3A_355 = arith.shli %and3A_352, %shift_left3A_354 : vector<16xi32>
      %add3A_356 = arith.addi %shift_left3A_349, %shift_left3A_355 : vector<16xi32>
      %and3A_357 = arith.constant 7168 : i32
      %and3A_358 = arith.andi %add3A_340, %and3A_357 : i32
      %and3A_359 = arith.constant 127 : i32
      %and3A_360 = arith.andi %add3A_340, %and3A_359 : i32
      %add3A_361 = arith.addi %and3A_358, %and3A_360 : i32
      %add3A_362 = vector.broadcast %add3A_361 : i32 to vector<16xi32>
      %add3A_363 = arith.addi %add3A_362, %iota3A : vector<16xi32>
      %add3A_364 = arith.addi %add3A_356, %add3A_363 : vector<16xi32>
      %swap3A_365 = arith.index_cast %mul3A_337 : i32 to index
      %swap3A_366 = tpu.vector_load %arg5[%swap3A_365] {strides = array<i32>} : memref<6400xi32, #tpu.memory_space<vmem>>, vector<16xi32>,
      %swap3A_367 = vector.shape_cast %swap3A_366 : vector<16xi32> to vector<16xi32>
      %swap3A_368 = vector.shape_cast %add3A_364 : vector<16xi32> to vector<16xi32>
      tpu.vector_store %arg5[%swap3A_365], %swap3A_368 {strides = array<i32>} : memref<6400xi32, #tpu.memory_space<vmem>>, vector<16xi32>,
      %mul3A_369 = arith.constant 8 : i32
      %mul3A_370 = arith.muli %scan3A_188, %mul3A_369 : i32
      %add3A_371 = arith.constant 5 : i32
      %add3A_372 = arith.addi %mul3A_370, %add3A_371 : i32
      %mul3A_373 = arith.constant 16 : i32
      %mul3A_374 = arith.muli %add3A_372, %mul3A_373 : i32
      %mul3A_375 = arith.constant 16 : i32
      %mul3A_376 = arith.muli %add3A_372, %mul3A_375 : i32
      %add3A_377 = arith.addi %multiple_of3A, %mul3A_376 : i32
      %get3A_378 = arith.index_cast %mul3A_374 : i32 to index
      %get3A_379 = tpu.vector_load %arg5[%get3A_378] {strides = array<i32>} : memref<6400xi32, #tpu.memory_space<vmem>>, vector<16xi32>,
      %get3A_380 = vector.shape_cast %get3A_379 : vector<16xi32> to vector<16xi32>
      %shift_right_arithmetic3A_381 = arith.constant 3 : i32
      %shift_right_arithmetic3A_382 = vector.broadcast %shift_right_arithmetic3A_381 : i32 to vector<16xi32>
      %shift_right_arithmetic3A_383 = arith.shrsi %get3A_380, %shift_right_arithmetic3A_382 : vector<16xi32>
      %shift_left3A_384 = arith.constant 13 : i32
      %shift_left3A_385 = vector.broadcast %shift_left3A_384 : i32 to vector<16xi32>
      %shift_left3A_386 = arith.shli %shift_right_arithmetic3A_383, %shift_left3A_385 : vector<16xi32>
      %and3A_387 = arith.constant 7 : i32
      %and3A_388 = vector.broadcast %and3A_387 : i32 to vector<16xi32>
      %and3A_389 = arith.andi %get3A_380, %and3A_388 : vector<16xi32>
      %shift_left3A_390 = arith.constant 7 : i32
      %shift_left3A_391 = vector.broadcast %shift_left3A_390 : i32 to vector<16xi32>
      %shift_left3A_392 = arith.shli %and3A_389, %shift_left3A_391 : vector<16xi32>
      %add3A_393 = arith.addi %shift_left3A_386, %shift_left3A_392 : vector<16xi32>
      %and3A_394 = arith.constant 7168 : i32
      %and3A_395 = arith.andi %add3A_377, %and3A_394 : i32
      %and3A_396 = arith.constant 127 : i32
      %and3A_397 = arith.andi %add3A_377, %and3A_396 : i32
      %add3A_398 = arith.addi %and3A_395, %and3A_397 : i32
      %add3A_399 = vector.broadcast %add3A_398 : i32 to vector<16xi32>
      %add3A_400 = arith.addi %add3A_399, %iota3A : vector<16xi32>
      %add3A_401 = arith.addi %add3A_393, %add3A_400 : vector<16xi32>
      %swap3A_402 = arith.index_cast %mul3A_374 : i32 to index
      %swap3A_403 = tpu.vector_load %arg5[%swap3A_402] {strides = array<i32>} : memref<6400xi32, #tpu.memory_space<vmem>>, vector<16xi32>,
      %swap3A_404 = vector.shape_cast %swap3A_403 : vector<16xi32> to vector<16xi32>
      %swap3A_405 = vector.shape_cast %add3A_401 : vector<16xi32> to vector<16xi32>
      tpu.vector_store %arg5[%swap3A_402], %swap3A_405 {strides = array<i32>} : memref<6400xi32, #tpu.memory_space<vmem>>, vector<16xi32>,
      %mul3A_406 = arith.constant 8 : i32
      %mul3A_407 = arith.muli %scan3A_188, %mul3A_406 : i32
      %add3A_408 = arith.constant 6 : i32
      %add3A_409 = arith.addi %mul3A_407, %add3A_408 : i32
      %mul3A_410 = arith.constant 16 : i32
      %mul3A_411 = arith.muli %add3A_409, %mul3A_410 : i32
      %mul3A_412 = arith.constant 16 : i32
      %mul3A_413 = arith.muli %add3A_409, %mul3A_412 : i32
      %add3A_414 = arith.addi %multiple_of3A, %mul3A_413 : i32
      %get3A_415 = arith.index_cast %mul3A_411 : i32 to index
      %get3A_416 = tpu.vector_load %arg5[%get3A_415] {strides = array<i32>} : memref<6400xi32, #tpu.memory_space<vmem>>, vector<16xi32>,
      %get3A_417 = vector.shape_cast %get3A_416 : vector<16xi32> to vector<16xi32>
      %shift_right_arithmetic3A_418 = arith.constant 3 : i32
      %shift_right_arithmetic3A_419 = vector.broadcast %shift_right_arithmetic3A_418 : i32 to vector<16xi32>
      %shift_right_arithmetic3A_420 = arith.shrsi %get3A_417, %shift_right_arithmetic3A_419 : vector<16xi32>
      %shift_left3A_421 = arith.constant 13 : i32
      %shift_left3A_422 = vector.broadcast %shift_left3A_421 : i32 to vector<16xi32>
      %shift_left3A_423 = arith.shli %shift_right_arithmetic3A_420, %shift_left3A_422 : vector<16xi32>
      %and3A_424 = arith.constant 7 : i32
      %and3A_425 = vector.broadcast %and3A_424 : i32 to vector<16xi32>
      %and3A_426 = arith.andi %get3A_417, %and3A_425 : vector<16xi32>
      %shift_left3A_427 = arith.constant 7 : i32
      %shift_left3A_428 = vector.broadcast %shift_left3A_427 : i32 to vector<16xi32>
      %shift_left3A_429 = arith.shli %and3A_426, %shift_left3A_428 : vector<16xi32>
      %add3A_430 = arith.addi %shift_left3A_423, %shift_left3A_429 : vector<16xi32>
      %and3A_431 = arith.constant 7168 : i32
      %and3A_432 = arith.andi %add3A_414, %and3A_431 : i32
      %and3A_433 = arith.constant 127 : i32
      %and3A_434 = arith.andi %add3A_414, %and3A_433 : i32
      %add3A_435 = arith.addi %and3A_432, %and3A_434 : i32
      %add3A_436 = vector.broadcast %add3A_435 : i32 to vector<16xi32>
      %add3A_437 = arith.addi %add3A_436, %iota3A : vector<16xi32>
      %add3A_438 = arith.addi %add3A_430, %add3A_437 : vector<16xi32>
      %swap3A_439 = arith.index_cast %mul3A_411 : i32 to index
      %swap3A_440 = tpu.vector_load %arg5[%swap3A_439] {strides = array<i32>} : memref<6400xi32, #tpu.memory_space<vmem>>, vector<16xi32>,
      %swap3A_441 = vector.shape_cast %swap3A_440 : vector<16xi32> to vector<16xi32>
      %swap3A_442 = vector.shape_cast %add3A_438 : vector<16xi32> to vector<16xi32>
      tpu.vector_store %arg5[%swap3A_439], %swap3A_442 {strides = array<i32>} : memref<6400xi32, #tpu.memory_space<vmem>>, vector<16xi32>,
      %mul3A_443 = arith.constant 8 : i32
      %mul3A_444 = arith.muli %scan3A_188, %mul3A_443 : i32
      %add3A_445 = arith.constant 7 : i32
      %add3A_446 = arith.addi %mul3A_444, %add3A_445 : i32
      %mul3A_447 = arith.constant 16 : i32
      %mul3A_448 = arith.muli %add3A_446, %mul3A_447 : i32
      %mul3A_449 = arith.constant 16 : i32
      %mul3A_450 = arith.muli %add3A_446, %mul3A_449 : i32
      %add3A_451 = arith.addi %multiple_of3A, %mul3A_450 : i32
      %get3A_452 = arith.index_cast %mul3A_448 : i32 to index
      %get3A_453 = tpu.vector_load %arg5[%get3A_452] {strides = array<i32>} : memref<6400xi32, #tpu.memory_space<vmem>>, vector<16xi32>,
      %get3A_454 = vector.shape_cast %get3A_453 : vector<16xi32> to vector<16xi32>
      %shift_right_arithmetic3A_455 = arith.constant 3 : i32
      %shift_right_arithmetic3A_456 = vector.broadcast %shift_right_arithmetic3A_455 : i32 to vector<16xi32>
      %shift_right_arithmetic3A_457 = arith.shrsi %get3A_454, %shift_right_arithmetic3A_456 : vector<16xi32>
      %shift_left3A_458 = arith.constant 13 : i32
      %shift_left3A_459 = vector.broadcast %shift_left3A_458 : i32 to vector<16xi32>
      %shift_left3A_460 = arith.shli %shift_right_arithmetic3A_457, %shift_left3A_459 : vector<16xi32>
      %and3A_461 = arith.constant 7 : i32
      %and3A_462 = vector.broadcast %and3A_461 : i32 to vector<16xi32>
      %and3A_463 = arith.andi %get3A_454, %and3A_462 : vector<16xi32>
      %shift_left3A_464 = arith.constant 7 : i32
      %shift_left3A_465 = vector.broadcast %shift_left3A_464 : i32 to vector<16xi32>
      %shift_left3A_466 = arith.shli %and3A_463, %shift_left3A_465 : vector<16xi32>
      %add3A_467 = arith.addi %shift_left3A_460, %shift_left3A_466 : vector<16xi32>
      %and3A_468 = arith.constant 7168 : i32
      %and3A_469 = arith.andi %add3A_451, %and3A_468 : i32
      %and3A_470 = arith.constant 127 : i32
      %and3A_471 = arith.andi %add3A_451, %and3A_470 : i32
      %add3A_472 = arith.addi %and3A_469, %and3A_471 : i32
      %add3A_473 = vector.broadcast %add3A_472 : i32 to vector<16xi32>
      %add3A_474 = arith.addi %add3A_473, %iota3A : vector<16xi32>
      %add3A_475 = arith.addi %add3A_467, %add3A_474 : vector<16xi32>
      %swap3A_476 = arith.index_cast %mul3A_448 : i32 to index
      %swap3A_477 = tpu.vector_load %arg5[%swap3A_476] {strides = array<i32>} : memref<6400xi32, #tpu.memory_space<vmem>>, vector<16xi32>,
      %swap3A_478 = vector.shape_cast %swap3A_477 : vector<16xi32> to vector<16xi32>
      %swap3A_479 = vector.shape_cast %add3A_475 : vector<16xi32> to vector<16xi32>
      tpu.vector_store %arg5[%swap3A_476], %swap3A_479 {strides = array<i32>} : memref<6400xi32, #tpu.memory_space<vmem>>, vector<16xi32>,
    }
    %scan3A_79 = arith.constant 12 : i32
    %multiple_of3A_80 = arith.constant 3328 : i32
    %multiple_of3A_81 = tpu.assume_multiple %multiple_of3A_80, 8 : i32
    %dma_start3A_82 = tpu.memref_slice %arg6[%multiple_of3A_81] : memref<6400xf32, #tpu.memory_space<vmem>> -> memref<1536xf32, #tpu.memory_space<vmem>>
    %dma_start3A_83 = tpu.memref_slice %arg5[%multiple_of3A_81] : memref<6400xi32, #tpu.memory_space<vmem>> -> memref<1536xi32, #tpu.memory_space<vmem>>
    %dma_start3A_84 = arith.constant 0 : i32
    %dma_start3A_85 = tpu.memref_slice %arg2[%dma_start3A_84] : memref<102400000xf32, #tpu.memory_space<hbm>> -> memref<102400000xf32, #tpu.memory_space<hbm>>
    tpu.enqueue_indirect_dma source(%dma_start3A_85 : memref<102400000xf32, #tpu.memory_space<hbm>>) target(%dma_start3A_82 : memref<1536xf32, #tpu.memory_space<vmem>>) offsets(%dma_start3A_83 : memref<1536xi32, #tpu.memory_space<vmem>>) semaphore(%arg7 : memref<!tpu.dma_semaphore, #tpu.memory_space<semaphore_mem>>)
    %scan3A_86 = arith.constant 0 : i32
    %scan3A_87 = arith.constant 38 : i32
    %scan3A_88 = arith.constant 12 : i32
    %scan3A_89 = arith.addi %scan3A_87, %scan3A_88 : i32
    %scan3A_90 = arith.constant 1 : i32
    scf.for %scan3A_188 = %scan3A_87 to %scan3A_89 step %scan3A_90  : i32 {
      %mul3A_189 = arith.constant 8 : i32
      %mul3A_190 = arith.muli %scan3A_188, %mul3A_189 : i32
      %add3A_191 = arith.constant 0 : i32
      %add3A_192 = arith.addi %mul3A_190, %add3A_191 : i32
      %mul3A_193 = arith.constant 16 : i32
      %mul3A_194 = arith.muli %add3A_192, %mul3A_193 : i32
      %mul3A_195 = arith.constant 16 : i32
      %mul3A_196 = arith.muli %add3A_192, %mul3A_195 : i32
      %add3A_197 = arith.addi %multiple_of3A, %mul3A_196 : i32
      %get3A = arith.index_cast %mul3A_194 : i32 to index
      %get3A_198 = tpu.vector_load %arg5[%get3A] {strides = array<i32>} : memref<6400xi32, #tpu.memory_space<vmem>>, vector<16xi32>,
      %get3A_199 = vector.shape_cast %get3A_198 : vector<16xi32> to vector<16xi32>
      %shift_right_arithmetic3A = arith.constant 3 : i32
      %shift_right_arithmetic3A_200 = vector.broadcast %shift_right_arithmetic3A : i32 to vector<16xi32>
      %shift_right_arithmetic3A_201 = arith.shrsi %get3A_199, %shift_right_arithmetic3A_200 : vector<16xi32>
      %shift_left3A = arith.constant 13 : i32
      %shift_left3A_202 = vector.broadcast %shift_left3A : i32 to vector<16xi32>
      %shift_left3A_203 = arith.shli %shift_right_arithmetic3A_201, %shift_left3A_202 : vector<16xi32>
      %and3A = arith.constant 7 : i32
      %and3A_204 = vector.broadcast %and3A : i32 to vector<16xi32>
      %and3A_205 = arith.andi %get3A_199, %and3A_204 : vector<16xi32>
      %shift_left3A_206 = arith.constant 7 : i32
      %shift_left3A_207 = vector.broadcast %shift_left3A_206 : i32 to vector<16xi32>
      %shift_left3A_208 = arith.shli %and3A_205, %shift_left3A_207 : vector<16xi32>
      %add3A_209 = arith.addi %shift_left3A_203, %shift_left3A_208 : vector<16xi32>
      %and3A_210 = arith.constant 7168 : i32
      %and3A_211 = arith.andi %add3A_197, %and3A_210 : i32
      %and3A_212 = arith.constant 127 : i32
      %and3A_213 = arith.andi %add3A_197, %and3A_212 : i32
      %add3A_214 = arith.addi %and3A_211, %and3A_213 : i32
      %add3A_215 = vector.broadcast %add3A_214 : i32 to vector<16xi32>
      %add3A_216 = arith.addi %add3A_215, %iota3A : vector<16xi32>
      %add3A_217 = arith.addi %add3A_209, %add3A_216 : vector<16xi32>
      %swap3A = arith.index_cast %mul3A_194 : i32 to index
      %swap3A_218 = tpu.vector_load %arg5[%swap3A] {strides = array<i32>} : memref<6400xi32, #tpu.memory_space<vmem>>, vector<16xi32>,
      %swap3A_219 = vector.shape_cast %swap3A_218 : vector<16xi32> to vector<16xi32>
      %swap3A_220 = vector.shape_cast %add3A_217 : vector<16xi32> to vector<16xi32>
      tpu.vector_store %arg5[%swap3A], %swap3A_220 {strides = array<i32>} : memref<6400xi32, #tpu.memory_space<vmem>>, vector<16xi32>,
      %mul3A_221 = arith.constant 8 : i32
      %mul3A_222 = arith.muli %scan3A_188, %mul3A_221 : i32
      %add3A_223 = arith.constant 1 : i32
      %add3A_224 = arith.addi %mul3A_222, %add3A_223 : i32
      %mul3A_225 = arith.constant 16 : i32
      %mul3A_226 = arith.muli %add3A_224, %mul3A_225 : i32
      %mul3A_227 = arith.constant 16 : i32
      %mul3A_228 = arith.muli %add3A_224, %mul3A_227 : i32
      %add3A_229 = arith.addi %multiple_of3A, %mul3A_228 : i32
      %get3A_230 = arith.index_cast %mul3A_226 : i32 to index
      %get3A_231 = tpu.vector_load %arg5[%get3A_230] {strides = array<i32>} : memref<6400xi32, #tpu.memory_space<vmem>>, vector<16xi32>,
      %get3A_232 = vector.shape_cast %get3A_231 : vector<16xi32> to vector<16xi32>
      %shift_right_arithmetic3A_233 = arith.constant 3 : i32
      %shift_right_arithmetic3A_234 = vector.broadcast %shift_right_arithmetic3A_233 : i32 to vector<16xi32>
      %shift_right_arithmetic3A_235 = arith.shrsi %get3A_232, %shift_right_arithmetic3A_234 : vector<16xi32>
      %shift_left3A_236 = arith.constant 13 : i32
      %shift_left3A_237 = vector.broadcast %shift_left3A_236 : i32 to vector<16xi32>
      %shift_left3A_238 = arith.shli %shift_right_arithmetic3A_235, %shift_left3A_237 : vector<16xi32>
      %and3A_239 = arith.constant 7 : i32
      %and3A_240 = vector.broadcast %and3A_239 : i32 to vector<16xi32>
      %and3A_241 = arith.andi %get3A_232, %and3A_240 : vector<16xi32>
      %shift_left3A_242 = arith.constant 7 : i32
      %shift_left3A_243 = vector.broadcast %shift_left3A_242 : i32 to vector<16xi32>
      %shift_left3A_244 = arith.shli %and3A_241, %shift_left3A_243 : vector<16xi32>
      %add3A_245 = arith.addi %shift_left3A_238, %shift_left3A_244 : vector<16xi32>
      %and3A_246 = arith.constant 7168 : i32
      %and3A_247 = arith.andi %add3A_229, %and3A_246 : i32
      %and3A_248 = arith.constant 127 : i32
      %and3A_249 = arith.andi %add3A_229, %and3A_248 : i32
      %add3A_250 = arith.addi %and3A_247, %and3A_249 : i32
      %add3A_251 = vector.broadcast %add3A_250 : i32 to vector<16xi32>
      %add3A_252 = arith.addi %add3A_251, %iota3A : vector<16xi32>
      %add3A_253 = arith.addi %add3A_245, %add3A_252 : vector<16xi32>
      %swap3A_254 = arith.index_cast %mul3A_226 : i32 to index
      %swap3A_255 = tpu.vector_load %arg5[%swap3A_254] {strides = array<i32>} : memref<6400xi32, #tpu.memory_space<vmem>>, vector<16xi32>,
      %swap3A_256 = vector.shape_cast %swap3A_255 : vector<16xi32> to vector<16xi32>
      %swap3A_257 = vector.shape_cast %add3A_253 : vector<16xi32> to vector<16xi32>
      tpu.vector_store %arg5[%swap3A_254], %swap3A_257 {strides = array<i32>} : memref<6400xi32, #tpu.memory_space<vmem>>, vector<16xi32>,
      %mul3A_258 = arith.constant 8 : i32
      %mul3A_259 = arith.muli %scan3A_188, %mul3A_258 : i32
      %add3A_260 = arith.constant 2 : i32
      %add3A_261 = arith.addi %mul3A_259, %add3A_260 : i32
      %mul3A_262 = arith.constant 16 : i32
      %mul3A_263 = arith.muli %add3A_261, %mul3A_262 : i32
      %mul3A_264 = arith.constant 16 : i32
      %mul3A_265 = arith.muli %add3A_261, %mul3A_264 : i32
      %add3A_266 = arith.addi %multiple_of3A, %mul3A_265 : i32
      %get3A_267 = arith.index_cast %mul3A_263 : i32 to index
      %get3A_268 = tpu.vector_load %arg5[%get3A_267] {strides = array<i32>} : memref<6400xi32, #tpu.memory_space<vmem>>, vector<16xi32>,
      %get3A_269 = vector.shape_cast %get3A_268 : vector<16xi32> to vector<16xi32>
      %shift_right_arithmetic3A_270 = arith.constant 3 : i32
      %shift_right_arithmetic3A_271 = vector.broadcast %shift_right_arithmetic3A_270 : i32 to vector<16xi32>
      %shift_right_arithmetic3A_272 = arith.shrsi %get3A_269, %shift_right_arithmetic3A_271 : vector<16xi32>
      %shift_left3A_273 = arith.constant 13 : i32
      %shift_left3A_274 = vector.broadcast %shift_left3A_273 : i32 to vector<16xi32>
      %shift_left3A_275 = arith.shli %shift_right_arithmetic3A_272, %shift_left3A_274 : vector<16xi32>
      %and3A_276 = arith.constant 7 : i32
      %and3A_277 = vector.broadcast %and3A_276 : i32 to vector<16xi32>
      %and3A_278 = arith.andi %get3A_269, %and3A_277 : vector<16xi32>
      %shift_left3A_279 = arith.constant 7 : i32
      %shift_left3A_280 = vector.broadcast %shift_left3A_279 : i32 to vector<16xi32>
      %shift_left3A_281 = arith.shli %and3A_278, %shift_left3A_280 : vector<16xi32>
      %add3A_282 = arith.addi %shift_left3A_275, %shift_left3A_281 : vector<16xi32>
      %and3A_283 = arith.constant 7168 : i32
      %and3A_284 = arith.andi %add3A_266, %and3A_283 : i32
      %and3A_285 = arith.constant 127 : i32
      %and3A_286 = arith.andi %add3A_266, %and3A_285 : i32
      %add3A_287 = arith.addi %and3A_284, %and3A_286 : i32
      %add3A_288 = vector.broadcast %add3A_287 : i32 to vector<16xi32>
      %add3A_289 = arith.addi %add3A_288, %iota3A : vector<16xi32>
      %add3A_290 = arith.addi %add3A_282, %add3A_289 : vector<16xi32>
      %swap3A_291 = arith.index_cast %mul3A_263 : i32 to index
      %swap3A_292 = tpu.vector_load %arg5[%swap3A_291] {strides = array<i32>} : memref<6400xi32, #tpu.memory_space<vmem>>, vector<16xi32>,
      %swap3A_293 = vector.shape_cast %swap3A_292 : vector<16xi32> to vector<16xi32>
      %swap3A_294 = vector.shape_cast %add3A_290 : vector<16xi32> to vector<16xi32>
      tpu.vector_store %arg5[%swap3A_291], %swap3A_294 {strides = array<i32>} : memref<6400xi32, #tpu.memory_space<vmem>>, vector<16xi32>,
      %mul3A_295 = arith.constant 8 : i32
      %mul3A_296 = arith.muli %scan3A_188, %mul3A_295 : i32
      %add3A_297 = arith.constant 3 : i32
      %add3A_298 = arith.addi %mul3A_296, %add3A_297 : i32
      %mul3A_299 = arith.constant 16 : i32
      %mul3A_300 = arith.muli %add3A_298, %mul3A_299 : i32
      %mul3A_301 = arith.constant 16 : i32
      %mul3A_302 = arith.muli %add3A_298, %mul3A_301 : i32
      %add3A_303 = arith.addi %multiple_of3A, %mul3A_302 : i32
      %get3A_304 = arith.index_cast %mul3A_300 : i32 to index
      %get3A_305 = tpu.vector_load %arg5[%get3A_304] {strides = array<i32>} : memref<6400xi32, #tpu.memory_space<vmem>>, vector<16xi32>,
      %get3A_306 = vector.shape_cast %get3A_305 : vector<16xi32> to vector<16xi32>
      %shift_right_arithmetic3A_307 = arith.constant 3 : i32
      %shift_right_arithmetic3A_308 = vector.broadcast %shift_right_arithmetic3A_307 : i32 to vector<16xi32>
      %shift_right_arithmetic3A_309 = arith.shrsi %get3A_306, %shift_right_arithmetic3A_308 : vector<16xi32>
      %shift_left3A_310 = arith.constant 13 : i32
      %shift_left3A_311 = vector.broadcast %shift_left3A_310 : i32 to vector<16xi32>
      %shift_left3A_312 = arith.shli %shift_right_arithmetic3A_309, %shift_left3A_311 : vector<16xi32>
      %and3A_313 = arith.constant 7 : i32
      %and3A_314 = vector.broadcast %and3A_313 : i32 to vector<16xi32>
      %and3A_315 = arith.andi %get3A_306, %and3A_314 : vector<16xi32>
      %shift_left3A_316 = arith.constant 7 : i32
      %shift_left3A_317 = vector.broadcast %shift_left3A_316 : i32 to vector<16xi32>
      %shift_left3A_318 = arith.shli %and3A_315, %shift_left3A_317 : vector<16xi32>
      %add3A_319 = arith.addi %shift_left3A_312, %shift_left3A_318 : vector<16xi32>
      %and3A_320 = arith.constant 7168 : i32
      %and3A_321 = arith.andi %add3A_303, %and3A_320 : i32
      %and3A_322 = arith.constant 127 : i32
      %and3A_323 = arith.andi %add3A_303, %and3A_322 : i32
      %add3A_324 = arith.addi %and3A_321, %and3A_323 : i32
      %add3A_325 = vector.broadcast %add3A_324 : i32 to vector<16xi32>
      %add3A_326 = arith.addi %add3A_325, %iota3A : vector<16xi32>
      %add3A_327 = arith.addi %add3A_319, %add3A_326 : vector<16xi32>
      %swap3A_328 = arith.index_cast %mul3A_300 : i32 to index
      %swap3A_329 = tpu.vector_load %arg5[%swap3A_328] {strides = array<i32>} : memref<6400xi32, #tpu.memory_space<vmem>>, vector<16xi32>,
      %swap3A_330 = vector.shape_cast %swap3A_329 : vector<16xi32> to vector<16xi32>
      %swap3A_331 = vector.shape_cast %add3A_327 : vector<16xi32> to vector<16xi32>
      tpu.vector_store %arg5[%swap3A_328], %swap3A_331 {strides = array<i32>} : memref<6400xi32, #tpu.memory_space<vmem>>, vector<16xi32>,
      %mul3A_332 = arith.constant 8 : i32
      %mul3A_333 = arith.muli %scan3A_188, %mul3A_332 : i32
      %add3A_334 = arith.constant 4 : i32
      %add3A_335 = arith.addi %mul3A_333, %add3A_334 : i32
      %mul3A_336 = arith.constant 16 : i32
      %mul3A_337 = arith.muli %add3A_335, %mul3A_336 : i32
      %mul3A_338 = arith.constant 16 : i32
      %mul3A_339 = arith.muli %add3A_335, %mul3A_338 : i32
      %add3A_340 = arith.addi %multiple_of3A, %mul3A_339 : i32
      %get3A_341 = arith.index_cast %mul3A_337 : i32 to index
      %get3A_342 = tpu.vector_load %arg5[%get3A_341] {strides = array<i32>} : memref<6400xi32, #tpu.memory_space<vmem>>, vector<16xi32>,
      %get3A_343 = vector.shape_cast %get3A_342 : vector<16xi32> to vector<16xi32>
      %shift_right_arithmetic3A_344 = arith.constant 3 : i32
      %shift_right_arithmetic3A_345 = vector.broadcast %shift_right_arithmetic3A_344 : i32 to vector<16xi32>
      %shift_right_arithmetic3A_346 = arith.shrsi %get3A_343, %shift_right_arithmetic3A_345 : vector<16xi32>
      %shift_left3A_347 = arith.constant 13 : i32
      %shift_left3A_348 = vector.broadcast %shift_left3A_347 : i32 to vector<16xi32>
      %shift_left3A_349 = arith.shli %shift_right_arithmetic3A_346, %shift_left3A_348 : vector<16xi32>
      %and3A_350 = arith.constant 7 : i32
      %and3A_351 = vector.broadcast %and3A_350 : i32 to vector<16xi32>
      %and3A_352 = arith.andi %get3A_343, %and3A_351 : vector<16xi32>
      %shift_left3A_353 = arith.constant 7 : i32
      %shift_left3A_354 = vector.broadcast %shift_left3A_353 : i32 to vector<16xi32>
      %shift_left3A_355 = arith.shli %and3A_352, %shift_left3A_354 : vector<16xi32>
      %add3A_356 = arith.addi %shift_left3A_349, %shift_left3A_355 : vector<16xi32>
      %and3A_357 = arith.constant 7168 : i32
      %and3A_358 = arith.andi %add3A_340, %and3A_357 : i32
      %and3A_359 = arith.constant 127 : i32
      %and3A_360 = arith.andi %add3A_340, %and3A_359 : i32
      %add3A_361 = arith.addi %and3A_358, %and3A_360 : i32
      %add3A_362 = vector.broadcast %add3A_361 : i32 to vector<16xi32>
      %add3A_363 = arith.addi %add3A_362, %iota3A : vector<16xi32>
      %add3A_364 = arith.addi %add3A_356, %add3A_363 : vector<16xi32>
      %swap3A_365 = arith.index_cast %mul3A_337 : i32 to index
      %swap3A_366 = tpu.vector_load %arg5[%swap3A_365] {strides = array<i32>} : memref<6400xi32, #tpu.memory_space<vmem>>, vector<16xi32>,
      %swap3A_367 = vector.shape_cast %swap3A_366 : vector<16xi32> to vector<16xi32>
      %swap3A_368 = vector.shape_cast %add3A_364 : vector<16xi32> to vector<16xi32>
      tpu.vector_store %arg5[%swap3A_365], %swap3A_368 {strides = array<i32>} : memref<6400xi32, #tpu.memory_space<vmem>>, vector<16xi32>,
      %mul3A_369 = arith.constant 8 : i32
      %mul3A_370 = arith.muli %scan3A_188, %mul3A_369 : i32
      %add3A_371 = arith.constant 5 : i32
      %add3A_372 = arith.addi %mul3A_370, %add3A_371 : i32
      %mul3A_373 = arith.constant 16 : i32
      %mul3A_374 = arith.muli %add3A_372, %mul3A_373 : i32
      %mul3A_375 = arith.constant 16 : i32
      %mul3A_376 = arith.muli %add3A_372, %mul3A_375 : i32
      %add3A_377 = arith.addi %multiple_of3A, %mul3A_376 : i32
      %get3A_378 = arith.index_cast %mul3A_374 : i32 to index
      %get3A_379 = tpu.vector_load %arg5[%get3A_378] {strides = array<i32>} : memref<6400xi32, #tpu.memory_space<vmem>>, vector<16xi32>,
      %get3A_380 = vector.shape_cast %get3A_379 : vector<16xi32> to vector<16xi32>
      %shift_right_arithmetic3A_381 = arith.constant 3 : i32
      %shift_right_arithmetic3A_382 = vector.broadcast %shift_right_arithmetic3A_381 : i32 to vector<16xi32>
      %shift_right_arithmetic3A_383 = arith.shrsi %get3A_380, %shift_right_arithmetic3A_382 : vector<16xi32>
      %shift_left3A_384 = arith.constant 13 : i32
      %shift_left3A_385 = vector.broadcast %shift_left3A_384 : i32 to vector<16xi32>
      %shift_left3A_386 = arith.shli %shift_right_arithmetic3A_383, %shift_left3A_385 : vector<16xi32>
      %and3A_387 = arith.constant 7 : i32
      %and3A_388 = vector.broadcast %and3A_387 : i32 to vector<16xi32>
      %and3A_389 = arith.andi %get3A_380, %and3A_388 : vector<16xi32>
      %shift_left3A_390 = arith.constant 7 : i32
      %shift_left3A_391 = vector.broadcast %shift_left3A_390 : i32 to vector<16xi32>
      %shift_left3A_392 = arith.shli %and3A_389, %shift_left3A_391 : vector<16xi32>
      %add3A_393 = arith.addi %shift_left3A_386, %shift_left3A_392 : vector<16xi32>
      %and3A_394 = arith.constant 7168 : i32
      %and3A_395 = arith.andi %add3A_377, %and3A_394 : i32
      %and3A_396 = arith.constant 127 : i32
      %and3A_397 = arith.andi %add3A_377, %and3A_396 : i32
      %add3A_398 = arith.addi %and3A_395, %and3A_397 : i32
      %add3A_399 = vector.broadcast %add3A_398 : i32 to vector<16xi32>
      %add3A_400 = arith.addi %add3A_399, %iota3A : vector<16xi32>
      %add3A_401 = arith.addi %add3A_393, %add3A_400 : vector<16xi32>
      %swap3A_402 = arith.index_cast %mul3A_374 : i32 to index
      %swap3A_403 = tpu.vector_load %arg5[%swap3A_402] {strides = array<i32>} : memref<6400xi32, #tpu.memory_space<vmem>>, vector<16xi32>,
      %swap3A_404 = vector.shape_cast %swap3A_403 : vector<16xi32> to vector<16xi32>
      %swap3A_405 = vector.shape_cast %add3A_401 : vector<16xi32> to vector<16xi32>
      tpu.vector_store %arg5[%swap3A_402], %swap3A_405 {strides = array<i32>} : memref<6400xi32, #tpu.memory_space<vmem>>, vector<16xi32>,
      %mul3A_406 = arith.constant 8 : i32
      %mul3A_407 = arith.muli %scan3A_188, %mul3A_406 : i32
      %add3A_408 = arith.constant 6 : i32
      %add3A_409 = arith.addi %mul3A_407, %add3A_408 : i32
      %mul3A_410 = arith.constant 16 : i32
      %mul3A_411 = arith.muli %add3A_409, %mul3A_410 : i32
      %mul3A_412 = arith.constant 16 : i32
      %mul3A_413 = arith.muli %add3A_409, %mul3A_412 : i32
      %add3A_414 = arith.addi %multiple_of3A, %mul3A_413 : i32
      %get3A_415 = arith.index_cast %mul3A_411 : i32 to index
      %get3A_416 = tpu.vector_load %arg5[%get3A_415] {strides = array<i32>} : memref<6400xi32, #tpu.memory_space<vmem>>, vector<16xi32>,
      %get3A_417 = vector.shape_cast %get3A_416 : vector<16xi32> to vector<16xi32>
      %shift_right_arithmetic3A_418 = arith.constant 3 : i32
      %shift_right_arithmetic3A_419 = vector.broadcast %shift_right_arithmetic3A_418 : i32 to vector<16xi32>
      %shift_right_arithmetic3A_420 = arith.shrsi %get3A_417, %shift_right_arithmetic3A_419 : vector<16xi32>
      %shift_left3A_421 = arith.constant 13 : i32
      %shift_left3A_422 = vector.broadcast %shift_left3A_421 : i32 to vector<16xi32>
      %shift_left3A_423 = arith.shli %shift_right_arithmetic3A_420, %shift_left3A_422 : vector<16xi32>
      %and3A_424 = arith.constant 7 : i32
      %and3A_425 = vector.broadcast %and3A_424 : i32 to vector<16xi32>
      %and3A_426 = arith.andi %get3A_417, %and3A_425 : vector<16xi32>
      %shift_left3A_427 = arith.constant 7 : i32
      %shift_left3A_428 = vector.broadcast %shift_left3A_427 : i32 to vector<16xi32>
      %shift_left3A_429 = arith.shli %and3A_426, %shift_left3A_428 : vector<16xi32>
      %add3A_430 = arith.addi %shift_left3A_423, %shift_left3A_429 : vector<16xi32>
      %and3A_431 = arith.constant 7168 : i32
      %and3A_432 = arith.andi %add3A_414, %and3A_431 : i32
      %and3A_433 = arith.constant 127 : i32
      %and3A_434 = arith.andi %add3A_414, %and3A_433 : i32
      %add3A_435 = arith.addi %and3A_432, %and3A_434 : i32
      %add3A_436 = vector.broadcast %add3A_435 : i32 to vector<16xi32>
      %add3A_437 = arith.addi %add3A_436, %iota3A : vector<16xi32>
      %add3A_438 = arith.addi %add3A_430, %add3A_437 : vector<16xi32>
      %swap3A_439 = arith.index_cast %mul3A_411 : i32 to index
      %swap3A_440 = tpu.vector_load %arg5[%swap3A_439] {strides = array<i32>} : memref<6400xi32, #tpu.memory_space<vmem>>, vector<16xi32>,
      %swap3A_441 = vector.shape_cast %swap3A_440 : vector<16xi32> to vector<16xi32>
      %swap3A_442 = vector.shape_cast %add3A_438 : vector<16xi32> to vector<16xi32>
      tpu.vector_store %arg5[%swap3A_439], %swap3A_442 {strides = array<i32>} : memref<6400xi32, #tpu.memory_space<vmem>>, vector<16xi32>,
      %mul3A_443 = arith.constant 8 : i32
      %mul3A_444 = arith.muli %scan3A_188, %mul3A_443 : i32
      %add3A_445 = arith.constant 7 : i32
      %add3A_446 = arith.addi %mul3A_444, %add3A_445 : i32
      %mul3A_447 = arith.constant 16 : i32
      %mul3A_448 = arith.muli %add3A_446, %mul3A_447 : i32
      %mul3A_449 = arith.constant 16 : i32
      %mul3A_450 = arith.muli %add3A_446, %mul3A_449 : i32
      %add3A_451 = arith.addi %multiple_of3A, %mul3A_450 : i32
      %get3A_452 = arith.index_cast %mul3A_448 : i32 to index
      %get3A_453 = tpu.vector_load %arg5[%get3A_452] {strides = array<i32>} : memref<6400xi32, #tpu.memory_space<vmem>>, vector<16xi32>,
      %get3A_454 = vector.shape_cast %get3A_453 : vector<16xi32> to vector<16xi32>
      %shift_right_arithmetic3A_455 = arith.constant 3 : i32
      %shift_right_arithmetic3A_456 = vector.broadcast %shift_right_arithmetic3A_455 : i32 to vector<16xi32>
      %shift_right_arithmetic3A_457 = arith.shrsi %get3A_454, %shift_right_arithmetic3A_456 : vector<16xi32>
      %shift_left3A_458 = arith.constant 13 : i32
      %shift_left3A_459 = vector.broadcast %shift_left3A_458 : i32 to vector<16xi32>
      %shift_left3A_460 = arith.shli %shift_right_arithmetic3A_457, %shift_left3A_459 : vector<16xi32>
      %and3A_461 = arith.constant 7 : i32
      %and3A_462 = vector.broadcast %and3A_461 : i32 to vector<16xi32>
      %and3A_463 = arith.andi %get3A_454, %and3A_462 : vector<16xi32>
      %shift_left3A_464 = arith.constant 7 : i32
      %shift_left3A_465 = vector.broadcast %shift_left3A_464 : i32 to vector<16xi32>
      %shift_left3A_466 = arith.shli %and3A_463, %shift_left3A_465 : vector<16xi32>
      %add3A_467 = arith.addi %shift_left3A_460, %shift_left3A_466 : vector<16xi32>
      %and3A_468 = arith.constant 7168 : i32
      %and3A_469 = arith.andi %add3A_451, %and3A_468 : i32
      %and3A_470 = arith.constant 127 : i32
      %and3A_471 = arith.andi %add3A_451, %and3A_470 : i32
      %add3A_472 = arith.addi %and3A_469, %and3A_471 : i32
      %add3A_473 = vector.broadcast %add3A_472 : i32 to vector<16xi32>
      %add3A_474 = arith.addi %add3A_473, %iota3A : vector<16xi32>
      %add3A_475 = arith.addi %add3A_467, %add3A_474 : vector<16xi32>
      %swap3A_476 = arith.index_cast %mul3A_448 : i32 to index
      %swap3A_477 = tpu.vector_load %arg5[%swap3A_476] {strides = array<i32>} : memref<6400xi32, #tpu.memory_space<vmem>>, vector<16xi32>,
      %swap3A_478 = vector.shape_cast %swap3A_477 : vector<16xi32> to vector<16xi32>
      %swap3A_479 = vector.shape_cast %add3A_475 : vector<16xi32> to vector<16xi32>
      tpu.vector_store %arg5[%swap3A_476], %swap3A_479 {strides = array<i32>} : memref<6400xi32, #tpu.memory_space<vmem>>, vector<16xi32>,
    }
    %scan3A_91 = arith.constant 12 : i32
    %multiple_of3A_92 = arith.constant 4864 : i32
    %multiple_of3A_93 = tpu.assume_multiple %multiple_of3A_92, 8 : i32
    %dma_start3A_94 = tpu.memref_slice %arg6[%multiple_of3A_93] : memref<6400xf32, #tpu.memory_space<vmem>> -> memref<1536xf32, #tpu.memory_space<vmem>>
    %dma_start3A_95 = tpu.memref_slice %arg5[%multiple_of3A_93] : memref<6400xi32, #tpu.memory_space<vmem>> -> memref<1536xi32, #tpu.memory_space<vmem>>
    %dma_start3A_96 = arith.constant 0 : i32
    %dma_start3A_97 = tpu.memref_slice %arg2[%dma_start3A_96] : memref<102400000xf32, #tpu.memory_space<hbm>> -> memref<102400000xf32, #tpu.memory_space<hbm>>
    tpu.enqueue_indirect_dma source(%dma_start3A_97 : memref<102400000xf32, #tpu.memory_space<hbm>>) target(%dma_start3A_94 : memref<1536xf32, #tpu.memory_space<vmem>>) offsets(%dma_start3A_95 : memref<1536xi32, #tpu.memory_space<vmem>>) semaphore(%arg7 : memref<!tpu.dma_semaphore, #tpu.memory_space<semaphore_mem>>)
    %dma_wait3A_98 = tpu.memref_slice %arg6[%multiple_of3A_27] : memref<6400xf32, #tpu.memory_space<vmem>> -> memref<256xf32, #tpu.memory_space<vmem>>
    %dma_wait3A_99 = tpu.memref_slice %arg5[%multiple_of3A_27] : memref<6400xi32, #tpu.memory_space<vmem>> -> memref<256xi32, #tpu.memory_space<vmem>>
    %dma_wait3A_100 = arith.constant 0 : i32
    %dma_wait3A_101 = tpu.memref_slice %arg2[%dma_wait3A_100] : memref<102400000xf32, #tpu.memory_space<hbm>> -> memref<102400000xf32, #tpu.memory_space<hbm>>
    tpu.wait_indirect_dma semaphore(%arg7 : memref<!tpu.dma_semaphore, #tpu.memory_space<semaphore_mem>>) src(%dma_wait3A_101 : memref<102400000xf32, #tpu.memory_space<hbm>>) dst(%dma_wait3A_98 : memref<256xf32, #tpu.memory_space<vmem>>)
    %multiple_of3A_102 = arith.constant 0 : i32
    %multiple_of3A_103 = tpu.assume_multiple %multiple_of3A_102, 8 : i32
    %add3A_104 = arith.addi %multiple_of3A, %multiple_of3A_103 : i32
    %dma_start3A_105 = tpu.memref_slice %arg6[%multiple_of3A_103] : memref<6400xf32, #tpu.memory_space<vmem>> -> memref<256xf32, #tpu.memory_space<vmem>>
    %dma_start3A_106 = tpu.memref_slice %arg4[%add3A_104] : memref<204800xf32, #tpu.memory_space<hbm>> -> memref<256xf32, #tpu.memory_space<hbm>>
    %dma_start3A_107 = tpu.memref_slice %arg4[%add3A_104] : memref<204800xf32, #tpu.memory_space<hbm>> -> memref<256xf32, #tpu.memory_space<hbm>>
    %dma_start3A_108 = tpu.memref_slice %arg6[%multiple_of3A_103] : memref<6400xf32, #tpu.memory_space<vmem>> -> memref<256xf32, #tpu.memory_space<vmem>>
    tpu.enqueue_dma source(%dma_start3A_108 : memref<256xf32, #tpu.memory_space<vmem>>) target(%dma_start3A_107 : memref<256xf32, #tpu.memory_space<hbm>>) target_semaphore(%arg9 : memref<!tpu.dma_semaphore, #tpu.memory_space<semaphore_mem>>)
    %dma_wait3A_109 = tpu.memref_slice %arg6[%multiple_of3A_39] : memref<6400xf32, #tpu.memory_space<vmem>> -> memref<512xf32, #tpu.memory_space<vmem>>
    %dma_wait3A_110 = tpu.memref_slice %arg5[%multiple_of3A_39] : memref<6400xi32, #tpu.memory_space<vmem>> -> memref<512xi32, #tpu.memory_space<vmem>>
    %dma_wait3A_111 = arith.constant 0 : i32
    %dma_wait3A_112 = tpu.memref_slice %arg2[%dma_wait3A_111] : memref<102400000xf32, #tpu.memory_space<hbm>> -> memref<102400000xf32, #tpu.memory_space<hbm>>
    tpu.wait_indirect_dma semaphore(%arg7 : memref<!tpu.dma_semaphore, #tpu.memory_space<semaphore_mem>>) src(%dma_wait3A_112 : memref<102400000xf32, #tpu.memory_space<hbm>>) dst(%dma_wait3A_109 : memref<512xf32, #tpu.memory_space<vmem>>)
    %multiple_of3A_113 = arith.constant 256 : i32
    %multiple_of3A_114 = tpu.assume_multiple %multiple_of3A_113, 8 : i32
    %add3A_115 = arith.addi %multiple_of3A, %multiple_of3A_114 : i32
    %dma_start3A_116 = tpu.memref_slice %arg6[%multiple_of3A_114] : memref<6400xf32, #tpu.memory_space<vmem>> -> memref<512xf32, #tpu.memory_space<vmem>>
    %dma_start3A_117 = tpu.memref_slice %arg4[%add3A_115] : memref<204800xf32, #tpu.memory_space<hbm>> -> memref<512xf32, #tpu.memory_space<hbm>>
    %dma_start3A_118 = tpu.memref_slice %arg4[%add3A_115] : memref<204800xf32, #tpu.memory_space<hbm>> -> memref<512xf32, #tpu.memory_space<hbm>>
    %dma_start3A_119 = tpu.memref_slice %arg6[%multiple_of3A_114] : memref<6400xf32, #tpu.memory_space<vmem>> -> memref<512xf32, #tpu.memory_space<vmem>>
    tpu.enqueue_dma source(%dma_start3A_119 : memref<512xf32, #tpu.memory_space<vmem>>) target(%dma_start3A_118 : memref<512xf32, #tpu.memory_space<hbm>>) target_semaphore(%arg9 : memref<!tpu.dma_semaphore, #tpu.memory_space<semaphore_mem>>)
    %dma_wait3A_120 = tpu.memref_slice %arg6[%multiple_of3A_51] : memref<6400xf32, #tpu.memory_space<vmem>> -> memref<1024xf32, #tpu.memory_space<vmem>>
    %dma_wait3A_121 = tpu.memref_slice %arg5[%multiple_of3A_51] : memref<6400xi32, #tpu.memory_space<vmem>> -> memref<1024xi32, #tpu.memory_space<vmem>>
    %dma_wait3A_122 = arith.constant 0 : i32
    %dma_wait3A_123 = tpu.memref_slice %arg2[%dma_wait3A_122] : memref<102400000xf32, #tpu.memory_space<hbm>> -> memref<102400000xf32, #tpu.memory_space<hbm>>
    tpu.wait_indirect_dma semaphore(%arg7 : memref<!tpu.dma_semaphore, #tpu.memory_space<semaphore_mem>>) src(%dma_wait3A_123 : memref<102400000xf32, #tpu.memory_space<hbm>>) dst(%dma_wait3A_120 : memref<1024xf32, #tpu.memory_space<vmem>>)
    %multiple_of3A_124 = arith.constant 768 : i32
    %multiple_of3A_125 = tpu.assume_multiple %multiple_of3A_124, 8 : i32
    %add3A_126 = arith.addi %multiple_of3A, %multiple_of3A_125 : i32
    %dma_start3A_127 = tpu.memref_slice %arg6[%multiple_of3A_125] : memref<6400xf32, #tpu.memory_space<vmem>> -> memref<1024xf32, #tpu.memory_space<vmem>>
    %dma_start3A_128 = tpu.memref_slice %arg4[%add3A_126] : memref<204800xf32, #tpu.memory_space<hbm>> -> memref<1024xf32, #tpu.memory_space<hbm>>
    %dma_start3A_129 = tpu.memref_slice %arg4[%add3A_126] : memref<204800xf32, #tpu.memory_space<hbm>> -> memref<1024xf32, #tpu.memory_space<hbm>>
    %dma_start3A_130 = tpu.memref_slice %arg6[%multiple_of3A_125] : memref<6400xf32, #tpu.memory_space<vmem>> -> memref<1024xf32, #tpu.memory_space<vmem>>
    tpu.enqueue_dma source(%dma_start3A_130 : memref<1024xf32, #tpu.memory_space<vmem>>) target(%dma_start3A_129 : memref<1024xf32, #tpu.memory_space<hbm>>) target_semaphore(%arg9 : memref<!tpu.dma_semaphore, #tpu.memory_space<semaphore_mem>>)
    %dma_wait3A_131 = tpu.memref_slice %arg6[%multiple_of3A_69] : memref<6400xf32, #tpu.memory_space<vmem>> -> memref<1536xf32, #tpu.memory_space<vmem>>
    %dma_wait3A_132 = tpu.memref_slice %arg5[%multiple_of3A_69] : memref<6400xi32, #tpu.memory_space<vmem>> -> memref<1536xi32, #tpu.memory_space<vmem>>
    %dma_wait3A_133 = arith.constant 0 : i32
    %dma_wait3A_134 = tpu.memref_slice %arg2[%dma_wait3A_133] : memref<102400000xf32, #tpu.memory_space<hbm>> -> memref<102400000xf32, #tpu.memory_space<hbm>>
    tpu.wait_indirect_dma semaphore(%arg7 : memref<!tpu.dma_semaphore, #tpu.memory_space<semaphore_mem>>) src(%dma_wait3A_134 : memref<102400000xf32, #tpu.memory_space<hbm>>) dst(%dma_wait3A_131 : memref<1536xf32, #tpu.memory_space<vmem>>)
    %multiple_of3A_135 = arith.constant 1792 : i32
    %multiple_of3A_136 = tpu.assume_multiple %multiple_of3A_135, 8 : i32
    %add3A_137 = arith.addi %multiple_of3A, %multiple_of3A_136 : i32
    %dma_start3A_138 = tpu.memref_slice %arg6[%multiple_of3A_136] : memref<6400xf32, #tpu.memory_space<vmem>> -> memref<1536xf32, #tpu.memory_space<vmem>>
    %dma_start3A_139 = tpu.memref_slice %arg4[%add3A_137] : memref<204800xf32, #tpu.memory_space<hbm>> -> memref<1536xf32, #tpu.memory_space<hbm>>
    %dma_start3A_140 = tpu.memref_slice %arg4[%add3A_137] : memref<204800xf32, #tpu.memory_space<hbm>> -> memref<1536xf32, #tpu.memory_space<hbm>>
    %dma_start3A_141 = tpu.memref_slice %arg6[%multiple_of3A_136] : memref<6400xf32, #tpu.memory_space<vmem>> -> memref<1536xf32, #tpu.memory_space<vmem>>
    tpu.enqueue_dma source(%dma_start3A_141 : memref<1536xf32, #tpu.memory_space<vmem>>) target(%dma_start3A_140 : memref<1536xf32, #tpu.memory_space<hbm>>) target_semaphore(%arg9 : memref<!tpu.dma_semaphore, #tpu.memory_space<semaphore_mem>>)
    %dma_wait3A_142 = tpu.memref_slice %arg6[%multiple_of3A_81] : memref<6400xf32, #tpu.memory_space<vmem>> -> memref<1536xf32, #tpu.memory_space<vmem>>
    %dma_wait3A_143 = tpu.memref_slice %arg5[%multiple_of3A_81] : memref<6400xi32, #tpu.memory_space<vmem>> -> memref<1536xi32, #tpu.memory_space<vmem>>
    %dma_wait3A_144 = arith.constant 0 : i32
    %dma_wait3A_145 = tpu.memref_slice %arg2[%dma_wait3A_144] : memref<102400000xf32, #tpu.memory_space<hbm>> -> memref<102400000xf32, #tpu.memory_space<hbm>>
    tpu.wait_indirect_dma semaphore(%arg7 : memref<!tpu.dma_semaphore, #tpu.memory_space<semaphore_mem>>) src(%dma_wait3A_145 : memref<102400000xf32, #tpu.memory_space<hbm>>) dst(%dma_wait3A_142 : memref<1536xf32, #tpu.memory_space<vmem>>)
    %multiple_of3A_146 = arith.constant 3328 : i32
    %multiple_of3A_147 = tpu.assume_multiple %multiple_of3A_146, 8 : i32
    %add3A_148 = arith.addi %multiple_of3A, %multiple_of3A_147 : i32
    %dma_start3A_149 = tpu.memref_slice %arg6[%multiple_of3A_147] : memref<6400xf32, #tpu.memory_space<vmem>> -> memref<1536xf32, #tpu.memory_space<vmem>>
    %dma_start3A_150 = tpu.memref_slice %arg4[%add3A_148] : memref<204800xf32, #tpu.memory_space<hbm>> -> memref<1536xf32, #tpu.memory_space<hbm>>
    %dma_start3A_151 = tpu.memref_slice %arg4[%add3A_148] : memref<204800xf32, #tpu.memory_space<hbm>> -> memref<1536xf32, #tpu.memory_space<hbm>>
    %dma_start3A_152 = tpu.memref_slice %arg6[%multiple_of3A_147] : memref<6400xf32, #tpu.memory_space<vmem>> -> memref<1536xf32, #tpu.memory_space<vmem>>
    tpu.enqueue_dma source(%dma_start3A_152 : memref<1536xf32, #tpu.memory_space<vmem>>) target(%dma_start3A_151 : memref<1536xf32, #tpu.memory_space<hbm>>) target_semaphore(%arg9 : memref<!tpu.dma_semaphore, #tpu.memory_space<semaphore_mem>>)
    %dma_wait3A_153 = tpu.memref_slice %arg6[%multiple_of3A_93] : memref<6400xf32, #tpu.memory_space<vmem>> -> memref<1536xf32, #tpu.memory_space<vmem>>
    %dma_wait3A_154 = tpu.memref_slice %arg5[%multiple_of3A_93] : memref<6400xi32, #tpu.memory_space<vmem>> -> memref<1536xi32, #tpu.memory_space<vmem>>
    %dma_wait3A_155 = arith.constant 0 : i32
    %dma_wait3A_156 = tpu.memref_slice %arg2[%dma_wait3A_155] : memref<102400000xf32, #tpu.memory_space<hbm>> -> memref<102400000xf32, #tpu.memory_space<hbm>>
    tpu.wait_indirect_dma semaphore(%arg7 : memref<!tpu.dma_semaphore, #tpu.memory_space<semaphore_mem>>) src(%dma_wait3A_156 : memref<102400000xf32, #tpu.memory_space<hbm>>) dst(%dma_wait3A_153 : memref<1536xf32, #tpu.memory_space<vmem>>)
    %multiple_of3A_157 = arith.constant 4864 : i32
    %multiple_of3A_158 = tpu.assume_multiple %multiple_of3A_157, 8 : i32
    %add3A_159 = arith.addi %multiple_of3A, %multiple_of3A_158 : i32
    %dma_start3A_160 = tpu.memref_slice %arg6[%multiple_of3A_158] : memref<6400xf32, #tpu.memory_space<vmem>> -> memref<1536xf32, #tpu.memory_space<vmem>>
    %dma_start3A_161 = tpu.memref_slice %arg4[%add3A_159] : memref<204800xf32, #tpu.memory_space<hbm>> -> memref<1536xf32, #tpu.memory_space<hbm>>
    %dma_start3A_162 = tpu.memref_slice %arg4[%add3A_159] : memref<204800xf32, #tpu.memory_space<hbm>> -> memref<1536xf32, #tpu.memory_space<hbm>>
    %dma_start3A_163 = tpu.memref_slice %arg6[%multiple_of3A_158] : memref<6400xf32, #tpu.memory_space<vmem>> -> memref<1536xf32, #tpu.memory_space<vmem>>
    tpu.enqueue_dma source(%dma_start3A_163 : memref<1536xf32, #tpu.memory_space<vmem>>) target(%dma_start3A_162 : memref<1536xf32, #tpu.memory_space<hbm>>) target_semaphore(%arg9 : memref<!tpu.dma_semaphore, #tpu.memory_space<semaphore_mem>>)
    %dma_wait3A_164 = tpu.memref_slice %arg6[%multiple_of3A_103] : memref<6400xf32, #tpu.memory_space<vmem>> -> memref<256xf32, #tpu.memory_space<vmem>>
    %dma_wait3A_165 = tpu.memref_slice %arg4[%add3A_104] : memref<204800xf32, #tpu.memory_space<hbm>> -> memref<256xf32, #tpu.memory_space<hbm>>
    %dma_wait3A_166 = tpu.memref_slice %arg4[%add3A_104] : memref<204800xf32, #tpu.memory_space<hbm>> -> memref<256xf32, #tpu.memory_space<hbm>>
    %dma_wait3A_167 = tpu.memref_slice %arg6[%multiple_of3A_103] : memref<6400xf32, #tpu.memory_space<vmem>> -> memref<256xf32, #tpu.memory_space<vmem>>
    tpu.wait_dma2 semaphore(%arg9 : memref<!tpu.dma_semaphore, #tpu.memory_space<semaphore_mem>>) src(%dma_wait3A_167 : memref<256xf32, #tpu.memory_space<vmem>>) dst(%dma_wait3A_166 : memref<256xf32, #tpu.memory_space<hbm>>)
    %dma_wait3A_168 = tpu.memref_slice %arg6[%multiple_of3A_114] : memref<6400xf32, #tpu.memory_space<vmem>> -> memref<512xf32, #tpu.memory_space<vmem>>
    %dma_wait3A_169 = tpu.memref_slice %arg4[%add3A_115] : memref<204800xf32, #tpu.memory_space<hbm>> -> memref<512xf32, #tpu.memory_space<hbm>>
    %dma_wait3A_170 = tpu.memref_slice %arg4[%add3A_115] : memref<204800xf32, #tpu.memory_space<hbm>> -> memref<512xf32, #tpu.memory_space<hbm>>
    %dma_wait3A_171 = tpu.memref_slice %arg6[%multiple_of3A_114] : memref<6400xf32, #tpu.memory_space<vmem>> -> memref<512xf32, #tpu.memory_space<vmem>>
    tpu.wait_dma2 semaphore(%arg9 : memref<!tpu.dma_semaphore, #tpu.memory_space<semaphore_mem>>) src(%dma_wait3A_171 : memref<512xf32, #tpu.memory_space<vmem>>) dst(%dma_wait3A_170 : memref<512xf32, #tpu.memory_space<hbm>>)
    %dma_wait3A_172 = tpu.memref_slice %arg6[%multiple_of3A_125] : memref<6400xf32, #tpu.memory_space<vmem>> -> memref<1024xf32, #tpu.memory_space<vmem>>
    %dma_wait3A_173 = tpu.memref_slice %arg4[%add3A_126] : memref<204800xf32, #tpu.memory_space<hbm>> -> memref<1024xf32, #tpu.memory_space<hbm>>
    %dma_wait3A_174 = tpu.memref_slice %arg4[%add3A_126] : memref<204800xf32, #tpu.memory_space<hbm>> -> memref<1024xf32, #tpu.memory_space<hbm>>
    %dma_wait3A_175 = tpu.memref_slice %arg6[%multiple_of3A_125] : memref<6400xf32, #tpu.memory_space<vmem>> -> memref<1024xf32, #tpu.memory_space<vmem>>
    tpu.wait_dma2 semaphore(%arg9 : memref<!tpu.dma_semaphore, #tpu.memory_space<semaphore_mem>>) src(%dma_wait3A_175 : memref<1024xf32, #tpu.memory_space<vmem>>) dst(%dma_wait3A_174 : memref<1024xf32, #tpu.memory_space<hbm>>)
    %dma_wait3A_176 = tpu.memref_slice %arg6[%multiple_of3A_136] : memref<6400xf32, #tpu.memory_space<vmem>> -> memref<1536xf32, #tpu.memory_space<vmem>>
    %dma_wait3A_177 = tpu.memref_slice %arg4[%add3A_137] : memref<204800xf32, #tpu.memory_space<hbm>> -> memref<1536xf32, #tpu.memory_space<hbm>>
    %dma_wait3A_178 = tpu.memref_slice %arg4[%add3A_137] : memref<204800xf32, #tpu.memory_space<hbm>> -> memref<1536xf32, #tpu.memory_space<hbm>>
    %dma_wait3A_179 = tpu.memref_slice %arg6[%multiple_of3A_136] : memref<6400xf32, #tpu.memory_space<vmem>> -> memref<1536xf32, #tpu.memory_space<vmem>>
    tpu.wait_dma2 semaphore(%arg9 : memref<!tpu.dma_semaphore, #tpu.memory_space<semaphore_mem>>) src(%dma_wait3A_179 : memref<1536xf32, #tpu.memory_space<vmem>>) dst(%dma_wait3A_178 : memref<1536xf32, #tpu.memory_space<hbm>>)
    %dma_wait3A_180 = tpu.memref_slice %arg6[%multiple_of3A_147] : memref<6400xf32, #tpu.memory_space<vmem>> -> memref<1536xf32, #tpu.memory_space<vmem>>
    %dma_wait3A_181 = tpu.memref_slice %arg4[%add3A_148] : memref<204800xf32, #tpu.memory_space<hbm>> -> memref<1536xf32, #tpu.memory_space<hbm>>
    %dma_wait3A_182 = tpu.memref_slice %arg4[%add3A_148] : memref<204800xf32, #tpu.memory_space<hbm>> -> memref<1536xf32, #tpu.memory_space<hbm>>
    %dma_wait3A_183 = tpu.memref_slice %arg6[%multiple_of3A_147] : memref<6400xf32, #tpu.memory_space<vmem>> -> memref<1536xf32, #tpu.memory_space<vmem>>
    tpu.wait_dma2 semaphore(%arg9 : memref<!tpu.dma_semaphore, #tpu.memory_space<semaphore_mem>>) src(%dma_wait3A_183 : memref<1536xf32, #tpu.memory_space<vmem>>) dst(%dma_wait3A_182 : memref<1536xf32, #tpu.memory_space<hbm>>)
    %dma_wait3A_184 = tpu.memref_slice %arg6[%multiple_of3A_158] : memref<6400xf32, #tpu.memory_space<vmem>> -> memref<1536xf32, #tpu.memory_space<vmem>>
    %dma_wait3A_185 = tpu.memref_slice %arg4[%add3A_159] : memref<204800xf32, #tpu.memory_space<hbm>> -> memref<1536xf32, #tpu.memory_space<hbm>>
    %dma_wait3A_186 = tpu.memref_slice %arg4[%add3A_159] : memref<204800xf32, #tpu.memory_space<hbm>> -> memref<1536xf32, #tpu.memory_space<hbm>>
    %dma_wait3A_187 = tpu.memref_slice %arg6[%multiple_of3A_158] : memref<6400xf32, #tpu.memory_space<vmem>> -> memref<1536xf32, #tpu.memory_space<vmem>>
    tpu.wait_dma2 semaphore(%arg9 : memref<!tpu.dma_semaphore, #tpu.memory_space<semaphore_mem>>) src(%dma_wait3A_187 : memref<1536xf32, #tpu.memory_space<vmem>>) dst(%dma_wait3A_186 : memref<1536xf32, #tpu.memory_space<hbm>>)
    return
  }
}

</mosaic_0001>

<sc_bundles>
// kernel: kernel.3.cloned.1.call-start
scs
__scs_entry_jumppad:
0x0: {  	(pc) =	sbr.rel $0x88, $3  }
0x1: {  	(tag) =	ssettag $0x0;
	lr =	simm.s32 $0x1  }
0x2: {  	[smem:$0x3F9F] =	sst lr;
	_ =	strace $0xD0000000  }
0x3: {  	_ = 	snop  }
0x4: {  	_ = 	snop  }
0x5: {  	_ = 	snop  }
0x6: {  	_ = 	snop  }
0x7: {  	_ = 	snop  }
__scs_overlays_trampoline_lowered:
0x8: {  	[smem:$0x3FAE] =	sst s0  }
0x9: {  	[smem:$0x3FAF] =	sst s1  }
0xa: {  	[smem:$0x3FB0] =	sst s2  }
0xb: {  	[smem:$0x3FB1] =	sst s3  }
0xc: {  	[smem:$0x3FB2] =	sst s4  }
0xd: {  	[smem:$0x3FB3] =	sst s5  }
0xe: {  	[smem:$0x3FB4] =	sst s6  }
0xf: {  	[smem:$0x3FB5] =	sst s7  }
0x10: {  	[smem:$0x3FB6] =	sst s8  }
0x11: {  	[smem:$0x3FB7] =	sst s9;
	s0 =	simm.s32 @!p0 $0x0  }
0x12: {  	s1 =	sld [smem:$0x3F9D];
	s0 =	simm.s32 @p0 $0x1  }
0x13: {  	[smem:$0x3FB8] =	sst s0;
	s0 =	simm.s32 @!p1 $0x0  }
0x14: {  	s2 =	sld [smem:$0x3F9C];
	s0 =	simm.s32 @p1 $0x1  }
0x15: {  	[smem:$0x3FB9] =	sst s0;
	s0 =	simm.s32 @!p2 $0x0  }
0x16: {  	s3 =	sld [smem:$0x3FDB];
	s0 =	simm.s32 @p2 $0x1  }
0x17: {  	s4 =	simm.s32 $0x1BF5;
	[smem:$0x3FBB] =	sst s0  }
0x18: {  	s0 =	sld [smem:$0x3F9E];
	_ =	swait.ge [sflag:s4], $0x0  }
0x19: {  	s7 =	sld [smem:$0x3F9F]  }
0x1a: {  	s8 =	sadd.s32 $0xFFFFE003, lr  }
0x1b: {  	s9 =	sadd.s32 $0xFFFFFEF7, lr;
	s5 =	simm.s32 $0xFFFFFFFF;
	p2 =	slt.u32 s8, $0xFFFFF086  }
0x1c: {  	p1 =	slt.u32 s9, $0xF7A;
	s5 =	simm.s32 @!p2 $0x0  }
0x1d: {  	s5 =	simm.s32 @p1 $0x1;
	p0 =	seq.s32 s7, s2  }
0x1e: {  	s7 =	smul.u32 @!p0 $0xF7A, s2;
	p2 =	seq.s32 @!p0 s5, $0x0  }
0x1f: {  	s9 =	smul.u32 $0xF7A, s1;
	s8 =	simm.s32 @!p0 $0x1BF5;
	p2 =	por !p2, p0  }
0x20: {  	[sflag:s8] =	ssyncset.s32 @!p0 $0xFFFFF086;
	s6 =	sadd.s32 @!p0 s3, s7;
	s7 =	simm.s32 @!p0 $0x108  }
0x21: {  	s3 =	sadd.s32 s3, s9;
	s6 =	sadd.s32 @!p0 $0x88, s6;
	s7 =	simm.s32 @p2 $0x1082  }
0x22: {  	[simem:s7], [sflag:s8] =	dma.local @!p0 [hbm:s6], $0xF7A  }
0x23: {  	s9 =	sor.u32 $0xD0000000, s2;
	s6 =	simm.s32 $0x108;
	_ =	swait.ge @!p0 [sflag:s8], $0x0  }
0x24: {  	s3 =	sadd.s32 $0x88, s3;
	s6 =	simm.s32 @!p1 $0x1082;
	[sflag:s4] =	ssyncset.s32 $0xFFFFF086  }
0x25: {  	[simem:s6], [sflag:s4] =	dma.local [hbm:s3], $0xF7A  }
0x26: {  	[smem:$0x3F9F] =	sst s1;
	(tag) =	ssettag s2;
	_ =	strace s9  }
0x27: {  	s1 =	sld [smem:$0x3FAF]  }
0x28: {  	s2 =	sld [smem:$0x3FB0]  }
0x29: {  	s4 =	sld [smem:$0x3FB2]  }
0x2a: {  	p0 =	seq.s32 s5, $0x0;
	s5 =	sld [smem:$0x3FB3]  }
0x2b: {  	s6 =	sld [smem:$0x3FB4]  }
0x2c: {  	s7 =	sld [smem:$0x3FB5]  }
0x2d: {  	s3 =	simm.s32 $0x108;
	s8 =	sld [smem:$0x3FB6]  }
0x2e: {  	s3 =	simm.s32 @!p0 $0x1082;
	s9 =	sld [smem:$0x3FB7]  }
0x2f: {  	lr =	sadd.s32 s0, s3;
	s0 =	sld [smem:$0x3FAE]  }
0x30: {  	s3 =	sld [smem:$0x3FB1]  }
0x31: {  	[smem:$0x3FBA] =	sst s10  }
0x32: {  	s10 =	sld [smem:$0x3FB8];
	_ =	sdelay $0x3  }
0x33: {  	p0 =	seq.s32 s10, $0x1;
	s10 =	sld [smem:$0x3FBA];
	_ =	sdelay $0x3  }
0x34: {  	[smem:$0x3FBA] =	sst s10  }
0x35: {  	s10 =	sld [smem:$0x3FB9];
	_ =	sdelay $0x3  }
0x36: {  	p1 =	seq.s32 s10, $0x1;
	s10 =	sld [smem:$0x3FBA];
	_ =	sdelay $0x3  }
0x37: {  	[smem:$0x3FBA] =	sst s10  }
0x38: {  	s10 =	sld [smem:$0x3FBB]  }
0x39: {  	_ = 	snop;
	(pc) =	sbr.ind lr, $3  }
0x3a: {  	_ = 	snop  }
0x3b: {  	_ = 	snop  }
0x3c: {  	p2 =	seq.s32 s10, $0x1;
	s10 =	sld [smem:$0x3FBA]  }
0x3d: {  	_ =	shalt  }
0x3e: {  	_ =	shalt  }
0x3f: {  	_ =	shalt  }
0x40: {  	_ =	shalt  }
0x41: {  	_ =	shalt  }
0x42: {  	_ =	shalt  }
0x43: {  	_ =	shalt  }
0x44: {  	_ =	shalt  }
0x45: {  	_ =	shalt  }
0x46: {  	_ =	shalt  }
0x47: {  	_ =	shalt  }
0x48: {  	_ =	shalt  }
0x49: {  	_ =	shalt  }
0x4a: {  	_ =	shalt  }
0x4b: {  	_ =	shalt  }
0x4c: {  	_ =	shalt  }
0x4d: {  	_ =	shalt  }
0x4e: {  	_ =	shalt  }
0x4f: {  	_ =	shalt  }
0x50: {  	_ =	shalt  }
0x51: {  	_ =	shalt  }
0x52: {  	_ =	shalt  }
0x53: {  	_ =	shalt  }
0x54: {  	_ =	shalt  }
0x55: {  	_ =	shalt  }
0x56: {  	_ =	shalt  }
0x57: {  	_ =	shalt  }
0x58: {  	_ =	shalt  }
0x59: {  	_ =	shalt  }
0x5a: {  	_ =	shalt  }
0x5b: {  	_ =	shalt  }
0x5c: {  	_ =	shalt  }
0x5d: {  	_ =	shalt  }
0x5e: {  	_ =	shalt  }
0x5f: {  	_ =	shalt  }
0x60: {  	_ =	shalt  }
0x61: {  	_ =	shalt  }
0x62: {  	_ =	shalt  }
0x63: {  	_ =	shalt  }
0x64: {  	_ =	shalt  }
0x65: {  	_ =	shalt  }
0x66: {  	_ =	shalt  }
0x67: {  	_ =	shalt  }
0x68: {  	_ =	shalt  }
0x69: {  	_ =	shalt  }
0x6a: {  	_ =	shalt  }
0x6b: {  	_ =	shalt  }
0x6c: {  	_ =	shalt  }
0x6d: {  	_ =	shalt  }
0x6e: {  	_ =	shalt  }
0x6f: {  	_ =	shalt  }
0x70: {  	_ =	shalt  }
0x71: {  	_ =	shalt  }
0x72: {  	_ =	shalt  }
0x73: {  	_ =	shalt  }
0x74: {  	_ =	shalt  }
0x75: {  	_ =	shalt  }
0x76: {  	_ =	shalt  }
0x77: {  	_ =	shalt  }
0x78: {  	_ =	shalt  }
0x79: {  	_ =	shalt  }
0x7a: {  	_ =	shalt  }
0x7b: {  	_ =	shalt  }
0x7c: {  	_ =	shalt  }
0x7d: {  	_ =	shalt  }
0x7e: {  	_ =	shalt  }
0x7f: {  	_ =	shalt  }
0x80: {  	_ =	shalt  }
0x81: {  	_ =	shalt  }
0x82: {  	_ =	shalt  }
0x83: {  	_ =	shalt  }
0x84: {  	_ =	shalt  }
0x85: {  	_ =	shalt  }
0x86: {  	_ =	shalt  }
0x87: {  	_ =	shalt  }
.Lfunc_end0:
.L_simem_size_0:
called_computation_lowered:
.L_overlay_start_0:
0x88: {  	s2 =	sld [smem:$0x3FD9]  }
0x89: {  	s3 =	sld [smem:$0x3FFE];
	_ =	sdelay $0x1  }
0x8a: {  	s1 =	srdreg.scid  }
0x8b: {  	s0 =	sand.u32 $0x1, s1  }
0x8c: {  	s18 =	sshll.u32 s0, $0xA;
	s2 =	sadd.s32 s3, s2  }
0x8d: {  	s2 =	sadd.s32 s2, s18  }
0x8e: {  	[smem:$0x3FC6] =	sst s2  }
0x8f: {  	_ = 	snop  }
0x90: {  	s2 =	sld [smem:$0x3FC9]  }
0x91: {  	s19 =	sld [smem:$0x3FC8]  }
0x92: {  	s4 =	sld [smem:$0x3FD0];
	(tm) =	ssettm $0x1  }
0x93: {  	s5 =	sld [smem:$0x3FFB];
	_ =	sdelay $0x3  }
0x94: {  	_ =	strace s5  }
0x95: {  	s5 =	sld [smem:$0x3FFC];
	_ =	sdelay $0x3  }
0x96: {  	_ =	strace s5  }
0x97: {  	s5 =	sld [smem:$0x3FFD];
	_ =	sdelay $0x3  }
0x98: {  	_ =	strace s5  }
0x99: {  	_ =	strace $0x8FFFFFFF  }
0x9a: {  	s20 =	sld [smem:$0x3FDB];
	_ =	sdelay $0x1  }
0x9b: {  	s6 =	simm.s32 $_scs_section_size  }
0x9c: {  	s7 =	simm.s32 $_size__tile_overlayer_lowered;
	s8 =	simm.s32 $_tile_overlayer_lowered  }
0x9d: {  	s23 =	simm.s32 $0x1BFF;
	s22 =	sshll.u32 s8, $0x1;
	s5 =	sadd.s32 s6, s20  }
0x9e: {  	s9 =	simm.s32 $0x0;
	s21 =	sshll.u32 s7, $0x1;
	s7 =	sadd.s32 s22, s5  }
0x9f: {  	[timem:s9], [sflag:s23] =	dma.local [hbm:s7], s21  }
0xa0: {  	_ =	swait.ge [sflag:s23], s21  }
0xa1: {  	s6 =	ssub.s32 $0x0, s21;
	[sflag:s23] =	ssyncset.done $0x0  }
0xa2: {  	[sflag:s23] =	ssyncadd.s32 s6;
	_ =	sdelay $0x1  }
0xa3: {  	s24 =	simm.s32 $0x1B8B  }
0xa4: {  	_ =	swait.ge [sflag:s24], $0x1  }
0xa5: {  	[sflag:s24] =	ssyncset.done $0x0  }
0xa6: {  	s25 =	simm.s32 $0x1B8E;
	[sflag:s24] =	ssyncadd.s32 $0xFFFFFFFF  }
0xa7: {  	s26 =	simm.s32 $execute0_lowered;
	[smem:$0x3FD2] =	sst s25  }
0xa8: {  	s6 =	sshll.u32 s26, $0x1;
	_ =	strace $0x80000046;
	[dreg:$0x1] =	wrdreg $0xFFFFFFFF  }
0xa9: {  	s28 =	simm.s32 $_size_execute0_lowered;
	s5 =	sadd.s32 s5, s6;
	[dreg:$0x0] =	wrdreg $0x0  }
0xaa: {  	s6 =	sshll.u32 s28, $0x1;
	[dreg:$0x2] =	wrdreg s5  }
0xab: {  	[dreg:$0x3] =	wrdreg s6  }
0xac: {  	[dreg:$0x4] =	wrdreg $0xC0  }
0xad: {  	_ =	task [dreg:s9], $0x5FFFF  }
0xae: {  	[dreg:$0x1] =	wrdreg $0xFFFFFFFF  }
0xaf: {  	[dreg:$0x0] =	wrdreg $0x60  }
0xb0: {  	[dreg:$0x2] =	wrdreg s2  }
0xb1: {  	[dreg:$0x3] =	wrdreg s19  }
0xb2: {  	[dreg:$0x4] =	wrdreg s4  }
0xb3: {  	[dreg:$0x5] =	wrdreg $0x9  }
0xb4: {  	_ =	task.clear_ibuf [dreg:s9], $0x6FFFF;
	_ =	strace $0x90000046  }
0xb5: {  	s29 =	simm.s32 $0x9;
	_ =	strace $0x80000048  }
0xb6: {  	_ =	swait.ge [sflag:s29], $0x1  }
0xb7: {  	[sflag:s29] =	ssyncadd.s32 $0xFFFFFFFF  }
0xb8: {  	_ =	strace $0x90000048  }
0xb9: {  	_ =	sfence  }
0xba: {  	s30 =	sld [smem:$0x0];
	_ =	sdelay $0x2  }
0xbb: {  	s31 =	sshll.u32 s1, $0xD;
	s1 =	sshrl.u32 s1, $0x2  }
0xbc: {  	s3 =	sand.u32 $0x4000, s31;
	s1 =	sadd.s32 s1, s30  }
0xbd: {  	s0 =	sor.u32 s3, s0;
	s1 =	sshll.u32 s1, $0x11  }
0xbe: {  	s0 =	sor.u32 s1, s0  }
0xbf: {  	s0 =	sadd.s32 $0x8F2B, s0  }
0xc0: {  	[sflag:s0] =	ssyncadd.remote.s32 $0x1  }
0xc1: {  	_ =	sfence.sel $0xFFFF  }
0xc2: {  	[dreg:$0x0] =	wrdreg $0xFFFFFFFF;
	(pc) =	sbr.abs _section_cstart, $3  }
0xc3: {  	[dreg:$0x1] =	wrdreg $0xFFFFFFFF  }
0xc4: {  	_ =	task.clear_ibuf [dreg:s9], $0x2FFFF;
	_ =	strace $0x9FFFFFFF  }
0xc5: {  	(tm) =	ssettm $0x7FFFFFFF  }
tec
execute0_lowered:
.L_overlay_start_1:
0x0: {  	(tag) =	ssettag $0x1  }
0x1: {  	s1 =	rddreg [dreg:$0x0]  }
0x2: {  	s0 =	rddreg [dreg:$0x1];
	s2 =	srdreg.scid  }
0x3: {  	s8 =	stileid.u32;
	s9 =	rddreg [dreg:$0x2];
	s15 =	simm.s32 $0x2  }
0x4: {  	s17 =	simm.s32 $0x1900;
	s19 =	simm.s32 $0x1A00;
	s22 =	simm.s32 $0x1C00  }
0x5: {  	s23 =	simm.s32 $0x600;
	s24 =	simm.s32 $0x2000;
	s29 =	simm.s32 $0x2C00  }
0x6: {  	s30 =	simm.s32 $0x1;
	s2 =	sand.u32 $0x1, s2;
	s3 =	sshll.u32 s8, $0x1  }
0x7: {  	s31 =	simm.s32 $0x3;
	s13 =	smul.u32 $0x3200, s8;
	s4 =	sor.u32 s2, s3  }
0x8: {  	s3 =	simm.s32 $0x0;
	s5 =	ssub.s32 $0x2, s2;
	s2 =	smul.u32 $0x1900, s2  }
0x9: {  	s6 =	smul.u32 $0x1900, s4;
	[smem:$0x7FF] =	sst s3;
	s25 =	sshrl.u32 s5, $0x1  }
0xa: {  	_ =	strace $0x80000047;
	s12 =	ssub.s32 s5, s25;
	s13 =	sadd.s32 s2, s13  }
0xb: {  	s2 =	simm.s32 $0x0;
	s7 =	sshrl.u32 s6, $0x3;
	s14 =	sand.u32 $0x1C00, s6  }
0xc: {  	s12 =	smax.u32 s12, $0x1;
	s4 =	sadd.s32 s0, s7;
	s10 =	sadd.s32 $0xE0, s7  }
0xd: {  	s26 =	sor.u32 $0x10, s14;
	s16 =	sor.u32 $0x20, s14;
	s18 =	sor.u32 $0x30, s14  }
0xe: {  	v0 =	vlaneseq.u32;
	s20 =	sor.u32 $0x40, s14;
	s21 =	sor.u32 $0x50, s14;
	s25 =	sor.u32 $0x60, s14  }
0xf: {  	s6 =	sadd.s32 s9, s7;
	s28 =	sor.u32 $0x70, s14;
	v1 =	vor.u32 s14, v0;
	s5 =	sadd.s32 s0, s10;
	v2 =	vor.u32 s26, v0  }
0x10: {  	s7 =	sadd.s32 $0x20, s6;
	s8 =	sadd.s32 $0x60, s6;
	s9 =	sadd.s32 s9, s10;
	v3 =	vor.u32 s16, v0;
	v4 =	vor.u32 s18, v0;
	v5 =	vor.u32 s20, v0  }
0x11: {  	s10 =	sadd.s32 $0x1A0, s6;
	s11 =	sadd.s32 $0x260, s6;
	s26 =	simm.s32 $0x2600;
	v6 =	vor.u32 s21, v0;
	v7 =	vor.u32 s25, v0;
	v8 =	vor.u32 s28, v0  }
.LBB2_1:
0x12: {  	[tilespmem:s3], [sflag:$0x2] =	stream.linear.gather [hbm4b:s4+s3], $0x700, $0x38;
	[tilespmem:$0x3200] =	vst v63  }
0x13: {  	s0 =	simm.s32 $0x700  }
0x14: {  	[tilespmem:s0], [sflag:$0x2] =	stream.linear.gather [hbm4b:s5+s3], $0x1200, $0x38;
	[tilespmem:$0x3200] =	vst v63  }
0x15: {  	_ =	swait.ge [sflag:s15], $0x700  }
0x16: {  	[sflag:s15] =	ssyncset.done $0x0  }
0x17: {  	[sflag:s15] =	ssyncadd.s32 $0xFFFFF900  }
0x18: {  	v9 =	vld [tilespmem:$0x0]  }
0x19: {  	v10 =	vld [tilespmem:$0x10]  }
0x1a: {  	v13 =	vld [tilespmem:$0x30]  }
0x1b: {  	v15 =	vld [tilespmem:$0x50]  }
0x1c: {  	v17 =	vld [tilespmem:$0x70];
	_ =	sdelay $0x2  }
0x1d: {  	v11 =	vld [tilespmem:$0x20];
	v12 =	vshll.u32 v9, $0xA;
	v9 =	vshll.u32 v9, $0x7;
	v14 =	vshll.u32 v10, $0xA  }
0x1e: {  	v19 =	vld [tilespmem:$0x90];
	v10 =	vshll.u32 v10, $0x7;
	v16 =	vshll.u32 v13, $0xA;
	v13 =	vshll.u32 v13, $0x7  }
0x1f: {  	v18 =	vshll.u32 v15, $0xA;
	v15 =	vshll.u32 v15, $0x7;
	v20 =	vshll.u32 v17, $0xA  }
0x20: {  	v17 =	vshll.u32 v17, $0x7;
	v12 =	vand.u32 $0xFFFFE000, v12;
	v9 =	vand.u32 $0x380, v9  }
0x21: {  	v10 =	vand.u32 $0x380, v10;
	v9 =	vor.u32 v12, v9;
	v12 =	vand.u32 $0xFFFFE000, v14;
	v14 =	vld [tilespmem:$0x40]  }
0x22: {  	v10 =	vor.u32 v12, v10;
	v12 =	vshll.u32 v11, $0xA;
	v11 =	vshll.u32 v11, $0x7  }
0x23: {  	v22 =	vshll.u32 v19, $0xA;
	v12 =	vand.u32 $0xFFFFE000, v12;
	v11 =	vand.u32 $0x380, v11  }
0x24: {  	v19 =	vshll.u32 v19, $0x7;
	v11 =	vor.u32 v12, v11;
	v12 =	vand.u32 $0xFFFFE000, v16;
	v16 =	vld [tilespmem:$0x60]  }
0x25: {  	v13 =	vand.u32 $0x380, v13;
	v15 =	vand.u32 $0x380, v15;
	v17 =	vand.u32 $0x380, v17  }
0x26: {  	v12 =	vor.u32 v12, v13;
	v13 =	vshll.u32 v14, $0xA;
	v14 =	vshll.u32 v14, $0x7  }
0x27: {  	v9 =	vor.u32 v1, v9;
	v13 =	vand.u32 $0xFFFFE000, v13;
	v14 =	vand.u32 $0x380, v14  }
0x28: {  	v10 =	vor.u32 v2, v10;
	v13 =	vor.u32 v13, v14;
	v14 =	vand.u32 $0xFFFFE000, v18;
	v18 =	vld [tilespmem:$0x80]  }
0x29: {  	v14 =	vor.u32 v14, v15;
	v15 =	vshll.u32 v16, $0xA;
	v16 =	vshll.u32 v16, $0x7  }
0x2a: {  	v11 =	vor.u32 v3, v11;
	v15 =	vand.u32 $0xFFFFE000, v15;
	v16 =	vand.u32 $0x380, v16  }
0x2b: {  	v12 =	vor.u32 v4, v12;
	v15 =	vor.u32 v15, v16;
	v16 =	vand.u32 $0xFFFFE000, v20;
	v20 =	vld [tilespmem:$0xA0]  }
0x2c: {  	v13 =	vor.u32 v5, v13;
	v14 =	vor.u32 v6, v14;
	v15 =	vor.u32 v7, v15  }
0x2d: {  	v21 =	vld [tilespmem:$0xB0];
	v16 =	vor.u32 v16, v17;
	v17 =	vshll.u32 v18, $0xA;
	v18 =	vshll.u32 v18, $0x7  }
0x2e: {  	v16 =	vor.u32 v8, v16;
	v17 =	vand.u32 $0xFFFFE000, v17;
	v18 =	vand.u32 $0x380, v18  }
0x2f: {  	[tilespmem:$0x0] =	vst v9;
	v9 =	vor.u32 v17, v18;
	v17 =	vand.u32 $0xFFFFE000, v22;
	v18 =	vand.u32 $0x380, v19;
	v19 =	vld [tilespmem:$0xC0]  }
0x30: {  	[tilespmem:$0x10] =	vst v10;
	v9 =	vor.u32 v1, v9;
	v10 =	vor.u32 v17, v18;
	v17 =	vshll.u32 v20, $0xA  }
0x31: {  	[tilespmem:$0x20] =	vst v11;
	v18 =	vld [tilespmem:$0xD0];
	v10 =	vor.u32 v2, v10;
	v11 =	vand.u32 $0xFFFFE000, v17;
	v17 =	vshll.u32 v20, $0x7  }
0x32: {  	[tilespmem:$0x30] =	vst v12;
	v20 =	vshll.u32 v21, $0x7;
	v12 =	vand.u32 $0x380, v17;
	v17 =	vshll.u32 v21, $0xA  }
0x33: {  	[tilespmem:$0x40] =	vst v13;
	v13 =	vand.u32 $0x380, v20;
	v11 =	vor.u32 v11, v12;
	v12 =	vand.u32 $0xFFFFE000, v17;
	v17 =	vld [tilespmem:$0xE0]  }
0x34: {  	[tilespmem:$0x60] =	vst v15;
	v15 =	vld [tilespmem:$0xF0];
	v11 =	vor.u32 v3, v11;
	v12 =	vor.u32 v12, v13;
	v13 =	vshll.u32 v19, $0xA  }
0x35: {  	[tilespmem:$0x50] =	vst v14;
	v14 =	vshll.u32 v19, $0x7;
	v12 =	vor.u32 v4, v12;
	v13 =	vand.u32 $0xFFFFE000, v13  }
0x36: {  	[tilespmem:$0x70] =	vst v16;
	v14 =	vand.u32 $0x380, v14;
	v16 =	vshll.u32 v18, $0xA;
	v18 =	vshll.u32 v18, $0x7  }
0x37: {  	[tilespmem:$0x80] =	vst v9;
	v9 =	vor.u32 v13, v14;
	v13 =	vand.u32 $0xFFFFE000, v16;
	v14 =	vand.u32 $0x380, v18  }
0x38: {  	[tilespmem:$0x90] =	vst v10;
	v9 =	vor.u32 v5, v9;
	v10 =	vor.u32 v13, v14;
	v13 =	vshll.u32 v17, $0xA  }
0x39: {  	[tilespmem:$0xA0] =	vst v11;
	v14 =	vshll.u32 v15, $0x7;
	v11 =	vand.u32 $0xFFFFE000, v13;
	v13 =	vshll.u32 v17, $0x7  }
0x3a: {  	[tilespmem:$0xB0] =	vst v12;
	v10 =	vor.u32 v6, v10;
	v12 =	vand.u32 $0x380, v13;
	v13 =	vshll.u32 v15, $0xA  }
0x3b: {  	[tilespmem:$0xC0] =	vst v9;
	v9 =	vor.u32 v11, v12;
	v11 =	vand.u32 $0xFFFFE000, v13;
	v12 =	vand.u32 $0x380, v14  }
0x3c: {  	[tilespmem:$0xD0] =	vst v10;
	v9 =	vor.u32 v7, v9;
	v10 =	vor.u32 v11, v12  }
0x3d: {  	[tilespmem:$0xE0] =	vst v9;
	v9 =	vor.u32 v8, v10  }
0x3e: {  	s16 =	simm.s32 $0x100;
	s0 =	simm.s32 $0x170;
	[tilespmem:$0xF0] =	vst v9  }
0x3f: {  	[tilespmem:s17], [sflag:$0x1] =	stream.indirect.gather [hbm4b:s1+s16], $0x1, s3, s16, $0xb8;
	[tilespmem:$0x3200] =	vst v63  }
0x40: {  	v9 =	vld [tilespmem:s0+$0xFFFFFF90]  }
0x41: {  	v10 =	vld [tilespmem:s0+$0xFFFFFFF0]  }
0x42: {  	v11 =	vld [tilespmem:s0+$0xFFFFFFA0];
	_ =	sdelay $0x1  }
0x43: {  	v13 =	vld [tilespmem:s0+$0xFFFFFFB0]  }
0x44: {  	s20 =	sadd.s32 $0x0, s13  }
0x45: {  	s14 =	sadd.s32 $0x100, s20;
	v12 =	vshll.u32 v9, $0x7;
	v9 =	vshll.u32 v9, $0xA  }
0x46: {  	s14 =	sand.u32 $0x1C00, s14;
	v16 =	vld [tilespmem:s0+$0xFFFFFFC0];
	v14 =	vshll.u32 v10, $0x7;
	v15 =	vshll.u32 v11, $0x7;
	v12 =	vand.u32 $0x380, v12  }
0x47: {  	s18 =	sadd.s32 $0x110, s20;
	v11 =	vshll.u32 v11, $0xA;
	v9 =	vand.u32 $0xFFFFE000, v9;
	v12 =	vor.u32 s14, v12  }
0x48: {  	v17 =	vshll.u32 v13, $0x7;
	s14 =	sand.u32 $0x1C10, s18;
	v9 =	vor.u32 v9, v12;
	v12 =	vand.u32 $0x380, v15;
	v15 =	vld [tilespmem:s0+$0xFFFFFFD0]  }
0x49: {  	s21 =	sadd.s32 $0x120, s20;
	v11 =	vand.u32 $0xFFFFE000, v11;
	v12 =	vor.u32 s14, v12;
	v9 =	vor.u32 v0, v9  }
0x4a: {  	v18 =	vld [tilespmem:s0+$0xFFFFFFE0];
	s14 =	sand.u32 $0x1C20, s21;
	v11 =	vor.u32 v11, v12;
	v12 =	vshll.u32 v13, $0xA;
	v13 =	vand.u32 $0x380, v17  }
0x4b: {  	v19 =	vld [tilespmem:s0+$0x0];
	v17 =	vshll.u32 v16, $0x7;
	v12 =	vand.u32 $0xFFFFE000, v12;
	v13 =	vor.u32 s14, v13  }
0x4c: {  	s25 =	sadd.s32 $0x130, s20;
	v11 =	vor.u32 v0, v11;
	v12 =	vor.u32 v12, v13;
	v13 =	vshll.u32 v16, $0xA  }
0x4d: {  	s14 =	sand.u32 $0x1C30, s25;
	v16 =	vand.u32 $0x380, v17;
	v13 =	vand.u32 $0xFFFFE000, v13;
	v17 =	vshll.u32 v15, $0x7  }
0x4e: {  	s16 =	sadd.s32 $0x140, s20;
	s18 =	simm.s32 $0x1F0;
	[tilespmem:s0+$0xFFFFFF90] =	vst v9;
	v16 =	vor.u32 s14, v16;
	v15 =	vshll.u32 v15, $0xA;
	v12 =	vor.u32 v0, v12  }
0x4f: {  	s16 =	sand.u32 $0x1C40, s16;
	v17 =	vand.u32 $0x380, v17;
	v13 =	vor.u32 v13, v16;
	v9 =	vand.u32 $0xFFFFE000, v15;
	v16 =	vld [tilespmem:s18+$0xFFFFFF90];
	[tilespmem:s0+$0xFFFFFFA0] =	vst v11  }
0x50: {  	v11 =	vshll.u32 v18, $0xA;
	[tilespmem:s0+$0xFFFFFFB0] =	vst v12;
	v12 =	vshll.u32 v19, $0x7;
	v15 =	vor.u32 s16, v17  }
0x51: {  	s21 =	sadd.s32 $0x150, s20;
	s25 =	sadd.s32 $0x170, s20;
	v13 =	vor.u32 v0, v13;
	v9 =	vor.u32 v9, v15;
	v15 =	vshll.u32 v18, $0x7  }
0x52: {  	s14 =	sand.u32 $0x1C50, s21;
	v17 =	vld [tilespmem:s18+$0xFFFFFFF0];
	v11 =	vand.u32 $0xFFFFE000, v11;
	v12 =	vand.u32 $0x380, v12;
	s16 =	sand.u32 $0x1C70, s25;
	v15 =	vand.u32 $0x380, v15  }
0x53: {  	[tilespmem:s0+$0xFFFFFFC0] =	vst v13;
	v13 =	vshll.u32 v19, $0xA;
	v12 =	vor.u32 s16, v12;
	v15 =	vor.u32 s14, v15  }
0x54: {  	s20 =	sadd.s32 $0x160, s20;
	v9 =	vor.u32 v0, v9;
	v13 =	vand.u32 $0xFFFFE000, v13;
	v11 =	vor.u32 v11, v15  }
0x55: {  	v14 =	vand.u32 $0x380, v14;
	s14 =	sand.u32 $0x1C60, s20;
	v12 =	vor.u32 v13, v12;
	v15 =	vld [tilespmem:s18+$0xFFFFFFA0];
	[tilespmem:s0+$0xFFFFFFD0] =	vst v9;
	v9 =	vor.u32 v0, v11  }
0x56: {  	v10 =	vshll.u32 v10, $0xA;
	s20 =	sadd.s32 $0x80, s13;
	v12 =	vor.u32 v0, v12;
	v11 =	vor.u32 s14, v14;
	[tilespmem:s0+$0xFFFFFFE0] =	vst v9  }
0x57: {  	s21 =	sadd.s32 $0x100, s20;
	v14 =	vshll.u32 v17, $0x7;
	v9 =	vand.u32 $0xFFFFE000, v10;
	v10 =	vshll.u32 v16, $0x7;
	v13 =	vld [tilespmem:s18+$0xFFFFFFB0]  }
0x58: {  	s14 =	sand.u32 $0x1C00, s21;
	v9 =	vor.u32 v9, v11;
	v11 =	vshll.u32 v16, $0xA;
	v10 =	vand.u32 $0x380, v10  }
0x59: {  	v11 =	vand.u32 $0xFFFFE000, v11;
	v16 =	vor.u32 s14, v10;
	v10 =	vand.u32 $0x380, v14  }
0x5a: {  	s25 =	sadd.s32 $0x110, s20;
	[tilespmem:s0+$0x0] =	vst v12;
	v12 =	vor.u32 v11, v16;
	v14 =	vshll.u32 v15, $0x7;
	v16 =	vld [tilespmem:s18+$0xFFFFFFC0];
	v11 =	vshll.u32 v17, $0xA  }
0x5b: {  	s14 =	sand.u32 $0x1C10, s25;
	v17 =	vshll.u32 v15, $0xA;
	v15 =	vld [tilespmem:s18+$0xFFFFFFD0];
	v12 =	vor.u32 v0, v12;
	v14 =	vand.u32 $0x380, v14  }
0x5c: {  	s16 =	sadd.s32 $0x120, s20;
	v17 =	vand.u32 $0xFFFFE000, v17;
	v14 =	vor.u32 s14, v14;
	v18 =	vshll.u32 v13, $0x7  }
0x5d: {  	s14 =	sand.u32 $0x1C20, s16;
	v14 =	vor.u32 v17, v14;
	v17 =	vshll.u32 v13, $0xA;
	v18 =	vand.u32 $0x380, v18  }
0x5e: {  	s21 =	sadd.s32 $0x160, s20;
	v13 =	vor.u32 v0, v14;
	v14 =	vand.u32 $0xFFFFE000, v17;
	v17 =	vor.u32 s14, v18  }
0x5f: {  	s28 =	simm.s32 $0x1F0;
	s21 =	sand.u32 $0x1C60, s21;
	s25 =	sadd.s32 $0x130, s20;
	v19 =	vshll.u32 v16, $0x7;
	v17 =	vor.u32 v14, v17;
	v14 =	vshll.u32 v16, $0xA;
	v16 =	vld [tilespmem:s18+$0xFFFFFFE0]  }
0x60: {  	s16 =	sand.u32 $0x1C30, s25;
	s25 =	simm.s32 $0x100;
	s14 =	sadd.s32 $0x140, s20;
	v20 =	vshll.u32 v15, $0x7;
	v19 =	vand.u32 $0x380, v19;
	v18 =	vand.u32 $0xFFFFE000, v14;
	v14 =	vld [tilespmem:s18+$0x0]  }
.LBB2_2:
0x61: {  	p0 =	sne.s32 s25, $0x180;
	v19 =	vor.u32 s16, v19;
	v15 =	vshll.u32 v15, $0xA;
	v20 =	vand.u32 $0x380, v20;
	s14 =	sand.u32 $0x1C40, s14  }
0x62: {  	v18 =	vor.u32 v18, v19;
	v15 =	vand.u32 $0xFFFFE000, v15;
	v19 =	vor.u32 s14, v20  }
0x63: {  	v17 =	vor.u32 v0, v17;
	v18 =	vor.u32 v0, v18;
	v15 =	vor.u32 v15, v19  }
0x64: {  	s28 =	sadd.s32 $0x80, s28;
	s14 =	sadd.s32 $0x150, s20;
	[tilespmem:s18+$0xFFFFFF90] =	vst v12;
	v12 =	vor.u32 v0, v15;
	v15 =	vshll.u32 v16, $0xA;
	v16 =	vshll.u32 v16, $0x7  }
0x65: {  	s16 =	sadd.s32 $0x170, s20;
	s14 =	sand.u32 $0x1C50, s14;
	v19 =	vld [tilespmem:s28+$0xFFFFFF90];
	[tilespmem:s18+$0xFFFFFFA0] =	vst v13;
	v13 =	vand.u32 $0xFFFFE000, v15;
	v15 =	vand.u32 $0x380, v16;
	v16 =	vshll.u32 v14, $0x7  }
0x66: {  	v14 =	vshll.u32 v14, $0xA;
	v20 =	vld [tilespmem:s28+$0xFFFFFFF0];
	[tilespmem:s18+$0xFFFFFFB0] =	vst v17;
	v15 =	vor.u32 s14, v15;
	v16 =	vand.u32 $0x380, v16;
	s14 =	sand.u32 $0x1C70, s16  }
0x67: {  	v14 =	vand.u32 $0xFFFFE000, v14;
	[tilespmem:s18+$0xFFFFFFC0] =	vst v18;
	v13 =	vor.u32 v13, v15;
	v15 =	vor.u32 s14, v16  }
0x68: {  	v10 =	vor.u32 s21, v10;
	v16 =	vld [tilespmem:s28+$0xFFFFFFA0];
	[tilespmem:s18+$0xFFFFFFD0] =	vst v12;
	v12 =	vor.u32 v0, v13;
	v13 =	vor.u32 v14, v15  }
0x69: {  	v11 =	vand.u32 $0xFFFFE000, v11;
	s20 =	sadd.s32 s25, s13;
	[tilespmem:s18+$0xFFFFFFE0] =	vst v12;
	v12 =	vor.u32 v0, v13;
	v13 =	vor.u32 v0, v9  }
0x6a: {  	s16 =	sadd.s32 $0x160, s20;
	s14 =	sadd.s32 $0x100, s20;
	v9 =	vor.u32 v11, v10;
	v14 =	vshll.u32 v19, $0x7;
	v17 =	vld [tilespmem:s28+$0xFFFFFFB0];
	[tilespmem:s18+$0x0] =	vst v12  }
0x6b: {  	s21 =	sand.u32 $0x1C60, s16;
	s14 =	sand.u32 $0x1C00, s14;
	v10 =	vshll.u32 v19, $0xA;
	v11 =	vand.u32 $0x380, v14;
	v12 =	vshll.u32 v20, $0x7;
	[tilespmem:s0+$0xFFFFFFF0] =	vst v13;
	s0 =	smov.u32 s18  }
0x6c: {  	v13 =	vand.u32 $0xFFFFE000, v10;
	s18 =	smov.u32 s28;
	v11 =	vor.u32 s14, v11;
	v10 =	vand.u32 $0x380, v12  }
0x6d: {  	s14 =	sadd.s32 $0x110, s20;
	v12 =	vor.u32 v13, v11;
	v13 =	vshll.u32 v16, $0x7;
	v14 =	vld [tilespmem:s28+$0xFFFFFFC0];
	v11 =	vshll.u32 v20, $0xA  }
0x6e: {  	v16 =	vshll.u32 v16, $0xA;
	s14 =	sand.u32 $0x1C10, s14;
	v12 =	vor.u32 v0, v12;
	v13 =	vand.u32 $0x380, v13;
	v15 =	vld [tilespmem:s28+$0xFFFFFFD0]  }
.Ltmp0:
0x6f: {  	v16 =	vand.u32 $0xFFFFE000, v16;
	v13 =	vor.u32 s14, v13;
	s14 =	sadd.s32 $0x120, s20;
	v18 =	vshll.u32 v17, $0x7;
	(pc) =	sbr.rel @p0 .LBB2_2-.Ltmp0, $4  }
0x70: {  	v13 =	vor.u32 v16, v13;
	v16 =	vshll.u32 v17, $0xA;
	v17 =	vand.u32 $0x380, v18;
	s14 =	sand.u32 $0x1C20, s14  }
0x71: {  	v13 =	vor.u32 v0, v13;
	v16 =	vand.u32 $0xFFFFE000, v16;
	v17 =	vor.u32 s14, v17  }
0x72: {  	s14 =	sadd.s32 $0x130, s20;
	v17 =	vor.u32 v16, v17;
	v18 =	vshll.u32 v14, $0xA;
	v14 =	vshll.u32 v14, $0x7;
	v16 =	vld [tilespmem:s28+$0xFFFFFFE0]  }
0x73: {  	s25 =	sadd.s32 $0x80, s25;
	s16 =	sand.u32 $0x1C30, s14;
	s14 =	sadd.s32 $0x140, s20;
	v18 =	vand.u32 $0xFFFFE000, v18;
	v19 =	vand.u32 $0x380, v14;
	v20 =	vshll.u32 v15, $0x7;
	v14 =	vld [tilespmem:s28+$0x0]  }
0x74: {  	v19 =	vor.u32 s16, v19;
	v15 =	vshll.u32 v15, $0xA;
	v20 =	vand.u32 $0x380, v20;
	s14 =	sand.u32 $0x1C40, s14  }
0x75: {  	v18 =	vor.u32 v18, v19;
	v15 =	vand.u32 $0xFFFFE000, v15;
	v19 =	vor.u32 s14, v20  }
0x76: {  	v17 =	vor.u32 v0, v17;
	v18 =	vor.u32 v0, v18;
	v15 =	vor.u32 v15, v19  }
0x77: {  	[tilespmem:s18+$0xFFFFFF90] =	vst v12;
	s16 =	sadd.s32 $0x150, s20;
	v12 =	vor.u32 v0, v15;
	v15 =	vshll.u32 v16, $0xA;
	v16 =	vshll.u32 v16, $0x7  }
0x78: {  	[tilespmem:s18+$0xFFFFFFA0] =	vst v13;
	s25 =	sadd.s32 $0x170, s20;
	s14 =	sand.u32 $0x1C50, s16;
	v13 =	vand.u32 $0xFFFFE000, v15;
	v15 =	vand.u32 $0x380, v16;
	v16 =	vshll.u32 v14, $0x7  }
0x79: {  	[tilespmem:s18+$0xFFFFFFB0] =	vst v17;
	s16 =	sand.u32 $0x1C70, s25;
	v14 =	vshll.u32 v14, $0xA;
	v15 =	vor.u32 s14, v15;
	v16 =	vand.u32 $0x380, v16  }
0x7a: {  	[tilespmem:s18+$0xFFFFFFC0] =	vst v18;
	v14 =	vand.u32 $0xFFFFE000, v14;
	v13 =	vor.u32 v13, v15;
	v15 =	vor.u32 s16, v16  }
0x7b: {  	[tilespmem:s18+$0xFFFFFFD0] =	vst v12;
	v12 =	vor.u32 v0, v13;
	v13 =	vor.u32 v14, v15  }
0x7c: {  	v10 =	vor.u32 s21, v10;
	v11 =	vand.u32 $0xFFFFE000, v11;
	[tilespmem:s18+$0xFFFFFFE0] =	vst v12;
	v12 =	vor.u32 v0, v13  }
0x7d: {  	v9 =	vor.u32 v0, v9;
	v10 =	vor.u32 v11, v10;
	[tilespmem:s18+$0x0] =	vst v12  }
0x7e: {  	[tilespmem:s0+$0xFFFFFFF0] =	vst v9;
	v9 =	vor.u32 v0, v10  }
0x7f: {  	s20 =	simm.s32 $0x100;
	s21 =	simm.s32 $0x200;
	s0 =	simm.s32 $0x370;
	[tilespmem:s18+$0xFFFFFFF0] =	vst v9  }
0x80: {  	[tilespmem:s19], [sflag:$0x1] =	stream.indirect.gather [hbm4b:s1+s21], $0x1, s20, s21, $0xb8;
	[tilespmem:$0x3200] =	vst v63  }
0x81: {  	v9 =	vld [tilespmem:s0+$0xFFFFFF90]  }
0x82: {  	v10 =	vld [tilespmem:s0+$0xFFFFFFF0]  }
0x83: {  	v11 =	vld [tilespmem:s0+$0xFFFFFFA0];
	_ =	sdelay $0x1  }
0x84: {  	v13 =	vld [tilespmem:s0+$0xFFFFFFB0]  }
0x85: {  	s20 =	sadd.s32 $0x0, s13  }
0x86: {  	s25 =	sadd.s32 $0x300, s20;
	v12 =	vshll.u32 v9, $0x7;
	v9 =	vshll.u32 v9, $0xA  }
0x87: {  	v16 =	vld [tilespmem:s0+$0xFFFFFFC0];
	s14 =	sand.u32 $0x1C00, s25;
	v14 =	vshll.u32 v10, $0x7;
	v15 =	vshll.u32 v11, $0x7;
	v12 =	vand.u32 $0x380, v12  }
0x88: {  	s16 =	sadd.s32 $0x310, s20;
	v11 =	vshll.u32 v11, $0xA;
	v9 =	vand.u32 $0xFFFFE000, v9;
	v12 =	vor.u32 s14, v12  }
0x89: {  	v17 =	vshll.u32 v13, $0x7;
	s14 =	sand.u32 $0x1C10, s16;
	v9 =	vor.u32 v9, v12;
	v12 =	vand.u32 $0x380, v15;
	v15 =	vld [tilespmem:s0+$0xFFFFFFD0]  }
0x8a: {  	s18 =	sadd.s32 $0x320, s20;
	v11 =	vand.u32 $0xFFFFE000, v11;
	v12 =	vor.u32 s14, v12;
	v9 =	vor.u32 v0, v9  }
0x8b: {  	v18 =	vld [tilespmem:s0+$0xFFFFFFE0];
	s14 =	sand.u32 $0x1C20, s18;
	v11 =	vor.u32 v11, v12;
	v12 =	vshll.u32 v13, $0xA;
	v13 =	vand.u32 $0x380, v17  }
0x8c: {  	v19 =	vld [tilespmem:s0+$0x0];
	v17 =	vshll.u32 v16, $0x7;
	v12 =	vand.u32 $0xFFFFE000, v12;
	v13 =	vor.u32 s14, v13  }
0x8d: {  	s21 =	sadd.s32 $0x330, s20;
	v11 =	vor.u32 v0, v11;
	v12 =	vor.u32 v12, v13;
	v13 =	vshll.u32 v16, $0xA  }
0x8e: {  	s14 =	sand.u32 $0x1C30, s21;
	v16 =	vand.u32 $0x380, v17;
	v13 =	vand.u32 $0xFFFFE000, v13;
	v17 =	vshll.u32 v15, $0x7  }
0x8f: {  	s25 =	sadd.s32 $0x340, s20;
	s18 =	simm.s32 $0x3F0;
	[tilespmem:s0+$0xFFFFFF90] =	vst v9;
	v16 =	vor.u32 s14, v16;
	v15 =	vshll.u32 v15, $0xA;
	v12 =	vor.u32 v0, v12  }
0x90: {  	s16 =	sand.u32 $0x1C40, s25;
	v17 =	vand.u32 $0x380, v17;
	v13 =	vor.u32 v13, v16;
	v9 =	vand.u32 $0xFFFFE000, v15;
	v16 =	vld [tilespmem:s18+$0xFFFFFF90];
	[tilespmem:s0+$0xFFFFFFA0] =	vst v11  }
0x91: {  	v11 =	vshll.u32 v18, $0xA;
	[tilespmem:s0+$0xFFFFFFB0] =	vst v12;
	v12 =	vshll.u32 v19, $0x7;
	v15 =	vor.u32 s16, v17  }
0x92: {  	s25 =	sadd.s32 $0x370, s20;
	s21 =	sadd.s32 $0x350, s20;
	v13 =	vor.u32 v0, v13;
	v9 =	vor.u32 v9, v15;
	v15 =	vshll.u32 v18, $0x7  }
0x93: {  	s14 =	sand.u32 $0x1C50, s21;
	v17 =	vld [tilespmem:s18+$0xFFFFFFF0];
	v11 =	vand.u32 $0xFFFFE000, v11;
	v12 =	vand.u32 $0x380, v12;
	s16 =	sand.u32 $0x1C70, s25;
	v15 =	vand.u32 $0x380, v15  }
0x94: {  	[tilespmem:s0+$0xFFFFFFC0] =	vst v13;
	v13 =	vshll.u32 v19, $0xA;
	v12 =	vor.u32 s16, v12;
	v15 =	vor.u32 s14, v15  }
0x95: {  	s20 =	sadd.s32 $0x360, s20;
	v9 =	vor.u32 v0, v9;
	v13 =	vand.u32 $0xFFFFE000, v13;
	v11 =	vor.u32 v11, v15  }
0x96: {  	v14 =	vand.u32 $0x380, v14;
	s14 =	sand.u32 $0x1C60, s20;
	v12 =	vor.u32 v13, v12;
	v15 =	vld [tilespmem:s18+$0xFFFFFFA0];
	[tilespmem:s0+$0xFFFFFFD0] =	vst v9;
	v9 =	vor.u32 v0, v11  }
0x97: {  	v10 =	vshll.u32 v10, $0xA;
	s20 =	sadd.s32 $0x80, s13;
	v12 =	vor.u32 v0, v12;
	v11 =	vor.u32 s14, v14;
	[tilespmem:s0+$0xFFFFFFE0] =	vst v9  }
0x98: {  	s21 =	sadd.s32 $0x300, s20;
	v14 =	vshll.u32 v17, $0x7;
	v9 =	vand.u32 $0xFFFFE000, v10;
	v10 =	vshll.u32 v16, $0x7;
	v13 =	vld [tilespmem:s18+$0xFFFFFFB0]  }
0x99: {  	s14 =	sand.u32 $0x1C00, s21;
	v9 =	vor.u32 v9, v11;
	v11 =	vshll.u32 v16, $0xA;
	v10 =	vand.u32 $0x380, v10  }
0x9a: {  	v11 =	vand.u32 $0xFFFFE000, v11;
	v16 =	vor.u32 s14, v10;
	v10 =	vand.u32 $0x380, v14  }
0x9b: {  	s25 =	sadd.s32 $0x310, s20;
	[tilespmem:s0+$0x0] =	vst v12;
	v12 =	vor.u32 v11, v16;
	v14 =	vshll.u32 v15, $0x7;
	v16 =	vld [tilespmem:s18+$0xFFFFFFC0];
	v11 =	vshll.u32 v17, $0xA  }
0x9c: {  	s14 =	sand.u32 $0x1C10, s25;
	v17 =	vshll.u32 v15, $0xA;
	v15 =	vld [tilespmem:s18+$0xFFFFFFD0];
	v12 =	vor.u32 v0, v12;
	v14 =	vand.u32 $0x380, v14  }
0x9d: {  	s16 =	sadd.s32 $0x320, s20;
	v17 =	vand.u32 $0xFFFFE000, v17;
	v14 =	vor.u32 s14, v14;
	v18 =	vshll.u32 v13, $0x7  }
0x9e: {  	s14 =	sand.u32 $0x1C20, s16;
	v14 =	vor.u32 v17, v14;
	v17 =	vshll.u32 v13, $0xA;
	v18 =	vand.u32 $0x380, v18  }
0x9f: {  	s21 =	sadd.s32 $0x360, s20;
	v13 =	vor.u32 v0, v14;
	v14 =	vand.u32 $0xFFFFE000, v17;
	v17 =	vor.u32 s14, v18  }
0xa0: {  	s28 =	simm.s32 $0x3F0;
	s21 =	sand.u32 $0x1C60, s21;
	s25 =	sadd.s32 $0x330, s20;
	v19 =	vshll.u32 v16, $0x7;
	v17 =	vor.u32 v14, v17;
	v14 =	vshll.u32 v16, $0xA;
	v16 =	vld [tilespmem:s18+$0xFFFFFFE0]  }
0xa1: {  	s16 =	sand.u32 $0x1C30, s25;
	s25 =	simm.s32 $0x100;
	s14 =	sadd.s32 $0x340, s20;
	v20 =	vshll.u32 v15, $0x7;
	v19 =	vand.u32 $0x380, v19;
	v18 =	vand.u32 $0xFFFFE000, v14;
	v14 =	vld [tilespmem:s18+$0x0]  }
.LBB2_4:
0xa2: {  	p0 =	sne.s32 s25, $0x380;
	v19 =	vor.u32 s16, v19;
	v15 =	vshll.u32 v15, $0xA;
	v20 =	vand.u32 $0x380, v20;
	s14 =	sand.u32 $0x1C40, s14  }
0xa3: {  	v18 =	vor.u32 v18, v19;
	v15 =	vand.u32 $0xFFFFE000, v15;
	v19 =	vor.u32 s14, v20  }
0xa4: {  	v17 =	vor.u32 v0, v17;
	v18 =	vor.u32 v0, v18;
	v15 =	vor.u32 v15, v19  }
0xa5: {  	s28 =	sadd.s32 $0x80, s28;
	s14 =	sadd.s32 $0x350, s20;
	[tilespmem:s18+$0xFFFFFF90] =	vst v12;
	v12 =	vor.u32 v0, v15;
	v15 =	vshll.u32 v16, $0xA;
	v16 =	vshll.u32 v16, $0x7  }
0xa6: {  	s16 =	sadd.s32 $0x370, s20;
	s14 =	sand.u32 $0x1C50, s14;
	v19 =	vld [tilespmem:s28+$0xFFFFFF90];
	[tilespmem:s18+$0xFFFFFFA0] =	vst v13;
	v13 =	vand.u32 $0xFFFFE000, v15;
	v15 =	vand.u32 $0x380, v16;
	v16 =	vshll.u32 v14, $0x7  }
0xa7: {  	v14 =	vshll.u32 v14, $0xA;
	v20 =	vld [tilespmem:s28+$0xFFFFFFF0];
	[tilespmem:s18+$0xFFFFFFB0] =	vst v17;
	v15 =	vor.u32 s14, v15;
	v16 =	vand.u32 $0x380, v16;
	s14 =	sand.u32 $0x1C70, s16  }
0xa8: {  	v14 =	vand.u32 $0xFFFFE000, v14;
	[tilespmem:s18+$0xFFFFFFC0] =	vst v18;
	v13 =	vor.u32 v13, v15;
	v15 =	vor.u32 s14, v16  }
0xa9: {  	v10 =	vor.u32 s21, v10;
	v16 =	vld [tilespmem:s28+$0xFFFFFFA0];
	[tilespmem:s18+$0xFFFFFFD0] =	vst v12;
	v12 =	vor.u32 v0, v13;
	v13 =	vor.u32 v14, v15  }
0xaa: {  	v11 =	vand.u32 $0xFFFFE000, v11;
	s20 =	sadd.s32 s25, s13;
	[tilespmem:s18+$0xFFFFFFE0] =	vst v12;
	v12 =	vor.u32 v0, v13;
	v13 =	vor.u32 v0, v9  }
0xab: {  	s16 =	sadd.s32 $0x360, s20;
	s14 =	sadd.s32 $0x300, s20;
	v9 =	vor.u32 v11, v10;
	v14 =	vshll.u32 v19, $0x7;
	v17 =	vld [tilespmem:s28+$0xFFFFFFB0];
	[tilespmem:s18+$0x0] =	vst v12  }
0xac: {  	s21 =	sand.u32 $0x1C60, s16;
	s14 =	sand.u32 $0x1C00, s14;
	v10 =	vshll.u32 v19, $0xA;
	v11 =	vand.u32 $0x380, v14;
	v12 =	vshll.u32 v20, $0x7;
	[tilespmem:s0+$0xFFFFFFF0] =	vst v13;
	s0 =	smov.u32 s18  }
0xad: {  	v13 =	vand.u32 $0xFFFFE000, v10;
	s18 =	smov.u32 s28;
	v11 =	vor.u32 s14, v11;
	v10 =	vand.u32 $0x380, v12  }
0xae: {  	s14 =	sadd.s32 $0x310, s20;
	v12 =	vor.u32 v13, v11;
	v13 =	vshll.u32 v16, $0x7;
	v14 =	vld [tilespmem:s28+$0xFFFFFFC0];
	v11 =	vshll.u32 v20, $0xA  }
0xaf: {  	v16 =	vshll.u32 v16, $0xA;
	s14 =	sand.u32 $0x1C10, s14;
	v12 =	vor.u32 v0, v12;
	v13 =	vand.u32 $0x380, v13;
	v15 =	vld [tilespmem:s28+$0xFFFFFFD0]  }
.Ltmp1:
0xb0: {  	v16 =	vand.u32 $0xFFFFE000, v16;
	v13 =	vor.u32 s14, v13;
	s14 =	sadd.s32 $0x320, s20;
	v18 =	vshll.u32 v17, $0x7;
	(pc) =	sbr.rel @p0 .LBB2_4-.Ltmp1, $4  }
0xb1: {  	v13 =	vor.u32 v16, v13;
	v16 =	vshll.u32 v17, $0xA;
	v17 =	vand.u32 $0x380, v18;
	s14 =	sand.u32 $0x1C20, s14  }
0xb2: {  	v13 =	vor.u32 v0, v13;
	v16 =	vand.u32 $0xFFFFE000, v16;
	v17 =	vor.u32 s14, v17  }
0xb3: {  	s14 =	sadd.s32 $0x330, s20;
	v17 =	vor.u32 v16, v17;
	v18 =	vshll.u32 v14, $0xA;
	v14 =	vshll.u32 v14, $0x7;
	v16 =	vld [tilespmem:s28+$0xFFFFFFE0]  }
0xb4: {  	s25 =	sadd.s32 $0x80, s25;
	s16 =	sand.u32 $0x1C30, s14;
	s14 =	sadd.s32 $0x340, s20;
	v18 =	vand.u32 $0xFFFFE000, v18;
	v19 =	vand.u32 $0x380, v14;
	v20 =	vshll.u32 v15, $0x7;
	v14 =	vld [tilespmem:s28+$0x0]  }
0xb5: {  	v19 =	vor.u32 s16, v19;
	v15 =	vshll.u32 v15, $0xA;
	v20 =	vand.u32 $0x380, v20;
	s14 =	sand.u32 $0x1C40, s14  }
0xb6: {  	v18 =	vor.u32 v18, v19;
	v15 =	vand.u32 $0xFFFFE000, v15;
	v19 =	vor.u32 s14, v20  }
0xb7: {  	v17 =	vor.u32 v0, v17;
	v18 =	vor.u32 v0, v18;
	v15 =	vor.u32 v15, v19  }
0xb8: {  	[tilespmem:s18+$0xFFFFFF90] =	vst v12;
	s16 =	sadd.s32 $0x350, s20;
	v12 =	vor.u32 v0, v15;
	v15 =	vshll.u32 v16, $0xA;
	v16 =	vshll.u32 v16, $0x7  }
0xb9: {  	[tilespmem:s18+$0xFFFFFFA0] =	vst v13;
	s25 =	sadd.s32 $0x370, s20;
	s14 =	sand.u32 $0x1C50, s16;
	v13 =	vand.u32 $0xFFFFE000, v15;
	v15 =	vand.u32 $0x380, v16;
	v16 =	vshll.u32 v14, $0x7  }
0xba: {  	[tilespmem:s18+$0xFFFFFFB0] =	vst v17;
	s16 =	sand.u32 $0x1C70, s25;
	v14 =	vshll.u32 v14, $0xA;
	v15 =	vor.u32 s14, v15;
	v16 =	vand.u32 $0x380, v16  }
0xbb: {  	[tilespmem:s18+$0xFFFFFFC0] =	vst v18;
	v14 =	vand.u32 $0xFFFFE000, v14;
	v13 =	vor.u32 v13, v15;
	v15 =	vor.u32 s16, v16  }
0xbc: {  	[tilespmem:s18+$0xFFFFFFD0] =	vst v12;
	v12 =	vor.u32 v0, v13;
	v13 =	vor.u32 v14, v15  }
0xbd: {  	v10 =	vor.u32 s21, v10;
	v11 =	vand.u32 $0xFFFFE000, v11;
	[tilespmem:s18+$0xFFFFFFE0] =	vst v12;
	v12 =	vor.u32 v0, v13  }
0xbe: {  	v9 =	vor.u32 v0, v9;
	v10 =	vor.u32 v11, v10;
	[tilespmem:s18+$0x0] =	vst v12  }
0xbf: {  	[tilespmem:s0+$0xFFFFFFF0] =	vst v9;
	v9 =	vor.u32 v0, v10  }
0xc0: {  	s20 =	simm.s32 $0x400;
	s21 =	simm.s32 $0x300;
	[tilespmem:s18+$0xFFFFFFF0] =	vst v9  }
0xc1: {  	[tilespmem:s22], [sflag:$0x1] =	stream.indirect.gather [hbm4b:s1+s20], $0x1, s21, s20, $0xb8;
	[tilespmem:$0x3200] =	vst v63  }
0xc2: {  	_ =	swait.ge [sflag:s15], $0x1200  }
0xc3: {  	[sflag:s15] =	ssyncset.done $0x0  }
0xc4: {  	s0 =	simm.s32 $0x770;
	[sflag:s15] =	ssyncadd.s32 $0xFFFFEE00  }
0xc5: {  	v9 =	vld [tilespmem:s0+$0xFFFFFF90]  }
0xc6: {  	v10 =	vld [tilespmem:s0+$0xFFFFFFF0]  }
0xc7: {  	v11 =	vld [tilespmem:s0+$0xFFFFFFA0];
	_ =	sdelay $0x1  }
0xc8: {  	v13 =	vld [tilespmem:s0+$0xFFFFFFB0]  }
0xc9: {  	s20 =	sadd.s32 $0x0, s13  }
0xca: {  	s25 =	sadd.s32 $0x700, s20;
	v12 =	vshll.u32 v9, $0x7;
	v9 =	vshll.u32 v9, $0xA  }
0xcb: {  	s14 =	sand.u32 $0x1C00, s25;
	v16 =	vld [tilespmem:s0+$0xFFFFFFC0];
	v14 =	vshll.u32 v10, $0x7;
	v15 =	vshll.u32 v11, $0x7;
	v12 =	vand.u32 $0x380, v12  }
0xcc: {  	s16 =	sadd.s32 $0x710, s20;
	v11 =	vshll.u32 v11, $0xA;
	v9 =	vand.u32 $0xFFFFE000, v9;
	v12 =	vor.u32 s14, v12  }
0xcd: {  	v17 =	vshll.u32 v13, $0x7;
	s14 =	sand.u32 $0x1C10, s16;
	v9 =	vor.u32 v9, v12;
	v12 =	vand.u32 $0x380, v15;
	v15 =	vld [tilespmem:s0+$0xFFFFFFD0]  }
0xce: {  	s18 =	sadd.s32 $0x720, s20;
	v11 =	vand.u32 $0xFFFFE000, v11;
	v12 =	vor.u32 s14, v12;
	v9 =	vor.u32 v0, v9  }
0xcf: {  	v18 =	vld [tilespmem:s0+$0xFFFFFFE0];
	s14 =	sand.u32 $0x1C20, s18;
	v11 =	vor.u32 v11, v12;
	v12 =	vshll.u32 v13, $0xA;
	v13 =	vand.u32 $0x380, v17  }
0xd0: {  	v19 =	vld [tilespmem:s0+$0x0];
	v17 =	vshll.u32 v16, $0x7;
	v12 =	vand.u32 $0xFFFFE000, v12;
	v13 =	vor.u32 s14, v13  }
0xd1: {  	s21 =	sadd.s32 $0x730, s20;
	v11 =	vor.u32 v0, v11;
	v12 =	vor.u32 v12, v13;
	v13 =	vshll.u32 v16, $0xA  }
0xd2: {  	s14 =	sand.u32 $0x1C30, s21;
	v16 =	vand.u32 $0x380, v17;
	v13 =	vand.u32 $0xFFFFE000, v13;
	v17 =	vshll.u32 v15, $0x7  }
0xd3: {  	s25 =	sadd.s32 $0x740, s20;
	s18 =	simm.s32 $0x7F0;
	[tilespmem:s0+$0xFFFFFF90] =	vst v9;
	v16 =	vor.u32 s14, v16;
	v15 =	vshll.u32 v15, $0xA;
	v12 =	vor.u32 v0, v12  }
0xd4: {  	s16 =	sand.u32 $0x1C40, s25;
	v17 =	vand.u32 $0x380, v17;
	v13 =	vor.u32 v13, v16;
	v9 =	vand.u32 $0xFFFFE000, v15;
	v16 =	vld [tilespmem:s18+$0xFFFFFF90];
	[tilespmem:s0+$0xFFFFFFA0] =	vst v11  }
0xd5: {  	v11 =	vshll.u32 v18, $0xA;
	[tilespmem:s0+$0xFFFFFFB0] =	vst v12;
	v12 =	vshll.u32 v19, $0x7;
	v15 =	vor.u32 s16, v17  }
0xd6: {  	s25 =	sadd.s32 $0x770, s20;
	s21 =	sadd.s32 $0x750, s20;
	v13 =	vor.u32 v0, v13;
	v9 =	vor.u32 v9, v15;
	v15 =	vshll.u32 v18, $0x7  }
0xd7: {  	s14 =	sand.u32 $0x1C50, s21;
	v17 =	vld [tilespmem:s18+$0xFFFFFFF0];
	v11 =	vand.u32 $0xFFFFE000, v11;
	v12 =	vand.u32 $0x380, v12;
	s16 =	sand.u32 $0x1C70, s25;
	v15 =	vand.u32 $0x380, v15  }
0xd8: {  	[tilespmem:s0+$0xFFFFFFC0] =	vst v13;
	v13 =	vshll.u32 v19, $0xA;
	v12 =	vor.u32 s16, v12;
	v15 =	vor.u32 s14, v15  }
0xd9: {  	s20 =	sadd.s32 $0x760, s20;
	v9 =	vor.u32 v0, v9;
	v13 =	vand.u32 $0xFFFFE000, v13;
	v11 =	vor.u32 v11, v15  }
0xda: {  	v14 =	vand.u32 $0x380, v14;
	s14 =	sand.u32 $0x1C60, s20;
	v12 =	vor.u32 v13, v12;
	v15 =	vld [tilespmem:s18+$0xFFFFFFA0];
	[tilespmem:s0+$0xFFFFFFD0] =	vst v9;
	v9 =	vor.u32 v0, v11  }
0xdb: {  	v10 =	vshll.u32 v10, $0xA;
	s20 =	sadd.s32 $0x80, s13;
	v12 =	vor.u32 v0, v12;
	v11 =	vor.u32 s14, v14;
	[tilespmem:s0+$0xFFFFFFE0] =	vst v9  }
0xdc: {  	s21 =	sadd.s32 $0x700, s20;
	v14 =	vshll.u32 v17, $0x7;
	v9 =	vand.u32 $0xFFFFE000, v10;
	v10 =	vshll.u32 v16, $0x7;
	v13 =	vld [tilespmem:s18+$0xFFFFFFB0]  }
0xdd: {  	s14 =	sand.u32 $0x1C00, s21;
	v9 =	vor.u32 v9, v11;
	v11 =	vshll.u32 v16, $0xA;
	v10 =	vand.u32 $0x380, v10  }
0xde: {  	v11 =	vand.u32 $0xFFFFE000, v11;
	v16 =	vor.u32 s14, v10;
	v10 =	vand.u32 $0x380, v14  }
0xdf: {  	s25 =	sadd.s32 $0x710, s20;
	[tilespmem:s0+$0x0] =	vst v12;
	v12 =	vor.u32 v11, v16;
	v14 =	vshll.u32 v15, $0x7;
	v16 =	vld [tilespmem:s18+$0xFFFFFFC0];
	v11 =	vshll.u32 v17, $0xA  }
0xe0: {  	s14 =	sand.u32 $0x1C10, s25;
	v17 =	vshll.u32 v15, $0xA;
	v15 =	vld [tilespmem:s18+$0xFFFFFFD0];
	v12 =	vor.u32 v0, v12;
	v14 =	vand.u32 $0x380, v14  }
0xe1: {  	s16 =	sadd.s32 $0x720, s20;
	v17 =	vand.u32 $0xFFFFE000, v17;
	v14 =	vor.u32 s14, v14;
	v18 =	vshll.u32 v13, $0x7  }
0xe2: {  	s14 =	sand.u32 $0x1C20, s16;
	v14 =	vor.u32 v17, v14;
	v17 =	vshll.u32 v13, $0xA;
	v18 =	vand.u32 $0x380, v18  }
0xe3: {  	s21 =	sadd.s32 $0x760, s20;
	v13 =	vor.u32 v0, v14;
	v14 =	vand.u32 $0xFFFFE000, v17;
	v17 =	vor.u32 s14, v18  }
0xe4: {  	s28 =	simm.s32 $0x7F0;
	s21 =	sand.u32 $0x1C60, s21;
	s25 =	sadd.s32 $0x730, s20;
	v19 =	vshll.u32 v16, $0x7;
	v17 =	vor.u32 v14, v17;
	v14 =	vshll.u32 v16, $0xA;
	v16 =	vld [tilespmem:s18+$0xFFFFFFE0]  }
0xe5: {  	s16 =	sand.u32 $0x1C30, s25;
	s25 =	simm.s32 $0x100;
	s14 =	sadd.s32 $0x740, s20;
	v20 =	vshll.u32 v15, $0x7;
	v19 =	vand.u32 $0x380, v19;
	v18 =	vand.u32 $0xFFFFE000, v14;
	v14 =	vld [tilespmem:s18+$0x0]  }
.LBB2_6:
0xe6: {  	p0 =	sne.s32 s25, $0x580;
	v19 =	vor.u32 s16, v19;
	v15 =	vshll.u32 v15, $0xA;
	v20 =	vand.u32 $0x380, v20;
	s14 =	sand.u32 $0x1C40, s14  }
0xe7: {  	v18 =	vor.u32 v18, v19;
	v15 =	vand.u32 $0xFFFFE000, v15;
	v19 =	vor.u32 s14, v20  }
0xe8: {  	v17 =	vor.u32 v0, v17;
	v18 =	vor.u32 v0, v18;
	v15 =	vor.u32 v15, v19  }
0xe9: {  	s28 =	sadd.s32 $0x80, s28;
	s14 =	sadd.s32 $0x750, s20;
	[tilespmem:s18+$0xFFFFFF90] =	vst v12;
	v12 =	vor.u32 v0, v15;
	v15 =	vshll.u32 v16, $0xA;
	v16 =	vshll.u32 v16, $0x7  }
0xea: {  	s16 =	sadd.s32 $0x770, s20;
	s14 =	sand.u32 $0x1C50, s14;
	v19 =	vld [tilespmem:s28+$0xFFFFFF90];
	[tilespmem:s18+$0xFFFFFFA0] =	vst v13;
	v13 =	vand.u32 $0xFFFFE000, v15;
	v15 =	vand.u32 $0x380, v16;
	v16 =	vshll.u32 v14, $0x7  }
0xeb: {  	v14 =	vshll.u32 v14, $0xA;
	v20 =	vld [tilespmem:s28+$0xFFFFFFF0];
	[tilespmem:s18+$0xFFFFFFB0] =	vst v17;
	v15 =	vor.u32 s14, v15;
	v16 =	vand.u32 $0x380, v16;
	s14 =	sand.u32 $0x1C70, s16  }
0xec: {  	v14 =	vand.u32 $0xFFFFE000, v14;
	[tilespmem:s18+$0xFFFFFFC0] =	vst v18;
	v13 =	vor.u32 v13, v15;
	v15 =	vor.u32 s14, v16  }
0xed: {  	v10 =	vor.u32 s21, v10;
	v16 =	vld [tilespmem:s28+$0xFFFFFFA0];
	[tilespmem:s18+$0xFFFFFFD0] =	vst v12;
	v12 =	vor.u32 v0, v13;
	v13 =	vor.u32 v14, v15  }
0xee: {  	v11 =	vand.u32 $0xFFFFE000, v11;
	s20 =	sadd.s32 s25, s13;
	[tilespmem:s18+$0xFFFFFFE0] =	vst v12;
	v12 =	vor.u32 v0, v13;
	v13 =	vor.u32 v0, v9  }
0xef: {  	s16 =	sadd.s32 $0x760, s20;
	s14 =	sadd.s32 $0x700, s20;
	v9 =	vor.u32 v11, v10;
	v14 =	vshll.u32 v19, $0x7;
	v17 =	vld [tilespmem:s28+$0xFFFFFFB0];
	[tilespmem:s18+$0x0] =	vst v12  }
0xf0: {  	s21 =	sand.u32 $0x1C60, s16;
	s14 =	sand.u32 $0x1C00, s14;
	v10 =	vshll.u32 v19, $0xA;
	v11 =	vand.u32 $0x380, v14;
	v12 =	vshll.u32 v20, $0x7;
	[tilespmem:s0+$0xFFFFFFF0] =	vst v13;
	s0 =	smov.u32 s18  }
0xf1: {  	v13 =	vand.u32 $0xFFFFE000, v10;
	s18 =	smov.u32 s28;
	v11 =	vor.u32 s14, v11;
	v10 =	vand.u32 $0x380, v12  }
0xf2: {  	s14 =	sadd.s32 $0x710, s20;
	v12 =	vor.u32 v13, v11;
	v13 =	vshll.u32 v16, $0x7;
	v14 =	vld [tilespmem:s28+$0xFFFFFFC0];
	v11 =	vshll.u32 v20, $0xA  }
0xf3: {  	v16 =	vshll.u32 v16, $0xA;
	s14 =	sand.u32 $0x1C10, s14;
	v12 =	vor.u32 v0, v12;
	v13 =	vand.u32 $0x380, v13;
	v15 =	vld [tilespmem:s28+$0xFFFFFFD0]  }
.Ltmp2:
0xf4: {  	v16 =	vand.u32 $0xFFFFE000, v16;
	v13 =	vor.u32 s14, v13;
	s14 =	sadd.s32 $0x720, s20;
	v18 =	vshll.u32 v17, $0x7;
	(pc) =	sbr.rel @p0 .LBB2_6-.Ltmp2, $4  }
0xf5: {  	v13 =	vor.u32 v16, v13;
	v16 =	vshll.u32 v17, $0xA;
	v17 =	vand.u32 $0x380, v18;
	s14 =	sand.u32 $0x1C20, s14  }
0xf6: {  	v13 =	vor.u32 v0, v13;
	v16 =	vand.u32 $0xFFFFE000, v16;
	v17 =	vor.u32 s14, v17  }
0xf7: {  	s14 =	sadd.s32 $0x730, s20;
	v17 =	vor.u32 v16, v17;
	v18 =	vshll.u32 v14, $0xA;
	v14 =	vshll.u32 v14, $0x7;
	v16 =	vld [tilespmem:s28+$0xFFFFFFE0]  }
0xf8: {  	s25 =	sadd.s32 $0x80, s25;
	s16 =	sand.u32 $0x1C30, s14;
	s14 =	sadd.s32 $0x740, s20;
	v18 =	vand.u32 $0xFFFFE000, v18;
	v19 =	vand.u32 $0x380, v14;
	v20 =	vshll.u32 v15, $0x7;
	v14 =	vld [tilespmem:s28+$0x0]  }
0xf9: {  	v19 =	vor.u32 s16, v19;
	v15 =	vshll.u32 v15, $0xA;
	v20 =	vand.u32 $0x380, v20;
	s14 =	sand.u32 $0x1C40, s14  }
0xfa: {  	v18 =	vor.u32 v18, v19;
	v15 =	vand.u32 $0xFFFFE000, v15;
	v19 =	vor.u32 s14, v20  }
0xfb: {  	v17 =	vor.u32 v0, v17;
	v18 =	vor.u32 v0, v18;
	v15 =	vor.u32 v15, v19  }
0xfc: {  	[tilespmem:s18+$0xFFFFFF90] =	vst v12;
	s16 =	sadd.s32 $0x750, s20;
	v12 =	vor.u32 v0, v15;
	v15 =	vshll.u32 v16, $0xA;
	v16 =	vshll.u32 v16, $0x7  }
0xfd: {  	[tilespmem:s18+$0xFFFFFFA0] =	vst v13;
	s25 =	sadd.s32 $0x770, s20;
	s14 =	sand.u32 $0x1C50, s16;
	v13 =	vand.u32 $0xFFFFE000, v15;
	v15 =	vand.u32 $0x380, v16;
	v16 =	vshll.u32 v14, $0x7  }
0xfe: {  	[tilespmem:s18+$0xFFFFFFB0] =	vst v17;
	s20 =	sand.u32 $0x1C70, s25;
	v14 =	vshll.u32 v14, $0xA;
	v15 =	vor.u32 s14, v15;
	v16 =	vand.u32 $0x380, v16  }
0xff: {  	[tilespmem:s18+$0xFFFFFFC0] =	vst v18;
	v14 =	vand.u32 $0xFFFFE000, v14;
	v13 =	vor.u32 v13, v15;
	v15 =	vor.u32 s20, v16  }
0x100: {  	[tilespmem:s18+$0xFFFFFFD0] =	vst v12;
	v12 =	vor.u32 v0, v13;
	v13 =	vor.u32 v14, v15  }
0x101: {  	v10 =	vor.u32 s21, v10;
	v11 =	vand.u32 $0xFFFFE000, v11;
	[tilespmem:s18+$0xFFFFFFE0] =	vst v12;
	v12 =	vor.u32 v0, v13  }
0x102: {  	v9 =	vor.u32 v0, v9;
	v10 =	vor.u32 v11, v10;
	[tilespmem:s18+$0x0] =	vst v12  }
0x103: {  	[tilespmem:s0+$0xFFFFFFF0] =	vst v9;
	v9 =	vor.u32 v0, v10  }
0x104: {  	s21 =	simm.s32 $0x700;
	s0 =	simm.s32 $0xD70;
	[tilespmem:s18+$0xFFFFFFF0] =	vst v9  }
0x105: {  	[tilespmem:s24], [sflag:$0x1] =	stream.indirect.gather [hbm4b:s1+s23], $0x1, s21, s23, $0xb8;
	[tilespmem:$0x3200] =	vst v63  }
0x106: {  	v9 =	vld [tilespmem:s0+$0xFFFFFF90]  }
0x107: {  	v10 =	vld [tilespmem:s0+$0xFFFFFFF0]  }
0x108: {  	v11 =	vld [tilespmem:s0+$0xFFFFFFA0];
	_ =	sdelay $0x1  }
0x109: {  	v13 =	vld [tilespmem:s0+$0xFFFFFFB0]  }
0x10a: {  	s20 =	sadd.s32 $0x0, s13  }
0x10b: {  	s25 =	sadd.s32 $0xD00, s20;
	v12 =	vshll.u32 v9, $0x7;
	v9 =	vshll.u32 v9, $0xA  }
0x10c: {  	s14 =	sand.u32 $0x1C00, s25;
	v16 =	vld [tilespmem:s0+$0xFFFFFFC0];
	v14 =	vshll.u32 v10, $0x7;
	v15 =	vshll.u32 v11, $0x7;
	v12 =	vand.u32 $0x380, v12  }
0x10d: {  	s16 =	sadd.s32 $0xD10, s20;
	v11 =	vshll.u32 v11, $0xA;
	v9 =	vand.u32 $0xFFFFE000, v9;
	v12 =	vor.u32 s14, v12  }
0x10e: {  	v17 =	vshll.u32 v13, $0x7;
	s14 =	sand.u32 $0x1C10, s16;
	v9 =	vor.u32 v9, v12;
	v12 =	vand.u32 $0x380, v15;
	v15 =	vld [tilespmem:s0+$0xFFFFFFD0]  }
0x10f: {  	s18 =	sadd.s32 $0xD20, s20;
	v11 =	vand.u32 $0xFFFFE000, v11;
	v12 =	vor.u32 s14, v12;
	v9 =	vor.u32 v0, v9  }
0x110: {  	v18 =	vld [tilespmem:s0+$0xFFFFFFE0];
	s14 =	sand.u32 $0x1C20, s18;
	v11 =	vor.u32 v11, v12;
	v12 =	vshll.u32 v13, $0xA;
	v13 =	vand.u32 $0x380, v17  }
0x111: {  	v19 =	vld [tilespmem:s0+$0x0];
	v17 =	vshll.u32 v16, $0x7;
	v12 =	vand.u32 $0xFFFFE000, v12;
	v13 =	vor.u32 s14, v13  }
0x112: {  	s21 =	sadd.s32 $0xD30, s20;
	v11 =	vor.u32 v0, v11;
	v12 =	vor.u32 v12, v13;
	v13 =	vshll.u32 v16, $0xA  }
0x113: {  	s14 =	sand.u32 $0x1C30, s21;
	v16 =	vand.u32 $0x380, v17;
	v13 =	vand.u32 $0xFFFFE000, v13;
	v17 =	vshll.u32 v15, $0x7  }
0x114: {  	s25 =	sadd.s32 $0xD40, s20;
	s18 =	simm.s32 $0xDF0;
	[tilespmem:s0+$0xFFFFFF90] =	vst v9;
	v16 =	vor.u32 s14, v16;
	v15 =	vshll.u32 v15, $0xA;
	v12 =	vor.u32 v0, v12  }
0x115: {  	s16 =	sand.u32 $0x1C40, s25;
	v17 =	vand.u32 $0x380, v17;
	v13 =	vor.u32 v13, v16;
	v9 =	vand.u32 $0xFFFFE000, v15;
	v16 =	vld [tilespmem:s18+$0xFFFFFF90];
	[tilespmem:s0+$0xFFFFFFA0] =	vst v11  }
0x116: {  	v11 =	vshll.u32 v18, $0xA;
	[tilespmem:s0+$0xFFFFFFB0] =	vst v12;
	v12 =	vshll.u32 v19, $0x7;
	v15 =	vor.u32 s16, v17  }
0x117: {  	s25 =	sadd.s32 $0xD70, s20;
	s21 =	sadd.s32 $0xD50, s20;
	v13 =	vor.u32 v0, v13;
	v9 =	vor.u32 v9, v15;
	v15 =	vshll.u32 v18, $0x7  }
0x118: {  	s14 =	sand.u32 $0x1C50, s21;
	v17 =	vld [tilespmem:s18+$0xFFFFFFF0];
	v11 =	vand.u32 $0xFFFFE000, v11;
	v12 =	vand.u32 $0x380, v12;
	s16 =	sand.u32 $0x1C70, s25;
	v15 =	vand.u32 $0x380, v15  }
0x119: {  	[tilespmem:s0+$0xFFFFFFC0] =	vst v13;
	v13 =	vshll.u32 v19, $0xA;
	v12 =	vor.u32 s16, v12;
	v15 =	vor.u32 s14, v15  }
0x11a: {  	s20 =	sadd.s32 $0xD60, s20;
	v9 =	vor.u32 v0, v9;
	v13 =	vand.u32 $0xFFFFE000, v13;
	v11 =	vor.u32 v11, v15  }
0x11b: {  	v14 =	vand.u32 $0x380, v14;
	s14 =	sand.u32 $0x1C60, s20;
	v12 =	vor.u32 v13, v12;
	v15 =	vld [tilespmem:s18+$0xFFFFFFA0];
	[tilespmem:s0+$0xFFFFFFD0] =	vst v9;
	v9 =	vor.u32 v0, v11  }
0x11c: {  	v10 =	vshll.u32 v10, $0xA;
	s20 =	sadd.s32 $0x80, s13;
	v12 =	vor.u32 v0, v12;
	v11 =	vor.u32 s14, v14;
	[tilespmem:s0+$0xFFFFFFE0] =	vst v9  }
0x11d: {  	s21 =	sadd.s32 $0xD00, s20;
	v14 =	vshll.u32 v17, $0x7;
	v9 =	vand.u32 $0xFFFFE000, v10;
	v10 =	vshll.u32 v16, $0x7;
	v13 =	vld [tilespmem:s18+$0xFFFFFFB0]  }
0x11e: {  	s14 =	sand.u32 $0x1C00, s21;
	v9 =	vor.u32 v9, v11;
	v11 =	vshll.u32 v16, $0xA;
	v10 =	vand.u32 $0x380, v10  }
0x11f: {  	v11 =	vand.u32 $0xFFFFE000, v11;
	v16 =	vor.u32 s14, v10;
	v10 =	vand.u32 $0x380, v14  }
0x120: {  	s25 =	sadd.s32 $0xD10, s20;
	[tilespmem:s0+$0x0] =	vst v12;
	v12 =	vor.u32 v11, v16;
	v14 =	vshll.u32 v15, $0x7;
	v16 =	vld [tilespmem:s18+$0xFFFFFFC0];
	v11 =	vshll.u32 v17, $0xA  }
0x121: {  	s14 =	sand.u32 $0x1C10, s25;
	v17 =	vshll.u32 v15, $0xA;
	v15 =	vld [tilespmem:s18+$0xFFFFFFD0];
	v12 =	vor.u32 v0, v12;
	v14 =	vand.u32 $0x380, v14  }
0x122: {  	s16 =	sadd.s32 $0xD20, s20;
	v17 =	vand.u32 $0xFFFFE000, v17;
	v14 =	vor.u32 s14, v14;
	v18 =	vshll.u32 v13, $0x7  }
0x123: {  	s14 =	sand.u32 $0x1C20, s16;
	v14 =	vor.u32 v17, v14;
	v17 =	vshll.u32 v13, $0xA;
	v18 =	vand.u32 $0x380, v18  }
0x124: {  	s21 =	sadd.s32 $0xD60, s20;
	v13 =	vor.u32 v0, v14;
	v14 =	vand.u32 $0xFFFFE000, v17;
	v17 =	vor.u32 s14, v18  }
0x125: {  	s28 =	simm.s32 $0xDF0;
	s21 =	sand.u32 $0x1C60, s21;
	s25 =	sadd.s32 $0xD30, s20;
	v19 =	vshll.u32 v16, $0x7;
	v17 =	vor.u32 v14, v17;
	v14 =	vshll.u32 v16, $0xA;
	v16 =	vld [tilespmem:s18+$0xFFFFFFE0]  }
0x126: {  	s16 =	sand.u32 $0x1C30, s25;
	s25 =	simm.s32 $0x100;
	s14 =	sadd.s32 $0xD40, s20;
	v20 =	vshll.u32 v15, $0x7;
	v19 =	vand.u32 $0x380, v19;
	v18 =	vand.u32 $0xFFFFE000, v14;
	v14 =	vld [tilespmem:s18+$0x0]  }
.LBB2_8:
0x127: {  	p0 =	sne.s32 s25, $0x580;
	v19 =	vor.u32 s16, v19;
	v15 =	vshll.u32 v15, $0xA;
	v20 =	vand.u32 $0x380, v20;
	s14 =	sand.u32 $0x1C40, s14  }
0x128: {  	v18 =	vor.u32 v18, v19;
	v15 =	vand.u32 $0xFFFFE000, v15;
	v19 =	vor.u32 s14, v20  }
0x129: {  	v17 =	vor.u32 v0, v17;
	v18 =	vor.u32 v0, v18;
	v15 =	vor.u32 v15, v19  }
0x12a: {  	s28 =	sadd.s32 $0x80, s28;
	s14 =	sadd.s32 $0xD50, s20;
	[tilespmem:s18+$0xFFFFFF90] =	vst v12;
	v12 =	vor.u32 v0, v15;
	v15 =	vshll.u32 v16, $0xA;
	v16 =	vshll.u32 v16, $0x7  }
0x12b: {  	s16 =	sadd.s32 $0xD70, s20;
	s14 =	sand.u32 $0x1C50, s14;
	v19 =	vld [tilespmem:s28+$0xFFFFFF90];
	[tilespmem:s18+$0xFFFFFFA0] =	vst v13;
	v13 =	vand.u32 $0xFFFFE000, v15;
	v15 =	vand.u32 $0x380, v16;
	v16 =	vshll.u32 v14, $0x7  }
0x12c: {  	v14 =	vshll.u32 v14, $0xA;
	v20 =	vld [tilespmem:s28+$0xFFFFFFF0];
	[tilespmem:s18+$0xFFFFFFB0] =	vst v17;
	v15 =	vor.u32 s14, v15;
	v16 =	vand.u32 $0x380, v16;
	s14 =	sand.u32 $0x1C70, s16  }
0x12d: {  	v14 =	vand.u32 $0xFFFFE000, v14;
	[tilespmem:s18+$0xFFFFFFC0] =	vst v18;
	v13 =	vor.u32 v13, v15;
	v15 =	vor.u32 s14, v16  }
0x12e: {  	v10 =	vor.u32 s21, v10;
	v16 =	vld [tilespmem:s28+$0xFFFFFFA0];
	[tilespmem:s18+$0xFFFFFFD0] =	vst v12;
	v12 =	vor.u32 v0, v13;
	v13 =	vor.u32 v14, v15  }
0x12f: {  	v11 =	vand.u32 $0xFFFFE000, v11;
	s20 =	sadd.s32 s25, s13;
	[tilespmem:s18+$0xFFFFFFE0] =	vst v12;
	v12 =	vor.u32 v0, v13;
	v13 =	vor.u32 v0, v9  }
0x130: {  	s16 =	sadd.s32 $0xD60, s20;
	s14 =	sadd.s32 $0xD00, s20;
	v9 =	vor.u32 v11, v10;
	v14 =	vshll.u32 v19, $0x7;
	v17 =	vld [tilespmem:s28+$0xFFFFFFB0];
	[tilespmem:s18+$0x0] =	vst v12  }
0x131: {  	s21 =	sand.u32 $0x1C60, s16;
	s14 =	sand.u32 $0x1C00, s14;
	v10 =	vshll.u32 v19, $0xA;
	v11 =	vand.u32 $0x380, v14;
	v12 =	vshll.u32 v20, $0x7;
	[tilespmem:s0+$0xFFFFFFF0] =	vst v13;
	s0 =	smov.u32 s18  }
0x132: {  	v13 =	vand.u32 $0xFFFFE000, v10;
	s18 =	smov.u32 s28;
	v11 =	vor.u32 s14, v11;
	v10 =	vand.u32 $0x380, v12  }
0x133: {  	s14 =	sadd.s32 $0xD10, s20;
	v12 =	vor.u32 v13, v11;
	v13 =	vshll.u32 v16, $0x7;
	v14 =	vld [tilespmem:s28+$0xFFFFFFC0];
	v11 =	vshll.u32 v20, $0xA  }
0x134: {  	v16 =	vshll.u32 v16, $0xA;
	s14 =	sand.u32 $0x1C10, s14;
	v12 =	vor.u32 v0, v12;
	v13 =	vand.u32 $0x380, v13;
	v15 =	vld [tilespmem:s28+$0xFFFFFFD0]  }
.Ltmp3:
0x135: {  	v16 =	vand.u32 $0xFFFFE000, v16;
	v13 =	vor.u32 s14, v13;
	s14 =	sadd.s32 $0xD20, s20;
	v18 =	vshll.u32 v17, $0x7;
	(pc) =	sbr.rel @p0 .LBB2_8-.Ltmp3, $4  }
0x136: {  	v13 =	vor.u32 v16, v13;
	v16 =	vshll.u32 v17, $0xA;
	v17 =	vand.u32 $0x380, v18;
	s14 =	sand.u32 $0x1C20, s14  }
0x137: {  	v13 =	vor.u32 v0, v13;
	v16 =	vand.u32 $0xFFFFE000, v16;
	v17 =	vor.u32 s14, v17  }
0x138: {  	s14 =	sadd.s32 $0xD30, s20;
	v17 =	vor.u32 v16, v17;
	v18 =	vshll.u32 v14, $0xA;
	v14 =	vshll.u32 v14, $0x7;
	v16 =	vld [tilespmem:s28+$0xFFFFFFE0]  }
0x139: {  	s25 =	sadd.s32 $0x80, s25;
	s16 =	sand.u32 $0x1C30, s14;
	s14 =	sadd.s32 $0xD40, s20;
	v18 =	vand.u32 $0xFFFFE000, v18;
	v19 =	vand.u32 $0x380, v14;
	v20 =	vshll.u32 v15, $0x7;
	v14 =	vld [tilespmem:s28+$0x0]  }
0x13a: {  	v19 =	vor.u32 s16, v19;
	v15 =	vshll.u32 v15, $0xA;
	v20 =	vand.u32 $0x380, v20;
	s14 =	sand.u32 $0x1C40, s14  }
0x13b: {  	v18 =	vor.u32 v18, v19;
	v15 =	vand.u32 $0xFFFFE000, v15;
	v19 =	vor.u32 s14, v20  }
0x13c: {  	v17 =	vor.u32 v0, v17;
	v18 =	vor.u32 v0, v18;
	v15 =	vor.u32 v15, v19  }
0x13d: {  	[tilespmem:s18+$0xFFFFFF90] =	vst v12;
	s16 =	sadd.s32 $0xD50, s20;
	v12 =	vor.u32 v0, v15;
	v15 =	vshll.u32 v16, $0xA;
	v16 =	vshll.u32 v16, $0x7  }
0x13e: {  	[tilespmem:s18+$0xFFFFFFA0] =	vst v13;
	s25 =	sadd.s32 $0xD70, s20;
	s14 =	sand.u32 $0x1C50, s16;
	v13 =	vand.u32 $0xFFFFE000, v15;
	v15 =	vand.u32 $0x380, v16;
	v16 =	vshll.u32 v14, $0x7  }
0x13f: {  	[tilespmem:s18+$0xFFFFFFB0] =	vst v17;
	s20 =	sand.u32 $0x1C70, s25;
	v14 =	vshll.u32 v14, $0xA;
	v15 =	vor.u32 s14, v15;
	v16 =	vand.u32 $0x380, v16  }
0x140: {  	[tilespmem:s18+$0xFFFFFFC0] =	vst v18;
	v14 =	vand.u32 $0xFFFFE000, v14;
	v13 =	vor.u32 v13, v15;
	v15 =	vor.u32 s20, v16  }
0x141: {  	[tilespmem:s18+$0xFFFFFFD0] =	vst v12;
	v12 =	vor.u32 v0, v13;
	v13 =	vor.u32 v14, v15  }
0x142: {  	v10 =	vor.u32 s21, v10;
	v11 =	vand.u32 $0xFFFFE000, v11;
	[tilespmem:s18+$0xFFFFFFE0] =	vst v12;
	v12 =	vor.u32 v0, v13  }
0x143: {  	v9 =	vor.u32 v0, v9;
	v10 =	vor.u32 v11, v10;
	[tilespmem:s18+$0x0] =	vst v12  }
0x144: {  	[tilespmem:s0+$0xFFFFFFF0] =	vst v9;
	v9 =	vor.u32 v0, v10  }
0x145: {  	s21 =	simm.s32 $0xD00;
	s0 =	simm.s32 $0x1370;
	[tilespmem:s18+$0xFFFFFFF0] =	vst v9  }
0x146: {  	[tilespmem:s26], [sflag:$0x1] =	stream.indirect.gather [hbm4b:s1+s23], $0x1, s21, s23, $0xb8;
	[tilespmem:$0x3200] =	vst v63  }
0x147: {  	v9 =	vld [tilespmem:s0+$0xFFFFFF90]  }
0x148: {  	v10 =	vld [tilespmem:s0+$0xFFFFFFF0]  }
0x149: {  	v11 =	vld [tilespmem:s0+$0xFFFFFFA0];
	_ =	sdelay $0x1  }
0x14a: {  	v13 =	vld [tilespmem:s0+$0xFFFFFFB0]  }
0x14b: {  	s20 =	sadd.s32 $0x0, s13  }
0x14c: {  	s25 =	sadd.s32 $0x1300, s20;
	v12 =	vshll.u32 v9, $0x7;
	v9 =	vshll.u32 v9, $0xA  }
0x14d: {  	s14 =	sand.u32 $0x1C00, s25;
	v16 =	vld [tilespmem:s0+$0xFFFFFFC0];
	v14 =	vshll.u32 v10, $0x7;
	v15 =	vshll.u32 v11, $0x7;
	v12 =	vand.u32 $0x380, v12  }
0x14e: {  	s16 =	sadd.s32 $0x1310, s20;
	v11 =	vshll.u32 v11, $0xA;
	v9 =	vand.u32 $0xFFFFE000, v9;
	v12 =	vor.u32 s14, v12  }
0x14f: {  	v17 =	vshll.u32 v13, $0x7;
	s14 =	sand.u32 $0x1C10, s16;
	v9 =	vor.u32 v9, v12;
	v12 =	vand.u32 $0x380, v15;
	v15 =	vld [tilespmem:s0+$0xFFFFFFD0]  }
0x150: {  	s18 =	sadd.s32 $0x1320, s20;
	v11 =	vand.u32 $0xFFFFE000, v11;
	v12 =	vor.u32 s14, v12;
	v9 =	vor.u32 v0, v9  }
0x151: {  	v18 =	vld [tilespmem:s0+$0xFFFFFFE0];
	s14 =	sand.u32 $0x1C20, s18;
	v11 =	vor.u32 v11, v12;
	v12 =	vshll.u32 v13, $0xA;
	v13 =	vand.u32 $0x380, v17  }
0x152: {  	v19 =	vld [tilespmem:s0+$0x0];
	v17 =	vshll.u32 v16, $0x7;
	v12 =	vand.u32 $0xFFFFE000, v12;
	v13 =	vor.u32 s14, v13  }
0x153: {  	s21 =	sadd.s32 $0x1330, s20;
	v11 =	vor.u32 v0, v11;
	v12 =	vor.u32 v12, v13;
	v13 =	vshll.u32 v16, $0xA  }
0x154: {  	s14 =	sand.u32 $0x1C30, s21;
	v16 =	vand.u32 $0x380, v17;
	v13 =	vand.u32 $0xFFFFE000, v13;
	v17 =	vshll.u32 v15, $0x7  }
0x155: {  	s25 =	sadd.s32 $0x1340, s20;
	s18 =	simm.s32 $0x13F0;
	[tilespmem:s0+$0xFFFFFF90] =	vst v9;
	v16 =	vor.u32 s14, v16;
	v15 =	vshll.u32 v15, $0xA;
	v12 =	vor.u32 v0, v12  }
0x156: {  	s16 =	sand.u32 $0x1C40, s25;
	v17 =	vand.u32 $0x380, v17;
	v13 =	vor.u32 v13, v16;
	v9 =	vand.u32 $0xFFFFE000, v15;
	v16 =	vld [tilespmem:s18+$0xFFFFFF90];
	[tilespmem:s0+$0xFFFFFFA0] =	vst v11  }
0x157: {  	v11 =	vshll.u32 v18, $0xA;
	[tilespmem:s0+$0xFFFFFFB0] =	vst v12;
	v12 =	vshll.u32 v19, $0x7;
	v15 =	vor.u32 s16, v17  }
0x158: {  	s25 =	sadd.s32 $0x1370, s20;
	s21 =	sadd.s32 $0x1350, s20;
	v13 =	vor.u32 v0, v13;
	v9 =	vor.u32 v9, v15;
	v15 =	vshll.u32 v18, $0x7  }
0x159: {  	s14 =	sand.u32 $0x1C50, s21;
	v17 =	vld [tilespmem:s18+$0xFFFFFFF0];
	v11 =	vand.u32 $0xFFFFE000, v11;
	v12 =	vand.u32 $0x380, v12;
	s16 =	sand.u32 $0x1C70, s25;
	v15 =	vand.u32 $0x380, v15  }
0x15a: {  	[tilespmem:s0+$0xFFFFFFC0] =	vst v13;
	v13 =	vshll.u32 v19, $0xA;
	v12 =	vor.u32 s16, v12;
	v15 =	vor.u32 s14, v15  }
0x15b: {  	s20 =	sadd.s32 $0x1360, s20;
	v9 =	vor.u32 v0, v9;
	v13 =	vand.u32 $0xFFFFE000, v13;
	v11 =	vor.u32 v11, v15  }
0x15c: {  	v14 =	vand.u32 $0x380, v14;
	s14 =	sand.u32 $0x1C60, s20;
	v12 =	vor.u32 v13, v12;
	v15 =	vld [tilespmem:s18+$0xFFFFFFA0];
	[tilespmem:s0+$0xFFFFFFD0] =	vst v9;
	v9 =	vor.u32 v0, v11  }
0x15d: {  	v10 =	vshll.u32 v10, $0xA;
	s20 =	sadd.s32 $0x80, s13;
	v12 =	vor.u32 v0, v12;
	v11 =	vor.u32 s14, v14;
	[tilespmem:s0+$0xFFFFFFE0] =	vst v9  }
0x15e: {  	s21 =	sadd.s32 $0x1300, s20;
	v14 =	vshll.u32 v17, $0x7;
	v9 =	vand.u32 $0xFFFFE000, v10;
	v10 =	vshll.u32 v16, $0x7;
	v13 =	vld [tilespmem:s18+$0xFFFFFFB0]  }
0x15f: {  	s14 =	sand.u32 $0x1C00, s21;
	v9 =	vor.u32 v9, v11;
	v11 =	vshll.u32 v16, $0xA;
	v10 =	vand.u32 $0x380, v10  }
0x160: {  	v11 =	vand.u32 $0xFFFFE000, v11;
	v16 =	vor.u32 s14, v10;
	v10 =	vand.u32 $0x380, v14  }
0x161: {  	s25 =	sadd.s32 $0x1310, s20;
	[tilespmem:s0+$0x0] =	vst v12;
	v12 =	vor.u32 v11, v16;
	v14 =	vshll.u32 v15, $0x7;
	v16 =	vld [tilespmem:s18+$0xFFFFFFC0];
	v11 =	vshll.u32 v17, $0xA  }
0x162: {  	s14 =	sand.u32 $0x1C10, s25;
	v17 =	vshll.u32 v15, $0xA;
	v15 =	vld [tilespmem:s18+$0xFFFFFFD0];
	v12 =	vor.u32 v0, v12;
	v14 =	vand.u32 $0x380, v14  }
0x163: {  	s16 =	sadd.s32 $0x1320, s20;
	v17 =	vand.u32 $0xFFFFE000, v17;
	v14 =	vor.u32 s14, v14;
	v18 =	vshll.u32 v13, $0x7  }
0x164: {  	s14 =	sand.u32 $0x1C20, s16;
	v14 =	vor.u32 v17, v14;
	v17 =	vshll.u32 v13, $0xA;
	v18 =	vand.u32 $0x380, v18  }
0x165: {  	s21 =	sadd.s32 $0x1360, s20;
	v13 =	vor.u32 v0, v14;
	v14 =	vand.u32 $0xFFFFE000, v17;
	v17 =	vor.u32 s14, v18  }
0x166: {  	s28 =	simm.s32 $0x13F0;
	s21 =	sand.u32 $0x1C60, s21;
	s25 =	sadd.s32 $0x1330, s20;
	v19 =	vshll.u32 v16, $0x7;
	v17 =	vor.u32 v14, v17;
	v14 =	vshll.u32 v16, $0xA;
	v16 =	vld [tilespmem:s18+$0xFFFFFFE0]  }
0x167: {  	s16 =	sand.u32 $0x1C30, s25;
	s25 =	simm.s32 $0x100;
	s14 =	sadd.s32 $0x1340, s20;
	v20 =	vshll.u32 v15, $0x7;
	v19 =	vand.u32 $0x380, v19;
	v18 =	vand.u32 $0xFFFFE000, v14;
	v14 =	vld [tilespmem:s18+$0x0]  }
.LBB2_10:
0x168: {  	p0 =	sne.s32 s25, $0x580;
	v19 =	vor.u32 s16, v19;
	v15 =	vshll.u32 v15, $0xA;
	v20 =	vand.u32 $0x380, v20;
	s14 =	sand.u32 $0x1C40, s14  }
0x169: {  	v18 =	vor.u32 v18, v19;
	v15 =	vand.u32 $0xFFFFE000, v15;
	v19 =	vor.u32 s14, v20  }
0x16a: {  	v17 =	vor.u32 v0, v17;
	v18 =	vor.u32 v0, v18;
	v15 =	vor.u32 v15, v19  }
0x16b: {  	s28 =	sadd.s32 $0x80, s28;
	s14 =	sadd.s32 $0x1350, s20;
	[tilespmem:s18+$0xFFFFFF90] =	vst v12;
	v12 =	vor.u32 v0, v15;
	v15 =	vshll.u32 v16, $0xA;
	v16 =	vshll.u32 v16, $0x7  }
0x16c: {  	s16 =	sadd.s32 $0x1370, s20;
	s14 =	sand.u32 $0x1C50, s14;
	v19 =	vld [tilespmem:s28+$0xFFFFFF90];
	[tilespmem:s18+$0xFFFFFFA0] =	vst v13;
	v13 =	vand.u32 $0xFFFFE000, v15;
	v15 =	vand.u32 $0x380, v16;
	v16 =	vshll.u32 v14, $0x7  }
0x16d: {  	v14 =	vshll.u32 v14, $0xA;
	v20 =	vld [tilespmem:s28+$0xFFFFFFF0];
	[tilespmem:s18+$0xFFFFFFB0] =	vst v17;
	v15 =	vor.u32 s14, v15;
	v16 =	vand.u32 $0x380, v16;
	s14 =	sand.u32 $0x1C70, s16  }
0x16e: {  	v14 =	vand.u32 $0xFFFFE000, v14;
	[tilespmem:s18+$0xFFFFFFC0] =	vst v18;
	v13 =	vor.u32 v13, v15;
	v15 =	vor.u32 s14, v16  }
0x16f: {  	v10 =	vor.u32 s21, v10;
	v16 =	vld [tilespmem:s28+$0xFFFFFFA0];
	[tilespmem:s18+$0xFFFFFFD0] =	vst v12;
	v12 =	vor.u32 v0, v13;
	v13 =	vor.u32 v14, v15  }
0x170: {  	v11 =	vand.u32 $0xFFFFE000, v11;
	s20 =	sadd.s32 s25, s13;
	[tilespmem:s18+$0xFFFFFFE0] =	vst v12;
	v12 =	vor.u32 v0, v13;
	v13 =	vor.u32 v0, v9  }
0x171: {  	s16 =	sadd.s32 $0x1360, s20;
	s14 =	sadd.s32 $0x1300, s20;
	v9 =	vor.u32 v11, v10;
	v14 =	vshll.u32 v19, $0x7;
	v17 =	vld [tilespmem:s28+$0xFFFFFFB0];
	[tilespmem:s18+$0x0] =	vst v12  }
0x172: {  	s21 =	sand.u32 $0x1C60, s16;
	s14 =	sand.u32 $0x1C00, s14;
	v10 =	vshll.u32 v19, $0xA;
	v11 =	vand.u32 $0x380, v14;
	v12 =	vshll.u32 v20, $0x7;
	[tilespmem:s0+$0xFFFFFFF0] =	vst v13;
	s0 =	smov.u32 s18  }
0x173: {  	v13 =	vand.u32 $0xFFFFE000, v10;
	s18 =	smov.u32 s28;
	v11 =	vor.u32 s14, v11;
	v10 =	vand.u32 $0x380, v12  }
0x174: {  	s14 =	sadd.s32 $0x1310, s20;
	v12 =	vor.u32 v13, v11;
	v13 =	vshll.u32 v16, $0x7;
	v14 =	vld [tilespmem:s28+$0xFFFFFFC0];
	v11 =	vshll.u32 v20, $0xA  }
0x175: {  	v16 =	vshll.u32 v16, $0xA;
	s14 =	sand.u32 $0x1C10, s14;
	v12 =	vor.u32 v0, v12;
	v13 =	vand.u32 $0x380, v13;
	v15 =	vld [tilespmem:s28+$0xFFFFFFD0]  }
.Ltmp4:
0x176: {  	v16 =	vand.u32 $0xFFFFE000, v16;
	v13 =	vor.u32 s14, v13;
	s14 =	sadd.s32 $0x1320, s20;
	v18 =	vshll.u32 v17, $0x7;
	(pc) =	sbr.rel @p0 .LBB2_10-.Ltmp4, $4  }
0x177: {  	v13 =	vor.u32 v16, v13;
	v16 =	vshll.u32 v17, $0xA;
	v17 =	vand.u32 $0x380, v18;
	s14 =	sand.u32 $0x1C20, s14  }
0x178: {  	v13 =	vor.u32 v0, v13;
	v16 =	vand.u32 $0xFFFFE000, v16;
	v17 =	vor.u32 s14, v17  }
0x179: {  	s14 =	sadd.s32 $0x1330, s20;
	v17 =	vor.u32 v16, v17;
	v18 =	vshll.u32 v14, $0xA;
	v14 =	vshll.u32 v14, $0x7;
	v16 =	vld [tilespmem:s28+$0xFFFFFFE0]  }
0x17a: {  	s25 =	sadd.s32 $0x80, s25;
	s16 =	sand.u32 $0x1C30, s14;
	s14 =	sadd.s32 $0x1340, s20;
	v18 =	vand.u32 $0xFFFFE000, v18;
	v19 =	vand.u32 $0x380, v14;
	v20 =	vshll.u32 v15, $0x7;
	v14 =	vld [tilespmem:s28+$0x0]  }
0x17b: {  	v19 =	vor.u32 s16, v19;
	v15 =	vshll.u32 v15, $0xA;
	v20 =	vand.u32 $0x380, v20;
	s14 =	sand.u32 $0x1C40, s14  }
0x17c: {  	v18 =	vor.u32 v18, v19;
	v15 =	vand.u32 $0xFFFFE000, v15;
	v52 =	vor.u32 s14, v20  }
0x17d: {  	v17 =	vor.u32 v0, v17;
	v18 =	vor.u32 v0, v18;
	v15 =	vor.u32 v15, v52  }
0x17e: {  	[tilespmem:s18+$0xFFFFFF90] =	vst v12;
	s16 =	sadd.s32 $0x1350, s20;
	v53 =	vor.u32 v0, v15;
	v54 =	vshll.u32 v16, $0xA;
	v55 =	vshll.u32 v16, $0x7  }
0x17f: {  	[tilespmem:s18+$0xFFFFFFA0] =	vst v13;
	s20 =	sadd.s32 $0x1370, s20;
	s14 =	sand.u32 $0x1C50, s16;
	v56 =	vand.u32 $0xFFFFE000, v54;
	v57 =	vand.u32 $0x380, v55;
	v58 =	vshll.u32 v14, $0x7  }
0x180: {  	[tilespmem:s18+$0xFFFFFFB0] =	vst v17;
	s25 =	sand.u32 $0x1C70, s20;
	v59 =	vshll.u32 v14, $0xA;
	v15 =	vor.u32 s14, v57;
	v16 =	vand.u32 $0x380, v58  }
0x181: {  	[tilespmem:s18+$0xFFFFFFC0] =	vst v18;
	v14 =	vand.u32 $0xFFFFE000, v59;
	v13 =	vor.u32 v56, v15;
	v60 =	vor.u32 s25, v16  }
0x182: {  	[tilespmem:s18+$0xFFFFFFD0] =	vst v53;
	v61 =	vor.u32 v0, v13;
	v62 =	vor.u32 v14, v60  }
0x183: {  	v10 =	vor.u32 s21, v10;
	v11 =	vand.u32 $0xFFFFE000, v11;
	[tilespmem:s18+$0xFFFFFFE0] =	vst v61;
	v63 =	vor.u32 v0, v62  }
0x184: {  	v9 =	vor.u32 v0, v9;
	v10 =	vor.u32 v11, v10;
	[tilespmem:s18+$0x0] =	vst v63  }
0x185: {  	[tilespmem:s0+$0xFFFFFFF0] =	vst v9;
	v9 =	vor.u32 v0, v10  }
0x186: {  	s28 =	simm.s32 $0x1300;
	[tilespmem:s18+$0xFFFFFFF0] =	vst v9  }
0x187: {  	[tilespmem:s29], [sflag:$0x1] =	stream.indirect.gather [hbm4b:s1+s23], $0x1, s28, s23, $0xb8;
	[tilespmem:$0x3200] =	vst v63  }
0x188: {  	_ =	swait.ge [sflag:s30], $0x100  }
0x189: {  	[sflag:s30] =	ssyncset.done $0x0  }
0x18a: {  	[sflag:s30] =	ssyncadd.s32 $0xFFFFFF00  }
0x18b: {  	[hbm4b:s6+s3] =	stream.linear.scatter [tilespmem:s17], [sflag:$0x3], $0x100, $0x38;
	[tilespmem:$0x3200] =	vst v63  }
0x18c: {  	_ =	swait.ge [sflag:s30], $0x200  }
0x18d: {  	[sflag:s30] =	ssyncset.done $0x0  }
0x18e: {  	[sflag:s30] =	ssyncadd.s32 $0xFFFFFE00  }
0x18f: {  	[hbm4b:s7+s3] =	stream.linear.scatter [tilespmem:s19], [sflag:$0x3], $0x200, $0x38;
	[tilespmem:$0x3200] =	vst v63  }
0x190: {  	_ =	swait.ge [sflag:s30], $0x400  }
0x191: {  	[sflag:s30] =	ssyncset.done $0x0  }
0x192: {  	[sflag:s30] =	ssyncadd.s32 $0xFFFFFC00  }
0x193: {  	[hbm4b:s8+s3] =	stream.linear.scatter [tilespmem:s22], [sflag:$0x3], $0x400, $0x38;
	[tilespmem:$0x3200] =	vst v63  }
0x194: {  	_ =	swait.ge [sflag:s30], $0x600  }
0x195: {  	[sflag:s30] =	ssyncset.done $0x0  }
0x196: {  	[sflag:s30] =	ssyncadd.s32 $0xFFFFFA00  }
0x197: {  	[hbm4b:s9+s3] =	stream.linear.scatter [tilespmem:s24], [sflag:$0x3], $0x600, $0x38;
	[tilespmem:$0x3200] =	vst v63  }
0x198: {  	_ =	swait.ge [sflag:s30], $0x600  }
0x199: {  	[sflag:s30] =	ssyncset.done $0x0  }
0x19a: {  	[sflag:s30] =	ssyncadd.s32 $0xFFFFFA00  }
0x19b: {  	[hbm4b:s10+s3] =	stream.linear.scatter [tilespmem:s26], [sflag:$0x3], $0x600, $0x38;
	[tilespmem:$0x3200] =	vst v63  }
0x19c: {  	_ =	swait.ge [sflag:s30], $0x600  }
0x19d: {  	[sflag:s30] =	ssyncset.done $0x0  }
0x19e: {  	[sflag:s30] =	ssyncadd.s32 $0xFFFFFA00  }
0x19f: {  	[hbm4b:s11+s3] =	stream.linear.scatter [tilespmem:s29], [sflag:$0x3], $0x600, $0x38;
	[tilespmem:$0x3200] =	vst v63  }
0x1a0: {  	_ =	swait.ge [sflag:s31], $0x100  }
0x1a1: {  	[sflag:s31] =	ssyncset.done $0x0  }
0x1a2: {  	[sflag:s31] =	ssyncadd.s32 $0xFFFFFF00  }
0x1a3: {  	_ =	swait.ge [sflag:s31], $0x200  }
0x1a4: {  	[sflag:s31] =	ssyncset.done $0x0  }
0x1a5: {  	[sflag:s31] =	ssyncadd.s32 $0xFFFFFE00  }
0x1a6: {  	_ =	swait.ge [sflag:s31], $0x400  }
0x1a7: {  	[sflag:s31] =	ssyncset.done $0x0  }
0x1a8: {  	[sflag:s31] =	ssyncadd.s32 $0xFFFFFC00  }
0x1a9: {  	_ =	swait.ge [sflag:s31], $0x600  }
0x1aa: {  	[sflag:s31] =	ssyncset.done $0x0  }
0x1ab: {  	s2 =	sadd.s32 $0x1, s2;
	[sflag:s31] =	ssyncadd.s32 $0xFFFFFA00  }
0x1ac: {  	p0 =	sne.s32 s2, s12;
	_ =	swait.ge [sflag:s31], $0x600  }
.Ltmp5:
0x1ad: {  	[sflag:s31] =	ssyncset.done $0x0;
	(pc) =	sbr.rel @p0 .LBB2_1-.Ltmp5, $4  }
0x1ae: {  	[sflag:s31] =	ssyncadd.s32 $0xFFFFFA00  }
0x1af: {  	_ =	swait.ge [sflag:s31], $0x600  }
0x1b0: {  	[sflag:s31] =	ssyncset.done $0x0  }
0x1b1: {  	[sflag:s31] =	ssyncadd.s32 $0xFFFFFA00  }
0x1b2: {  	_ =	sfence.sel $0x180000  }
0x1b3: {  	[bflag:$0x0] =	sbarrier.arrive $0xFFFF  }
0x1b4: {  	_ =	strace $0x90000047  }
0x1b5: {  	s0 =	stileid.u32;
	[bflag:$0x2] =	sbarrier.arrive $0xFFFF  }
0x1b6: {  	p0 =	sne.s32 s0, $0x0;
	s0 =	rddreg [dreg:$0x3]  }
0x1b7: {  	s0 =	sadd.s32 @!p0 $0x100000, s0  }
0x1b8: {  	[sflag:s0] =	ssyncadd.tile.s32 @!p0 $0x1;
	_ =	shalt  }
.Lfunc_end2:
_tile_overlayer_lowered:
.L_overlay_start_2:
0x1b9: {  	(tag) =	ssettag $0x2  }
0x1ba: {  	s0 =	rddreg [dreg:$0x0];
	s2 =	stileid.u32  }
0x1bb: {  	s1 =	rddreg [dreg:$0x1];
	p0 =	sne.s32 s2, $0x0  }
0x1bc: {  	s3 =	rddreg [dreg:$0x2];
	[bflag:$0x3] =	sbarrier.arrive $0xFFFF;
	s2 =	simm.s32 @!p0 $0x1C04  }
0x1bd: {  	[timem:s3], [sflag:s2] =	dma.local @!p0 [hbm:s0], s1  }
0x1be: {  	s0 =	simm.s32 @!p0 $0x4  }
0x1bf: {  	_ =	swait.ge @!p0 [sflag:s0], s1  }
0x1c0: {  	s1 =	ssub.s32 @!p0 $0x0, s1;
	[sflag:s0] =	ssyncset.done @!p0 $0x0  }
0x1c1: {  	[sflag:s0] =	ssyncadd.s32 @!p0 s1  }
0x1c2: {  	[bflag:$0x3] =	sbarrier.arrive $0xFFFF  }
0x1c3: {  	_ =	shalt  }

</sc_bundles>
